<compile_context>
chip_gen: v7x
topology: tpu7x:2x2x1
jax: 0.10.2.dev20260603
libtpu: 0.0.44.dev20260713+nightly
codegen_flags: <defaults>
</compile_context>

<pallas_src>
import functools

import jax
import jax.numpy as jnp
from jax import lax
from jax.experimental import pallas as pl
from jax.experimental.pallas import tpu as pltpu
from jax.experimental.pallas import tpu_sc as plsc

NC = 2
NS = 16
NW = NC * NS
L = 16

CHUNK = 80
GROUPS = CHUNK // L
NSLOT = 3


def _norms_tc_body(table_ref, out_ref):
  x = table_ref[...]
  out_ref[...] = jnp.sum(x * x, axis=1)


def _node_norms(table):
  n_nodes, _ = table.shape
  return pl.pallas_call(
      _norms_tc_body,
      out_shape=jax.ShapeDtypeStruct((n_nodes,), jnp.float32),
  )(table)


def _tec_body(D, per_w, n_nodes, table_hbm, src_hbm, tgt_hbm, norms_hbm, out_hbm,
              sidx_all, tidx_all, norms_v, rows0, rows1, rows2,
              acc_v, out_v, psem0, psem1, psem2, asem0, asem1, asem2):
  wid = lax.axis_index("s") * NC + lax.axis_index("c")
  n_chunks = per_w // CHUNK
  base = wid * per_w
  nslice = D // L
  rows = (rows0, rows1, rows2)
  psems = (psem0, psem1, psem2)
  asems = (asem0, asem1, asem2)

  pltpu.sync_copy(src_hbm.at[pl.ds(base, per_w)], sidx_all)
  pltpu.sync_copy(tgt_hbm.at[pl.ds(base, per_w)], tidx_all)
  pltpu.sync_copy(norms_hbm, norms_v)

  def sidx_ref(ci):
    off = pl.multiple_of(ci * CHUNK, 8)
    return sidx_all.at[pl.ds(off, CHUNK)]

  def tidx_ref(ci):
    off = pl.multiple_of(ci * CHUNK, 8)
    return tidx_all.at[pl.ds(off, CHUNK)]

  def fire_plain(ci, s):
    pltpu.async_copy(table_hbm.at[sidx_ref(ci)], rows[s], psems[s])

  def wait_plain(ci, s):
    pltpu.make_async_copy(table_hbm.at[sidx_ref(ci)], rows[s], psems[s]).wait()

  def fire_add(ci, s):
    pltpu.async_copy(table_hbm.at[tidx_ref(ci)], rows[s], asems[s], add=True)

  def wait_add(ci, s):
    pltpu.make_async_copy(table_hbm.at[tidx_ref(ci)], rows[s], asems[s]).wait()

  def compute(ci, s):
    r = rows[s]

    def group_body(g, c2):
      eb = g * L
      for j in range(L):
        e = eb + j
        v = r[e, pl.ds(0, L)]
        acc = v * v
        for k in range(1, nslice):
          v = r[e, pl.ds(k * L, L)]
          acc = acc + v * v
        acc_v[pl.ds(j * L, L)] = acc
      lanes = lax.iota(jnp.int32, L) * L
      ss = plsc.load_gather(acc_v, [lanes])
      for i in range(1, L):
        ss = ss + plsc.load_gather(acc_v, [lanes + i])
      eoff = ci * CHUNK + eb
      ns = plsc.load_gather(norms_v, [sidx_all[pl.ds(eoff, L)]])
      nt = plsc.load_gather(norms_v, [tidx_all[pl.ds(eoff, L)]])
      tot = 0.5 * (ss - ns - nt)
      out_v[pl.ds(eoff, L)] = 1.0 / (1.0 + jnp.exp(-tot))
      return c2

    lax.fori_loop(0, GROUPS, group_body, 0)

  fire_plain(0, 0)
  fire_plain(1, 1)
  wait_plain(0, 0)
  fire_add(0, 0)

  def outer(io, carry):
    for b in range(NSLOT):
      ci = io * NSLOT + b

      @pl.when(ci < n_chunks)
      def _():
        @pl.when(ci + 1 < n_chunks)
        def _():
          wait_plain(ci + 1, (b + 1) % NSLOT)
          fire_add(ci + 1, (b + 1) % NSLOT)

        @pl.when(ci + 2 < n_chunks)
        def _():
          fire_plain(ci + 2, (b + 2) % NSLOT)

        wait_add(ci, b)
        compute(ci, b)

    return carry

  lax.fori_loop(0, (n_chunks + NSLOT - 1) // NSLOT, outer, 0)
  pltpu.sync_copy(out_v, out_hbm.at[pl.ds(wid * per_w, per_w)])


def _link_predict(table, src, tgt):
  E = src.shape[0]
  n_nodes, D = table.shape
  assert E % NW == 0
  per_w = E // NW
  assert per_w % CHUNK == 0 and D % L == 0

  norms = _node_norms(table)
  mesh = plsc.VectorSubcoreMesh(core_axis_name="c", subcore_axis_name="s")
  k = pl.kernel(
      functools.partial(_tec_body, D, per_w, n_nodes),
      out_type=jax.ShapeDtypeStruct((E,), jnp.float32),
      mesh=mesh,
      compiler_params=pltpu.CompilerParams(needs_layout_passes=False),
      scratch_types=[
          pltpu.VMEM((per_w,), jnp.int32),
          pltpu.VMEM((per_w,), jnp.int32),
          pltpu.VMEM((n_nodes,), jnp.float32),
          pltpu.VMEM((CHUNK, D), jnp.float32),
          pltpu.VMEM((CHUNK, D), jnp.float32),
          pltpu.VMEM((CHUNK, D), jnp.float32),
          pltpu.VMEM((L * L,), jnp.float32),
          pltpu.VMEM((per_w,), jnp.float32),
          pltpu.SemaphoreType.DMA,
          pltpu.SemaphoreType.DMA,
          pltpu.SemaphoreType.DMA,
          pltpu.SemaphoreType.DMA,
          pltpu.SemaphoreType.DMA,
          pltpu.SemaphoreType.DMA,
      ],
  )
  return k(table, src, tgt, norms)


def kernel(node_embedding_matrix, pos_edge_index, neg_edge_index, batch_train_x_index):
  src = jnp.concatenate([pos_edge_index[0], neg_edge_index[0]]).astype(jnp.int32)
  tgt = jnp.concatenate([pos_edge_index[1], neg_edge_index[1]]).astype(jnp.int32)
  return _link_predict(node_embedding_matrix, src, tgt)

# --- scband reference (transcript-rebuilt; emitter-appended) ---
"""Pipeline reference for scband-downstream-task-6047313953471 (READ-ONLY COPY).

The authoritative reference and input builder live on the scoring server;
editing this copy changes nothing except your own understanding.
"""

import jax, jax.numpy as jnp
import numpy as np

N_NODES = 10000
N_EDGES = 320000
D = 128

def setup_inputs(seed: int = 0) -> dict:
    key = jax.random.key(seed)
    k1, k2, k3 = jax.random.split(key, 3)
    node_embedding_matrix = jax.random.normal(k1, (N_NODES, D), dtype=jnp.float32)
    pos_edge_index = jax.random.randint(k2, (2, N_EDGES), 0, N_NODES, dtype=jnp.int64)
    neg_edge_index = jax.random.randint(k3, (2, N_EDGES), 0, N_NODES, dtype=jnp.int64)
    batch_train_x_index = jax.random.randint(jax.random.fold_in(key, 7), (N_NODES,), 0, N_NODES, dtype=jnp.int64)
    return {
        "node_embedding_matrix": node_embedding_matrix,
        "pos_edge_index": pos_edge_index,
        "neg_edge_index": neg_edge_index,
        "batch_train_x_index": batch_train_x_index,
    }

def reference(node_embedding_matrix, pos_edge_index, neg_edge_index, batch_train_x_index):
    # mode='train': concat pos and (one sampled) neg edge index along last dim
    edge_index = jnp.concatenate([pos_edge_index, neg_edge_index], axis=-1)
    source_node_embedding = jnp.take(node_embedding_matrix, edge_index[0], axis=0)
    target_node_embedding = jnp.take(node_embedding_matrix, edge_index[1], axis=0)
    link_predict = (source_node_embedding * target_node_embedding).sum(axis=-1)
    link_predict = jax.nn.sigmoid(link_predict)
    return link_predict

if __name__ == "__main__":
    import jax
    _d = setup_inputs()
    print(jax.jit(kernel)(*tuple(_d.values())))

</pallas_src>

<mosaic_0001>
#map = affine_map<(d0, d1) -> (0, 0)>
#map1 = affine_map<(d0, d1) -> (0)>
module attributes {stable_mosaic.version = 14 : i64} {
  func.func @_tec_body(%arg0: i32, %arg1: i32, %arg2: memref<10000x128xf32, #tpu.memory_space<hbm>>, %arg3: memref<640000xi32, #tpu.memory_space<hbm>>, %arg4: memref<640000xi32, #tpu.memory_space<hbm>>, %arg5: memref<10000xf32, #tpu.memory_space<hbm>>, %arg6: memref<640000xf32, #tpu.memory_space<hbm>>, %arg7: memref<20000xi32, #tpu.memory_space<vmem>>, %arg8: memref<20000xi32, #tpu.memory_space<vmem>>, %arg9: memref<10000xf32, #tpu.memory_space<vmem>>, %arg10: memref<80x128xf32, #tpu.memory_space<vmem>>, %arg11: memref<80x128xf32, #tpu.memory_space<vmem>>, %arg12: memref<80x128xf32, #tpu.memory_space<vmem>>, %arg13: memref<256xf32, #tpu.memory_space<vmem>>, %arg14: memref<20000xf32, #tpu.memory_space<vmem>>, %arg15: memref<!tpu.dma_semaphore, #tpu.memory_space<semaphore_mem>>, %arg16: memref<!tpu.dma_semaphore, #tpu.memory_space<semaphore_mem>>, %arg17: memref<!tpu.dma_semaphore, #tpu.memory_space<semaphore_mem>>, %arg18: memref<!tpu.dma_semaphore, #tpu.memory_space<semaphore_mem>>, %arg19: memref<!tpu.dma_semaphore, #tpu.memory_space<semaphore_mem>>, %arg20: memref<!tpu.dma_semaphore, #tpu.memory_space<semaphore_mem>>) attributes {dimension_semantics = [#tpu.dimension_semantics<core_parallel>, #tpu.dimension_semantics<subcore_parallel>], iteration_bounds = array<i64: 2, 16>, scalar_prefetch = 0 : i64, scratch_operands = 14 : i64, tpu.core_type = #tpu.core_type<sc_vector_subcore>, window_params = [{transform_indices = #map}, {transform_indices = #map1}, {transform_indices = #map1}, {transform_indices = #map1}, {transform_indices = #map1}]} {
    %mul3A = arith.constant 2 : i32
    %mul3A_0 = arith.muli %arg1, %mul3A : i32
    %add3A = arith.addi %mul3A_0, %arg0 : i32
    %mul3A_1 = arith.constant 20000 : i32
    %mul3A_2 = arith.muli %add3A, %mul3A_1 : i32
    "tpu.region"() ({
      %run_scoped3A = tpu.sem_alloc : memref<!tpu.dma_semaphore, #tpu.memory_space<semaphore_mem>>
      %dma_start3A_31 = tpu.memref_slice %arg3[%mul3A_2] : memref<640000xi32, #tpu.memory_space<hbm>> -> memref<20000xi32, #tpu.memory_space<hbm>>
      %dma_start3A_32 = tpu.memref_slice %arg3[%mul3A_2] : memref<640000xi32, #tpu.memory_space<hbm>> -> memref<20000xi32, #tpu.memory_space<hbm>>
      tpu.enqueue_dma source(%dma_start3A_32 : memref<20000xi32, #tpu.memory_space<hbm>>) target(%arg7 : memref<20000xi32, #tpu.memory_space<vmem>>) target_semaphore(%run_scoped3A : memref<!tpu.dma_semaphore, #tpu.memory_space<semaphore_mem>>)
      %dma_wait3A_33 = tpu.memref_slice %arg3[%mul3A_2] : memref<640000xi32, #tpu.memory_space<hbm>> -> memref<20000xi32, #tpu.memory_space<hbm>>
      %dma_wait3A_34 = tpu.memref_slice %arg3[%mul3A_2] : memref<640000xi32, #tpu.memory_space<hbm>> -> memref<20000xi32, #tpu.memory_space<hbm>>
      tpu.wait_dma2 semaphore(%run_scoped3A : memref<!tpu.dma_semaphore, #tpu.memory_space<semaphore_mem>>) src(%dma_wait3A_34 : memref<20000xi32, #tpu.memory_space<hbm>>) dst(%arg7 : memref<20000xi32, #tpu.memory_space<vmem>>)
      tpu.yield
    }) : () -> ()
    "tpu.region"() ({
      %run_scoped3A = tpu.sem_alloc : memref<!tpu.dma_semaphore, #tpu.memory_space<semaphore_mem>>
      %dma_start3A_31 = tpu.memref_slice %arg4[%mul3A_2] : memref<640000xi32, #tpu.memory_space<hbm>> -> memref<20000xi32, #tpu.memory_space<hbm>>
      %dma_start3A_32 = tpu.memref_slice %arg4[%mul3A_2] : memref<640000xi32, #tpu.memory_space<hbm>> -> memref<20000xi32, #tpu.memory_space<hbm>>
      tpu.enqueue_dma source(%dma_start3A_32 : memref<20000xi32, #tpu.memory_space<hbm>>) target(%arg8 : memref<20000xi32, #tpu.memory_space<vmem>>) target_semaphore(%run_scoped3A : memref<!tpu.dma_semaphore, #tpu.memory_space<semaphore_mem>>)
      %dma_wait3A_33 = tpu.memref_slice %arg4[%mul3A_2] : memref<640000xi32, #tpu.memory_space<hbm>> -> memref<20000xi32, #tpu.memory_space<hbm>>
      %dma_wait3A_34 = tpu.memref_slice %arg4[%mul3A_2] : memref<640000xi32, #tpu.memory_space<hbm>> -> memref<20000xi32, #tpu.memory_space<hbm>>
      tpu.wait_dma2 semaphore(%run_scoped3A : memref<!tpu.dma_semaphore, #tpu.memory_space<semaphore_mem>>) src(%dma_wait3A_34 : memref<20000xi32, #tpu.memory_space<hbm>>) dst(%arg8 : memref<20000xi32, #tpu.memory_space<vmem>>)
      tpu.yield
    }) : () -> ()
    "tpu.region"() ({
      %run_scoped3A = tpu.sem_alloc : memref<!tpu.dma_semaphore, #tpu.memory_space<semaphore_mem>>
      tpu.enqueue_dma source(%arg5 : memref<10000xf32, #tpu.memory_space<hbm>>) target(%arg9 : memref<10000xf32, #tpu.memory_space<vmem>>) target_semaphore(%run_scoped3A : memref<!tpu.dma_semaphore, #tpu.memory_space<semaphore_mem>>)
      tpu.wait_dma2 semaphore(%run_scoped3A : memref<!tpu.dma_semaphore, #tpu.memory_space<semaphore_mem>>) src(%arg5 : memref<10000xf32, #tpu.memory_space<hbm>>) dst(%arg9 : memref<10000xf32, #tpu.memory_space<vmem>>)
      tpu.yield
    }) : () -> ()
    %multiple_of3A = arith.constant 0 : i32
    %multiple_of3A_3 = tpu.assume_multiple %multiple_of3A, 8 : i32
    %dma_start3A = tpu.memref_slice %arg7[%multiple_of3A_3] : memref<20000xi32, #tpu.memory_space<vmem>> -> memref<80xi32, #tpu.memory_space<vmem>>
    %dma_start3A_4 = arith.constant 0 : i32
    %dma_start3A_5 = arith.constant 0 : i32
    %dma_start3A_6 = tpu.memref_slice %arg2[%dma_start3A_4, %dma_start3A_5] : memref<10000x128xf32, #tpu.memory_space<hbm>> -> memref<10000x128xf32, #tpu.memory_space<hbm>>
    tpu.enqueue_indirect_dma source(%dma_start3A_6 : memref<10000x128xf32, #tpu.memory_space<hbm>>) target(%arg10 : memref<80x128xf32, #tpu.memory_space<vmem>>) offsets(%dma_start3A : memref<80xi32, #tpu.memory_space<vmem>>) semaphore(%arg15 : memref<!tpu.dma_semaphore, #tpu.memory_space<semaphore_mem>>)
    %multiple_of3A_7 = arith.constant 80 : i32
    %multiple_of3A_8 = tpu.assume_multiple %multiple_of3A_7, 8 : i32
    %dma_start3A_9 = tpu.memref_slice %arg7[%multiple_of3A_8] : memref<20000xi32, #tpu.memory_space<vmem>> -> memref<80xi32, #tpu.memory_space<vmem>>
    %dma_start3A_10 = arith.constant 0 : i32
    %dma_start3A_11 = arith.constant 0 : i32
    %dma_start3A_12 = tpu.memref_slice %arg2[%dma_start3A_10, %dma_start3A_11] : memref<10000x128xf32, #tpu.memory_space<hbm>> -> memref<10000x128xf32, #tpu.memory_space<hbm>>
    tpu.enqueue_indirect_dma source(%dma_start3A_12 : memref<10000x128xf32, #tpu.memory_space<hbm>>) target(%arg11 : memref<80x128xf32, #tpu.memory_space<vmem>>) offsets(%dma_start3A_9 : memref<80xi32, #tpu.memory_space<vmem>>) semaphore(%arg16 : memref<!tpu.dma_semaphore, #tpu.memory_space<semaphore_mem>>)
    %multiple_of3A_13 = arith.constant 0 : i32
    %multiple_of3A_14 = tpu.assume_multiple %multiple_of3A_13, 8 : i32
    %dma_wait3A = tpu.memref_slice %arg7[%multiple_of3A_14] : memref<20000xi32, #tpu.memory_space<vmem>> -> memref<80xi32, #tpu.memory_space<vmem>>
    %dma_wait3A_15 = arith.constant 0 : i32
    %dma_wait3A_16 = arith.constant 0 : i32
    %dma_wait3A_17 = tpu.memref_slice %arg2[%dma_wait3A_15, %dma_wait3A_16] : memref<10000x128xf32, #tpu.memory_space<hbm>> -> memref<10000x128xf32, #tpu.memory_space<hbm>>
    tpu.wait_indirect_dma semaphore(%arg15 : memref<!tpu.dma_semaphore, #tpu.memory_space<semaphore_mem>>) src(%dma_wait3A_17 : memref<10000x128xf32, #tpu.memory_space<hbm>>) dst(%arg10 : memref<80x128xf32, #tpu.memory_space<vmem>>)
    %multiple_of3A_18 = arith.constant 0 : i32
    %multiple_of3A_19 = tpu.assume_multiple %multiple_of3A_18, 8 : i32
    %dma_start3A_20 = tpu.memref_slice %arg8[%multiple_of3A_19] : memref<20000xi32, #tpu.memory_space<vmem>> -> memref<80xi32, #tpu.memory_space<vmem>>
    %dma_start3A_21 = arith.constant 0 : i32
    %dma_start3A_22 = arith.constant 0 : i32
    %dma_start3A_23 = tpu.memref_slice %arg2[%dma_start3A_21, %dma_start3A_22] : memref<10000x128xf32, #tpu.memory_space<hbm>> -> memref<10000x128xf32, #tpu.memory_space<hbm>>
    tpu.enqueue_indirect_dma source(%dma_start3A_23 : memref<10000x128xf32, #tpu.memory_space<hbm>>) target(%arg10 : memref<80x128xf32, #tpu.memory_space<vmem>>) offsets(%dma_start3A_20 : memref<80xi32, #tpu.memory_space<vmem>>) semaphore(%arg18 : memref<!tpu.dma_semaphore, #tpu.memory_space<semaphore_mem>>) {add = true}
    %scan3A = arith.constant 0 : i32
    %scan3A_24 = arith.constant 0 : i32
    %scan3A_25 = arith.constant 84 : i32
    %scan3A_26 = arith.addi %scan3A_24, %scan3A_25 : i32
    %scan3A_27 = arith.constant 1 : i32
    scf.for %scan3A_31 = %scan3A_24 to %scan3A_26 step %scan3A_27  : i32 {
      %mul3A_32 = arith.constant 3 : i32
      %mul3A_33 = arith.muli %scan3A_31, %mul3A_32 : i32
      %add3A_34 = arith.constant 0 : i32
      %add3A_35 = arith.addi %mul3A_33, %add3A_34 : i32
      %lt3A = arith.constant 250 : i32
      %lt3A_36 = arith.cmpi slt, %add3A_35, %lt3A : i32
      %convert_element_type3A = arith.extui %lt3A_36 : i1 to i32
      %cond3A = arith.constant 0 : i32
      %cond3A_37 = arith.cmpi ne, %convert_element_type3A, %cond3A : i32
      scf.if %cond3A_37 {
        %add3A_56 = arith.constant 1 : i32
        %add3A_57 = arith.addi %add3A_35, %add3A_56 : i32
        %lt3A_58 = arith.constant 250 : i32
        %lt3A_59 = arith.cmpi slt, %add3A_57, %lt3A_58 : i32
        %convert_element_type3A_60 = arith.extui %lt3A_59 : i1 to i32
        %cond3A_61 = arith.constant 0 : i32
        %cond3A_62 = arith.cmpi ne, %convert_element_type3A_60, %cond3A_61 : i32
        scf.if %cond3A_62 {
          %add3A_83 = arith.constant 1 : i32
          %add3A_84 = arith.addi %add3A_35, %add3A_83 : i32
          %mul3A_85 = arith.constant 80 : i32
          %mul3A_86 = arith.muli %add3A_84, %mul3A_85 : i32
          %multiple_of3A_87 = tpu.assume_multiple %mul3A_86, 8 : i32
          %dma_wait3A_88 = tpu.memref_slice %arg7[%multiple_of3A_87] : memref<20000xi32, #tpu.memory_space<vmem>> -> memref<80xi32, #tpu.memory_space<vmem>>
          %dma_wait3A_89 = arith.constant 0 : i32
          %dma_wait3A_90 = arith.constant 0 : i32
          %dma_wait3A_91 = tpu.memref_slice %arg2[%dma_wait3A_89, %dma_wait3A_90] : memref<10000x128xf32, #tpu.memory_space<hbm>> -> memref<10000x128xf32, #tpu.memory_space<hbm>>
          tpu.wait_indirect_dma semaphore(%arg16 : memref<!tpu.dma_semaphore, #tpu.memory_space<semaphore_mem>>) src(%dma_wait3A_91 : memref<10000x128xf32, #tpu.memory_space<hbm>>) dst(%arg11 : memref<80x128xf32, #tpu.memory_space<vmem>>)
          %add3A_92 = arith.constant 1 : i32
          %add3A_93 = arith.addi %add3A_35, %add3A_92 : i32
          %mul3A_94 = arith.constant 80 : i32
          %mul3A_95 = arith.muli %add3A_93, %mul3A_94 : i32
          %multiple_of3A_96 = tpu.assume_multiple %mul3A_95, 8 : i32
          %dma_start3A_97 = tpu.memref_slice %arg8[%multiple_of3A_96] : memref<20000xi32, #tpu.memory_space<vmem>> -> memref<80xi32, #tpu.memory_space<vmem>>
          %dma_start3A_98 = arith.constant 0 : i32
          %dma_start3A_99 = arith.constant 0 : i32
          %dma_start3A_100 = tpu.memref_slice %arg2[%dma_start3A_98, %dma_start3A_99] : memref<10000x128xf32, #tpu.memory_space<hbm>> -> memref<10000x128xf32, #tpu.memory_space<hbm>>
          tpu.enqueue_indirect_dma source(%dma_start3A_100 : memref<10000x128xf32, #tpu.memory_space<hbm>>) target(%arg11 : memref<80x128xf32, #tpu.memory_space<vmem>>) offsets(%dma_start3A_97 : memref<80xi32, #tpu.memory_space<vmem>>) semaphore(%arg19 : memref<!tpu.dma_semaphore, #tpu.memory_space<semaphore_mem>>) {add = true}
        } else {
        }
        %add3A_63 = arith.constant 2 : i32
        %add3A_64 = arith.addi %add3A_35, %add3A_63 : i32
        %lt3A_65 = arith.constant 250 : i32
        %lt3A_66 = arith.cmpi slt, %add3A_64, %lt3A_65 : i32
        %convert_element_type3A_67 = arith.extui %lt3A_66 : i1 to i32
        %cond3A_68 = arith.constant 0 : i32
        %cond3A_69 = arith.cmpi ne, %convert_element_type3A_67, %cond3A_68 : i32
        scf.if %cond3A_69 {
          %add3A_83 = arith.constant 2 : i32
          %add3A_84 = arith.addi %add3A_35, %add3A_83 : i32
          %mul3A_85 = arith.constant 80 : i32
          %mul3A_86 = arith.muli %add3A_84, %mul3A_85 : i32
          %multiple_of3A_87 = tpu.assume_multiple %mul3A_86, 8 : i32
          %dma_start3A_88 = tpu.memref_slice %arg7[%multiple_of3A_87] : memref<20000xi32, #tpu.memory_space<vmem>> -> memref<80xi32, #tpu.memory_space<vmem>>
          %dma_start3A_89 = arith.constant 0 : i32
          %dma_start3A_90 = arith.constant 0 : i32
          %dma_start3A_91 = tpu.memref_slice %arg2[%dma_start3A_89, %dma_start3A_90] : memref<10000x128xf32, #tpu.memory_space<hbm>> -> memref<10000x128xf32, #tpu.memory_space<hbm>>
          tpu.enqueue_indirect_dma source(%dma_start3A_91 : memref<10000x128xf32, #tpu.memory_space<hbm>>) target(%arg12 : memref<80x128xf32, #tpu.memory_space<vmem>>) offsets(%dma_start3A_88 : memref<80xi32, #tpu.memory_space<vmem>>) semaphore(%arg17 : memref<!tpu.dma_semaphore, #tpu.memory_space<semaphore_mem>>)
        } else {
        }
        %mul3A_70 = arith.constant 80 : i32
        %mul3A_71 = arith.muli %add3A_35, %mul3A_70 : i32
        %multiple_of3A_72 = tpu.assume_multiple %mul3A_71, 8 : i32
        %dma_wait3A_73 = tpu.memref_slice %arg8[%multiple_of3A_72] : memref<20000xi32, #tpu.memory_space<vmem>> -> memref<80xi32, #tpu.memory_space<vmem>>
        %dma_wait3A_74 = arith.constant 0 : i32
        %dma_wait3A_75 = arith.constant 0 : i32
        %dma_wait3A_76 = tpu.memref_slice %arg2[%dma_wait3A_74, %dma_wait3A_75] : memref<10000x128xf32, #tpu.memory_space<hbm>> -> memref<10000x128xf32, #tpu.memory_space<hbm>>
        tpu.wait_indirect_dma semaphore(%arg18 : memref<!tpu.dma_semaphore, #tpu.memory_space<semaphore_mem>>) src(%dma_wait3A_76 : memref<10000x128xf32, #tpu.memory_space<hbm>>) dst(%arg10 : memref<80x128xf32, #tpu.memory_space<vmem>>)
        %scan3A_77 = arith.constant 0 : i32
        %scan3A_78 = arith.constant 0 : i32
        %scan3A_79 = arith.constant 5 : i32
        %scan3A_80 = arith.addi %scan3A_78, %scan3A_79 : i32
        %scan3A_81 = arith.constant 1 : i32
        scf.for %scan3A_83 = %scan3A_78 to %scan3A_80 step %scan3A_81  : i32 {
          %mul3A_84 = arith.constant 16 : i32
          %mul3A_85 = arith.muli %scan3A_83, %mul3A_84 : i32
          %add3A_86 = arith.constant 0 : i32
          %add3A_87 = arith.addi %mul3A_85, %add3A_86 : i32
          %get3A = arith.index_cast %add3A_87 : i32 to index
          %get3A_88 = arith.constant 0 : index
          %get3A_89 = tpu.vector_load %arg10[%get3A, %get3A_88] {strides = array<i32>} : memref<80x128xf32, #tpu.memory_space<vmem>>, vector<16xf32>,
          %mul3A_90 = arith.mulf %get3A_89, %get3A_89 : vector<16xf32>
          %get3A_91 = arith.index_cast %add3A_87 : i32 to index
          %get3A_92 = arith.constant 16 : index
          %get3A_93 = tpu.vector_load %arg10[%get3A_91, %get3A_92] {strides = array<i32>} : memref<80x128xf32, #tpu.memory_space<vmem>>, vector<16xf32>,
          %mul3A_94 = arith.mulf %get3A_93, %get3A_93 : vector<16xf32>
          %add3A_95 = arith.addf %mul3A_90, %mul3A_94 : vector<16xf32>
          %get3A_96 = arith.index_cast %add3A_87 : i32 to index
          %get3A_97 = arith.constant 32 : index
          %get3A_98 = tpu.vector_load %arg10[%get3A_96, %get3A_97] {strides = array<i32>} : memref<80x128xf32, #tpu.memory_space<vmem>>, vector<16xf32>,
          %mul3A_99 = arith.mulf %get3A_98, %get3A_98 : vector<16xf32>
          %add3A_100 = arith.addf %add3A_95, %mul3A_99 : vector<16xf32>
          %get3A_101 = arith.index_cast %add3A_87 : i32 to index
          %get3A_102 = arith.constant 48 : index
          %get3A_103 = tpu.vector_load %arg10[%get3A_101, %get3A_102] {strides = array<i32>} : memref<80x128xf32, #tpu.memory_space<vmem>>, vector<16xf32>,
          %mul3A_104 = arith.mulf %get3A_103, %get3A_103 : vector<16xf32>
          %add3A_105 = arith.addf %add3A_100, %mul3A_104 : vector<16xf32>
          %get3A_106 = arith.index_cast %add3A_87 : i32 to index
          %get3A_107 = arith.constant 64 : index
          %get3A_108 = tpu.vector_load %arg10[%get3A_106, %get3A_107] {strides = array<i32>} : memref<80x128xf32, #tpu.memory_space<vmem>>, vector<16xf32>,
          %mul3A_109 = arith.mulf %get3A_108, %get3A_108 : vector<16xf32>
          %add3A_110 = arith.addf %add3A_105, %mul3A_109 : vector<16xf32>
          %get3A_111 = arith.index_cast %add3A_87 : i32 to index
          %get3A_112 = arith.constant 80 : index
          %get3A_113 = tpu.vector_load %arg10[%get3A_111, %get3A_112] {strides = array<i32>} : memref<80x128xf32, #tpu.memory_space<vmem>>, vector<16xf32>,
          %mul3A_114 = arith.mulf %get3A_113, %get3A_113 : vector<16xf32>
          %add3A_115 = arith.addf %add3A_110, %mul3A_114 : vector<16xf32>
          %get3A_116 = arith.index_cast %add3A_87 : i32 to index
          %get3A_117 = arith.constant 96 : index
          %get3A_118 = tpu.vector_load %arg10[%get3A_116, %get3A_117] {strides = array<i32>} : memref<80x128xf32, #tpu.memory_space<vmem>>, vector<16xf32>,
          %mul3A_119 = arith.mulf %get3A_118, %get3A_118 : vector<16xf32>
          %add3A_120 = arith.addf %add3A_115, %mul3A_119 : vector<16xf32>
          %get3A_121 = arith.index_cast %add3A_87 : i32 to index
          %get3A_122 = arith.constant 112 : index
          %get3A_123 = tpu.vector_load %arg10[%get3A_121, %get3A_122] {strides = array<i32>} : memref<80x128xf32, #tpu.memory_space<vmem>>, vector<16xf32>,
          %mul3A_124 = arith.mulf %get3A_123, %get3A_123 : vector<16xf32>
          %add3A_125 = arith.addf %add3A_120, %mul3A_124 : vector<16xf32>
          %swap3A = arith.constant 0 : index
          %swap3A_126 = tpu.vector_load %arg13[%swap3A] {strides = array<i32>} : memref<256xf32, #tpu.memory_space<vmem>>, vector<16xf32>,
          tpu.vector_store %arg13[%swap3A], %add3A_125 {strides = array<i32>} : memref<256xf32, #tpu.memory_space<vmem>>, vector<16xf32>,
          %add3A_127 = arith.constant 1 : i32
          %add3A_128 = arith.addi %mul3A_85, %add3A_127 : i32
          %get3A_129 = arith.index_cast %add3A_128 : i32 to index
          %get3A_130 = arith.constant 0 : index
          %get3A_131 = tpu.vector_load %arg10[%get3A_129, %get3A_130] {strides = array<i32>} : memref<80x128xf32, #tpu.memory_space<vmem>>, vector<16xf32>,
          %mul3A_132 = arith.mulf %get3A_131, %get3A_131 : vector<16xf32>
          %get3A_133 = arith.index_cast %add3A_128 : i32 to index
          %get3A_134 = arith.constant 16 : index
          %get3A_135 = tpu.vector_load %arg10[%get3A_133, %get3A_134] {strides = array<i32>} : memref<80x128xf32, #tpu.memory_space<vmem>>, vector<16xf32>,
          %mul3A_136 = arith.mulf %get3A_135, %get3A_135 : vector<16xf32>
          %add3A_137 = arith.addf %mul3A_132, %mul3A_136 : vector<16xf32>
          %get3A_138 = arith.index_cast %add3A_128 : i32 to index
          %get3A_139 = arith.constant 32 : index
          %get3A_140 = tpu.vector_load %arg10[%get3A_138, %get3A_139] {strides = array<i32>} : memref<80x128xf32, #tpu.memory_space<vmem>>, vector<16xf32>,
          %mul3A_141 = arith.mulf %get3A_140, %get3A_140 : vector<16xf32>
          %add3A_142 = arith.addf %add3A_137, %mul3A_141 : vector<16xf32>
          %get3A_143 = arith.index_cast %add3A_128 : i32 to index
          %get3A_144 = arith.constant 48 : index
          %get3A_145 = tpu.vector_load %arg10[%get3A_143, %get3A_144] {strides = array<i32>} : memref<80x128xf32, #tpu.memory_space<vmem>>, vector<16xf32>,
          %mul3A_146 = arith.mulf %get3A_145, %get3A_145 : vector<16xf32>
          %add3A_147 = arith.addf %add3A_142, %mul3A_146 : vector<16xf32>
          %get3A_148 = arith.index_cast %add3A_128 : i32 to index
          %get3A_149 = arith.constant 64 : index
          %get3A_150 = tpu.vector_load %arg10[%get3A_148, %get3A_149] {strides = array<i32>} : memref<80x128xf32, #tpu.memory_space<vmem>>, vector<16xf32>,
          %mul3A_151 = arith.mulf %get3A_150, %get3A_150 : vector<16xf32>
          %add3A_152 = arith.addf %add3A_147, %mul3A_151 : vector<16xf32>
          %get3A_153 = arith.index_cast %add3A_128 : i32 to index
          %get3A_154 = arith.constant 80 : index
          %get3A_155 = tpu.vector_load %arg10[%get3A_153, %get3A_154] {strides = array<i32>} : memref<80x128xf32, #tpu.memory_space<vmem>>, vector<16xf32>,
          %mul3A_156 = arith.mulf %get3A_155, %get3A_155 : vector<16xf32>
          %add3A_157 = arith.addf %add3A_152, %mul3A_156 : vector<16xf32>
          %get3A_158 = arith.index_cast %add3A_128 : i32 to index
          %get3A_159 = arith.constant 96 : index
          %get3A_160 = tpu.vector_load %arg10[%get3A_158, %get3A_159] {strides = array<i32>} : memref<80x128xf32, #tpu.memory_space<vmem>>, vector<16xf32>,
          %mul3A_161 = arith.mulf %get3A_160, %get3A_160 : vector<16xf32>
          %add3A_162 = arith.addf %add3A_157, %mul3A_161 : vector<16xf32>
          %get3A_163 = arith.index_cast %add3A_128 : i32 to index
          %get3A_164 = arith.constant 112 : index
          %get3A_165 = tpu.vector_load %arg10[%get3A_163, %get3A_164] {strides = array<i32>} : memref<80x128xf32, #tpu.memory_space<vmem>>, vector<16xf32>,
          %mul3A_166 = arith.mulf %get3A_165, %get3A_165 : vector<16xf32>
          %add3A_167 = arith.addf %add3A_162, %mul3A_166 : vector<16xf32>
          %swap3A_168 = arith.constant 16 : index
          %swap3A_169 = tpu.vector_load %arg13[%swap3A_168] {strides = array<i32>} : memref<256xf32, #tpu.memory_space<vmem>>, vector<16xf32>,
          tpu.vector_store %arg13[%swap3A_168], %add3A_167 {strides = array<i32>} : memref<256xf32, #tpu.memory_space<vmem>>, vector<16xf32>,
          %add3A_170 = arith.constant 2 : i32
          %add3A_171 = arith.addi %mul3A_85, %add3A_170 : i32
          %get3A_172 = arith.index_cast %add3A_171 : i32 to index
          %get3A_173 = arith.constant 0 : index
          %get3A_174 = tpu.vector_load %arg10[%get3A_172, %get3A_173] {strides = array<i32>} : memref<80x128xf32, #tpu.memory_space<vmem>>, vector<16xf32>,
          %mul3A_175 = arith.mulf %get3A_174, %get3A_174 : vector<16xf32>
          %get3A_176 = arith.index_cast %add3A_171 : i32 to index
          %get3A_177 = arith.constant 16 : index
          %get3A_178 = tpu.vector_load %arg10[%get3A_176, %get3A_177] {strides = array<i32>} : memref<80x128xf32, #tpu.memory_space<vmem>>, vector<16xf32>,
          %mul3A_179 = arith.mulf %get3A_178, %get3A_178 : vector<16xf32>
          %add3A_180 = arith.addf %mul3A_175, %mul3A_179 : vector<16xf32>
          %get3A_181 = arith.index_cast %add3A_171 : i32 to index
          %get3A_182 = arith.constant 32 : index
          %get3A_183 = tpu.vector_load %arg10[%get3A_181, %get3A_182] {strides = array<i32>} : memref<80x128xf32, #tpu.memory_space<vmem>>, vector<16xf32>,
          %mul3A_184 = arith.mulf %get3A_183, %get3A_183 : vector<16xf32>
          %add3A_185 = arith.addf %add3A_180, %mul3A_184 : vector<16xf32>
          %get3A_186 = arith.index_cast %add3A_171 : i32 to index
          %get3A_187 = arith.constant 48 : index
          %get3A_188 = tpu.vector_load %arg10[%get3A_186, %get3A_187] {strides = array<i32>} : memref<80x128xf32, #tpu.memory_space<vmem>>, vector<16xf32>,
          %mul3A_189 = arith.mulf %get3A_188, %get3A_188 : vector<16xf32>
          %add3A_190 = arith.addf %add3A_185, %mul3A_189 : vector<16xf32>
          %get3A_191 = arith.index_cast %add3A_171 : i32 to index
          %get3A_192 = arith.constant 64 : index
          %get3A_193 = tpu.vector_load %arg10[%get3A_191, %get3A_192] {strides = array<i32>} : memref<80x128xf32, #tpu.memory_space<vmem>>, vector<16xf32>,
          %mul3A_194 = arith.mulf %get3A_193, %get3A_193 : vector<16xf32>
          %add3A_195 = arith.addf %add3A_190, %mul3A_194 : vector<16xf32>
          %get3A_196 = arith.index_cast %add3A_171 : i32 to index
          %get3A_197 = arith.constant 80 : index
          %get3A_198 = tpu.vector_load %arg10[%get3A_196, %get3A_197] {strides = array<i32>} : memref<80x128xf32, #tpu.memory_space<vmem>>, vector<16xf32>,
          %mul3A_199 = arith.mulf %get3A_198, %get3A_198 : vector<16xf32>
          %add3A_200 = arith.addf %add3A_195, %mul3A_199 : vector<16xf32>
          %get3A_201 = arith.index_cast %add3A_171 : i32 to index
          %get3A_202 = arith.constant 96 : index
          %get3A_203 = tpu.vector_load %arg10[%get3A_201, %get3A_202] {strides = array<i32>} : memref<80x128xf32, #tpu.memory_space<vmem>>, vector<16xf32>,
          %mul3A_204 = arith.mulf %get3A_203, %get3A_203 : vector<16xf32>
          %add3A_205 = arith.addf %add3A_200, %mul3A_204 : vector<16xf32>
          %get3A_206 = arith.index_cast %add3A_171 : i32 to index
          %get3A_207 = arith.constant 112 : index
          %get3A_208 = tpu.vector_load %arg10[%get3A_206, %get3A_207] {strides = array<i32>} : memref<80x128xf32, #tpu.memory_space<vmem>>, vector<16xf32>,
          %mul3A_209 = arith.mulf %get3A_208, %get3A_208 : vector<16xf32>
          %add3A_210 = arith.addf %add3A_205, %mul3A_209 : vector<16xf32>
          %swap3A_211 = arith.constant 32 : index
          %swap3A_212 = tpu.vector_load %arg13[%swap3A_211] {strides = array<i32>} : memref<256xf32, #tpu.memory_space<vmem>>, vector<16xf32>,
          tpu.vector_store %arg13[%swap3A_211], %add3A_210 {strides = array<i32>} : memref<256xf32, #tpu.memory_space<vmem>>, vector<16xf32>,
          %add3A_213 = arith.constant 3 : i32
          %add3A_214 = arith.addi %mul3A_85, %add3A_213 : i32
          %get3A_215 = arith.index_cast %add3A_214 : i32 to index
          %get3A_216 = arith.constant 0 : index
          %get3A_217 = tpu.vector_load %arg10[%get3A_215, %get3A_216] {strides = array<i32>} : memref<80x128xf32, #tpu.memory_space<vmem>>, vector<16xf32>,
          %mul3A_218 = arith.mulf %get3A_217, %get3A_217 : vector<16xf32>
          %get3A_219 = arith.index_cast %add3A_214 : i32 to index
          %get3A_220 = arith.constant 16 : index
          %get3A_221 = tpu.vector_load %arg10[%get3A_219, %get3A_220] {strides = array<i32>} : memref<80x128xf32, #tpu.memory_space<vmem>>, vector<16xf32>,
          %mul3A_222 = arith.mulf %get3A_221, %get3A_221 : vector<16xf32>
          %add3A_223 = arith.addf %mul3A_218, %mul3A_222 : vector<16xf32>
          %get3A_224 = arith.index_cast %add3A_214 : i32 to index
          %get3A_225 = arith.constant 32 : index
          %get3A_226 = tpu.vector_load %arg10[%get3A_224, %get3A_225] {strides = array<i32>} : memref<80x128xf32, #tpu.memory_space<vmem>>, vector<16xf32>,
          %mul3A_227 = arith.mulf %get3A_226, %get3A_226 : vector<16xf32>
          %add3A_228 = arith.addf %add3A_223, %mul3A_227 : vector<16xf32>
          %get3A_229 = arith.index_cast %add3A_214 : i32 to index
          %get3A_230 = arith.constant 48 : index
          %get3A_231 = tpu.vector_load %arg10[%get3A_229, %get3A_230] {strides = array<i32>} : memref<80x128xf32, #tpu.memory_space<vmem>>, vector<16xf32>,
          %mul3A_232 = arith.mulf %get3A_231, %get3A_231 : vector<16xf32>
          %add3A_233 = arith.addf %add3A_228, %mul3A_232 : vector<16xf32>
          %get3A_234 = arith.index_cast %add3A_214 : i32 to index
          %get3A_235 = arith.constant 64 : index
          %get3A_236 = tpu.vector_load %arg10[%get3A_234, %get3A_235] {strides = array<i32>} : memref<80x128xf32, #tpu.memory_space<vmem>>, vector<16xf32>,
          %mul3A_237 = arith.mulf %get3A_236, %get3A_236 : vector<16xf32>
          %add3A_238 = arith.addf %add3A_233, %mul3A_237 : vector<16xf32>
          %get3A_239 = arith.index_cast %add3A_214 : i32 to index
          %get3A_240 = arith.constant 80 : index
          %get3A_241 = tpu.vector_load %arg10[%get3A_239, %get3A_240] {strides = array<i32>} : memref<80x128xf32, #tpu.memory_space<vmem>>, vector<16xf32>,
          %mul3A_242 = arith.mulf %get3A_241, %get3A_241 : vector<16xf32>
          %add3A_243 = arith.addf %add3A_238, %mul3A_242 : vector<16xf32>
          %get3A_244 = arith.index_cast %add3A_214 : i32 to index
          %get3A_245 = arith.constant 96 : index
          %get3A_246 = tpu.vector_load %arg10[%get3A_244, %get3A_245] {strides = array<i32>} : memref<80x128xf32, #tpu.memory_space<vmem>>, vector<16xf32>,
          %mul3A_247 = arith.mulf %get3A_246, %get3A_246 : vector<16xf32>
          %add3A_248 = arith.addf %add3A_243, %mul3A_247 : vector<16xf32>
          %get3A_249 = arith.index_cast %add3A_214 : i32 to index
          %get3A_250 = arith.constant 112 : index
          %get3A_251 = tpu.vector_load %arg10[%get3A_249, %get3A_250] {strides = array<i32>} : memref<80x128xf32, #tpu.memory_space<vmem>>, vector<16xf32>,
          %mul3A_252 = arith.mulf %get3A_251, %get3A_251 : vector<16xf32>
          %add3A_253 = arith.addf %add3A_248, %mul3A_252 : vector<16xf32>
          %swap3A_254 = arith.constant 48 : index
          %swap3A_255 = tpu.vector_load %arg13[%swap3A_254] {strides = array<i32>} : memref<256xf32, #tpu.memory_space<vmem>>, vector<16xf32>,
          tpu.vector_store %arg13[%swap3A_254], %add3A_253 {strides = array<i32>} : memref<256xf32, #tpu.memory_space<vmem>>, vector<16xf32>,
          %add3A_256 = arith.constant 4 : i32
          %add3A_257 = arith.addi %mul3A_85, %add3A_256 : i32
          %get3A_258 = arith.index_cast %add3A_257 : i32 to index
          %get3A_259 = arith.constant 0 : index
          %get3A_260 = tpu.vector_load %arg10[%get3A_258, %get3A_259] {strides = array<i32>} : memref<80x128xf32, #tpu.memory_space<vmem>>, vector<16xf32>,
          %mul3A_261 = arith.mulf %get3A_260, %get3A_260 : vector<16xf32>
          %get3A_262 = arith.index_cast %add3A_257 : i32 to index
          %get3A_263 = arith.constant 16 : index
          %get3A_264 = tpu.vector_load %arg10[%get3A_262, %get3A_263] {strides = array<i32>} : memref<80x128xf32, #tpu.memory_space<vmem>>, vector<16xf32>,
          %mul3A_265 = arith.mulf %get3A_264, %get3A_264 : vector<16xf32>
          %add3A_266 = arith.addf %mul3A_261, %mul3A_265 : vector<16xf32>
          %get3A_267 = arith.index_cast %add3A_257 : i32 to index
          %get3A_268 = arith.constant 32 : index
          %get3A_269 = tpu.vector_load %arg10[%get3A_267, %get3A_268] {strides = array<i32>} : memref<80x128xf32, #tpu.memory_space<vmem>>, vector<16xf32>,
          %mul3A_270 = arith.mulf %get3A_269, %get3A_269 : vector<16xf32>
          %add3A_271 = arith.addf %add3A_266, %mul3A_270 : vector<16xf32>
          %get3A_272 = arith.index_cast %add3A_257 : i32 to index
          %get3A_273 = arith.constant 48 : index
          %get3A_274 = tpu.vector_load %arg10[%get3A_272, %get3A_273] {strides = array<i32>} : memref<80x128xf32, #tpu.memory_space<vmem>>, vector<16xf32>,
          %mul3A_275 = arith.mulf %get3A_274, %get3A_274 : vector<16xf32>
          %add3A_276 = arith.addf %add3A_271, %mul3A_275 : vector<16xf32>
          %get3A_277 = arith.index_cast %add3A_257 : i32 to index
          %get3A_278 = arith.constant 64 : index
          %get3A_279 = tpu.vector_load %arg10[%get3A_277, %get3A_278] {strides = array<i32>} : memref<80x128xf32, #tpu.memory_space<vmem>>, vector<16xf32>,
          %mul3A_280 = arith.mulf %get3A_279, %get3A_279 : vector<16xf32>
          %add3A_281 = arith.addf %add3A_276, %mul3A_280 : vector<16xf32>
          %get3A_282 = arith.index_cast %add3A_257 : i32 to index
          %get3A_283 = arith.constant 80 : index
          %get3A_284 = tpu.vector_load %arg10[%get3A_282, %get3A_283] {strides = array<i32>} : memref<80x128xf32, #tpu.memory_space<vmem>>, vector<16xf32>,
          %mul3A_285 = arith.mulf %get3A_284, %get3A_284 : vector<16xf32>
          %add3A_286 = arith.addf %add3A_281, %mul3A_285 : vector<16xf32>
          %get3A_287 = arith.index_cast %add3A_257 : i32 to index
          %get3A_288 = arith.constant 96 : index
          %get3A_289 = tpu.vector_load %arg10[%get3A_287, %get3A_288] {strides = array<i32>} : memref<80x128xf32, #tpu.memory_space<vmem>>, vector<16xf32>,
          %mul3A_290 = arith.mulf %get3A_289, %get3A_289 : vector<16xf32>
          %add3A_291 = arith.addf %add3A_286, %mul3A_290 : vector<16xf32>
          %get3A_292 = arith.index_cast %add3A_257 : i32 to index
          %get3A_293 = arith.constant 112 : index
          %get3A_294 = tpu.vector_load %arg10[%get3A_292, %get3A_293] {strides = array<i32>} : memref<80x128xf32, #tpu.memory_space<vmem>>, vector<16xf32>,
          %mul3A_295 = arith.mulf %get3A_294, %get3A_294 : vector<16xf32>
          %add3A_296 = arith.addf %add3A_291, %mul3A_295 : vector<16xf32>
          %swap3A_297 = arith.constant 64 : index
          %swap3A_298 = tpu.vector_load %arg13[%swap3A_297] {strides = array<i32>} : memref<256xf32, #tpu.memory_space<vmem>>, vector<16xf32>,
          tpu.vector_store %arg13[%swap3A_297], %add3A_296 {strides = array<i32>} : memref<256xf32, #tpu.memory_space<vmem>>, vector<16xf32>,
          %add3A_299 = arith.constant 5 : i32
          %add3A_300 = arith.addi %mul3A_85, %add3A_299 : i32
          %get3A_301 = arith.index_cast %add3A_300 : i32 to index
          %get3A_302 = arith.constant 0 : index
          %get3A_303 = tpu.vector_load %arg10[%get3A_301, %get3A_302] {strides = array<i32>} : memref<80x128xf32, #tpu.memory_space<vmem>>, vector<16xf32>,
          %mul3A_304 = arith.mulf %get3A_303, %get3A_303 : vector<16xf32>
          %get3A_305 = arith.index_cast %add3A_300 : i32 to index
          %get3A_306 = arith.constant 16 : index
          %get3A_307 = tpu.vector_load %arg10[%get3A_305, %get3A_306] {strides = array<i32>} : memref<80x128xf32, #tpu.memory_space<vmem>>, vector<16xf32>,
          %mul3A_308 = arith.mulf %get3A_307, %get3A_307 : vector<16xf32>
          %add3A_309 = arith.addf %mul3A_304, %mul3A_308 : vector<16xf32>
          %get3A_310 = arith.index_cast %add3A_300 : i32 to index
          %get3A_311 = arith.constant 32 : index
          %get3A_312 = tpu.vector_load %arg10[%get3A_310, %get3A_311] {strides = array<i32>} : memref<80x128xf32, #tpu.memory_space<vmem>>, vector<16xf32>,
          %mul3A_313 = arith.mulf %get3A_312, %get3A_312 : vector<16xf32>
          %add3A_314 = arith.addf %add3A_309, %mul3A_313 : vector<16xf32>
          %get3A_315 = arith.index_cast %add3A_300 : i32 to index
          %get3A_316 = arith.constant 48 : index
          %get3A_317 = tpu.vector_load %arg10[%get3A_315, %get3A_316] {strides = array<i32>} : memref<80x128xf32, #tpu.memory_space<vmem>>, vector<16xf32>,
          %mul3A_318 = arith.mulf %get3A_317, %get3A_317 : vector<16xf32>
          %add3A_319 = arith.addf %add3A_314, %mul3A_318 : vector<16xf32>
          %get3A_320 = arith.index_cast %add3A_300 : i32 to index
          %get3A_321 = arith.constant 64 : index
          %get3A_322 = tpu.vector_load %arg10[%get3A_320, %get3A_321] {strides = array<i32>} : memref<80x128xf32, #tpu.memory_space<vmem>>, vector<16xf32>,
          %mul3A_323 = arith.mulf %get3A_322, %get3A_322 : vector<16xf32>
          %add3A_324 = arith.addf %add3A_319, %mul3A_323 : vector<16xf32>
          %get3A_325 = arith.index_cast %add3A_300 : i32 to index
          %get3A_326 = arith.constant 80 : index
          %get3A_327 = tpu.vector_load %arg10[%get3A_325, %get3A_326] {strides = array<i32>} : memref<80x128xf32, #tpu.memory_space<vmem>>, vector<16xf32>,
          %mul3A_328 = arith.mulf %get3A_327, %get3A_327 : vector<16xf32>
          %add3A_329 = arith.addf %add3A_324, %mul3A_328 : vector<16xf32>
          %get3A_330 = arith.index_cast %add3A_300 : i32 to index
          %get3A_331 = arith.constant 96 : index
          %get3A_332 = tpu.vector_load %arg10[%get3A_330, %get3A_331] {strides = array<i32>} : memref<80x128xf32, #tpu.memory_space<vmem>>, vector<16xf32>,
          %mul3A_333 = arith.mulf %get3A_332, %get3A_332 : vector<16xf32>
          %add3A_334 = arith.addf %add3A_329, %mul3A_333 : vector<16xf32>
          %get3A_335 = arith.index_cast %add3A_300 : i32 to index
          %get3A_336 = arith.constant 112 : index
          %get3A_337 = tpu.vector_load %arg10[%get3A_335, %get3A_336] {strides = array<i32>} : memref<80x128xf32, #tpu.memory_space<vmem>>, vector<16xf32>,
          %mul3A_338 = arith.mulf %get3A_337, %get3A_337 : vector<16xf32>
          %add3A_339 = arith.addf %add3A_334, %mul3A_338 : vector<16xf32>
          %swap3A_340 = arith.constant 80 : index
          %swap3A_341 = tpu.vector_load %arg13[%swap3A_340] {strides = array<i32>} : memref<256xf32, #tpu.memory_space<vmem>>, vector<16xf32>,
          tpu.vector_store %arg13[%swap3A_340], %add3A_339 {strides = array<i32>} : memref<256xf32, #tpu.memory_space<vmem>>, vector<16xf32>,
          %add3A_342 = arith.constant 6 : i32
          %add3A_343 = arith.addi %mul3A_85, %add3A_342 : i32
          %get3A_344 = arith.index_cast %add3A_343 : i32 to index
          %get3A_345 = arith.constant 0 : index
          %get3A_346 = tpu.vector_load %arg10[%get3A_344, %get3A_345] {strides = array<i32>} : memref<80x128xf32, #tpu.memory_space<vmem>>, vector<16xf32>,
          %mul3A_347 = arith.mulf %get3A_346, %get3A_346 : vector<16xf32>
          %get3A_348 = arith.index_cast %add3A_343 : i32 to index
          %get3A_349 = arith.constant 16 : index
          %get3A_350 = tpu.vector_load %arg10[%get3A_348, %get3A_349] {strides = array<i32>} : memref<80x128xf32, #tpu.memory_space<vmem>>, vector<16xf32>,
          %mul3A_351 = arith.mulf %get3A_350, %get3A_350 : vector<16xf32>
          %add3A_352 = arith.addf %mul3A_347, %mul3A_351 : vector<16xf32>
          %get3A_353 = arith.index_cast %add3A_343 : i32 to index
          %get3A_354 = arith.constant 32 : index
          %get3A_355 = tpu.vector_load %arg10[%get3A_353, %get3A_354] {strides = array<i32>} : memref<80x128xf32, #tpu.memory_space<vmem>>, vector<16xf32>,
          %mul3A_356 = arith.mulf %get3A_355, %get3A_355 : vector<16xf32>
          %add3A_357 = arith.addf %add3A_352, %mul3A_356 : vector<16xf32>
          %get3A_358 = arith.index_cast %add3A_343 : i32 to index
          %get3A_359 = arith.constant 48 : index
          %get3A_360 = tpu.vector_load %arg10[%get3A_358, %get3A_359] {strides = array<i32>} : memref<80x128xf32, #tpu.memory_space<vmem>>, vector<16xf32>,
          %mul3A_361 = arith.mulf %get3A_360, %get3A_360 : vector<16xf32>
          %add3A_362 = arith.addf %add3A_357, %mul3A_361 : vector<16xf32>
          %get3A_363 = arith.index_cast %add3A_343 : i32 to index
          %get3A_364 = arith.constant 64 : index
          %get3A_365 = tpu.vector_load %arg10[%get3A_363, %get3A_364] {strides = array<i32>} : memref<80x128xf32, #tpu.memory_space<vmem>>, vector<16xf32>,
          %mul3A_366 = arith.mulf %get3A_365, %get3A_365 : vector<16xf32>
          %add3A_367 = arith.addf %add3A_362, %mul3A_366 : vector<16xf32>
          %get3A_368 = arith.index_cast %add3A_343 : i32 to index
          %get3A_369 = arith.constant 80 : index
          %get3A_370 = tpu.vector_load %arg10[%get3A_368, %get3A_369] {strides = array<i32>} : memref<80x128xf32, #tpu.memory_space<vmem>>, vector<16xf32>,
          %mul3A_371 = arith.mulf %get3A_370, %get3A_370 : vector<16xf32>
          %add3A_372 = arith.addf %add3A_367, %mul3A_371 : vector<16xf32>
          %get3A_373 = arith.index_cast %add3A_343 : i32 to index
          %get3A_374 = arith.constant 96 : index
          %get3A_375 = tpu.vector_load %arg10[%get3A_373, %get3A_374] {strides = array<i32>} : memref<80x128xf32, #tpu.memory_space<vmem>>, vector<16xf32>,
          %mul3A_376 = arith.mulf %get3A_375, %get3A_375 : vector<16xf32>
          %add3A_377 = arith.addf %add3A_372, %mul3A_376 : vector<16xf32>
          %get3A_378 = arith.index_cast %add3A_343 : i32 to index
          %get3A_379 = arith.constant 112 : index
          %get3A_380 = tpu.vector_load %arg10[%get3A_378, %get3A_379] {strides = array<i32>} : memref<80x128xf32, #tpu.memory_space<vmem>>, vector<16xf32>,
          %mul3A_381 = arith.mulf %get3A_380, %get3A_380 : vector<16xf32>
          %add3A_382 = arith.addf %add3A_377, %mul3A_381 : vector<16xf32>
          %swap3A_383 = arith.constant 96 : index
          %swap3A_384 = tpu.vector_load %arg13[%swap3A_383] {strides = array<i32>} : memref<256xf32, #tpu.memory_space<vmem>>, vector<16xf32>,
          tpu.vector_store %arg13[%swap3A_383], %add3A_382 {strides = array<i32>} : memref<256xf32, #tpu.memory_space<vmem>>, vector<16xf32>,
          %add3A_385 = arith.constant 7 : i32
          %add3A_386 = arith.addi %mul3A_85, %add3A_385 : i32
          %get3A_387 = arith.index_cast %add3A_386 : i32 to index
          %get3A_388 = arith.constant 0 : index
          %get3A_389 = tpu.vector_load %arg10[%get3A_387, %get3A_388] {strides = array<i32>} : memref<80x128xf32, #tpu.memory_space<vmem>>, vector<16xf32>,
          %mul3A_390 = arith.mulf %get3A_389, %get3A_389 : vector<16xf32>
          %get3A_391 = arith.index_cast %add3A_386 : i32 to index
          %get3A_392 = arith.constant 16 : index
          %get3A_393 = tpu.vector_load %arg10[%get3A_391, %get3A_392] {strides = array<i32>} : memref<80x128xf32, #tpu.memory_space<vmem>>, vector<16xf32>,
          %mul3A_394 = arith.mulf %get3A_393, %get3A_393 : vector<16xf32>
          %add3A_395 = arith.addf %mul3A_390, %mul3A_394 : vector<16xf32>
          %get3A_396 = arith.index_cast %add3A_386 : i32 to index
          %get3A_397 = arith.constant 32 : index
          %get3A_398 = tpu.vector_load %arg10[%get3A_396, %get3A_397] {strides = array<i32>} : memref<80x128xf32, #tpu.memory_space<vmem>>, vector<16xf32>,
          %mul3A_399 = arith.mulf %get3A_398, %get3A_398 : vector<16xf32>
          %add3A_400 = arith.addf %add3A_395, %mul3A_399 : vector<16xf32>
          %get3A_401 = arith.index_cast %add3A_386 : i32 to index
          %get3A_402 = arith.constant 48 : index
          %get3A_403 = tpu.vector_load %arg10[%get3A_401, %get3A_402] {strides = array<i32>} : memref<80x128xf32, #tpu.memory_space<vmem>>, vector<16xf32>,
          %mul3A_404 = arith.mulf %get3A_403, %get3A_403 : vector<16xf32>
          %add3A_405 = arith.addf %add3A_400, %mul3A_404 : vector<16xf32>
          %get3A_406 = arith.index_cast %add3A_386 : i32 to index
          %get3A_407 = arith.constant 64 : index
          %get3A_408 = tpu.vector_load %arg10[%get3A_406, %get3A_407] {strides = array<i32>} : memref<80x128xf32, #tpu.memory_space<vmem>>, vector<16xf32>,
          %mul3A_409 = arith.mulf %get3A_408, %get3A_408 : vector<16xf32>
          %add3A_410 = arith.addf %add3A_405, %mul3A_409 : vector<16xf32>
          %get3A_411 = arith.index_cast %add3A_386 : i32 to index
          %get3A_412 = arith.constant 80 : index
          %get3A_413 = tpu.vector_load %arg10[%get3A_411, %get3A_412] {strides = array<i32>} : memref<80x128xf32, #tpu.memory_space<vmem>>, vector<16xf32>,
          %mul3A_414 = arith.mulf %get3A_413, %get3A_413 : vector<16xf32>
          %add3A_415 = arith.addf %add3A_410, %mul3A_414 : vector<16xf32>
          %get3A_416 = arith.index_cast %add3A_386 : i32 to index
          %get3A_417 = arith.constant 96 : index
          %get3A_418 = tpu.vector_load %arg10[%get3A_416, %get3A_417] {strides = array<i32>} : memref<80x128xf32, #tpu.memory_space<vmem>>, vector<16xf32>,
          %mul3A_419 = arith.mulf %get3A_418, %get3A_418 : vector<16xf32>
          %add3A_420 = arith.addf %add3A_415, %mul3A_419 : vector<16xf32>
          %get3A_421 = arith.index_cast %add3A_386 : i32 to index
          %get3A_422 = arith.constant 112 : index
          %get3A_423 = tpu.vector_load %arg10[%get3A_421, %get3A_422] {strides = array<i32>} : memref<80x128xf32, #tpu.memory_space<vmem>>, vector<16xf32>,
          %mul3A_424 = arith.mulf %get3A_423, %get3A_423 : vector<16xf32>
          %add3A_425 = arith.addf %add3A_420, %mul3A_424 : vector<16xf32>
          %swap3A_426 = arith.constant 112 : index
          %swap3A_427 = tpu.vector_load %arg13[%swap3A_426] {strides = array<i32>} : memref<256xf32, #tpu.memory_space<vmem>>, vector<16xf32>,
          tpu.vector_store %arg13[%swap3A_426], %add3A_425 {strides = array<i32>} : memref<256xf32, #tpu.memory_space<vmem>>, vector<16xf32>,
          %add3A_428 = arith.constant 8 : i32
          %add3A_429 = arith.addi %mul3A_85, %add3A_428 : i32
          %get3A_430 = arith.index_cast %add3A_429 : i32 to index
          %get3A_431 = arith.constant 0 : index
          %get3A_432 = tpu.vector_load %arg10[%get3A_430, %get3A_431] {strides = array<i32>} : memref<80x128xf32, #tpu.memory_space<vmem>>, vector<16xf32>,
          %mul3A_433 = arith.mulf %get3A_432, %get3A_432 : vector<16xf32>
          %get3A_434 = arith.index_cast %add3A_429 : i32 to index
          %get3A_435 = arith.constant 16 : index
          %get3A_436 = tpu.vector_load %arg10[%get3A_434, %get3A_435] {strides = array<i32>} : memref<80x128xf32, #tpu.memory_space<vmem>>, vector<16xf32>,
          %mul3A_437 = arith.mulf %get3A_436, %get3A_436 : vector<16xf32>
          %add3A_438 = arith.addf %mul3A_433, %mul3A_437 : vector<16xf32>
          %get3A_439 = arith.index_cast %add3A_429 : i32 to index
          %get3A_440 = arith.constant 32 : index
          %get3A_441 = tpu.vector_load %arg10[%get3A_439, %get3A_440] {strides = array<i32>} : memref<80x128xf32, #tpu.memory_space<vmem>>, vector<16xf32>,
          %mul3A_442 = arith.mulf %get3A_441, %get3A_441 : vector<16xf32>
          %add3A_443 = arith.addf %add3A_438, %mul3A_442 : vector<16xf32>
          %get3A_444 = arith.index_cast %add3A_429 : i32 to index
          %get3A_445 = arith.constant 48 : index
          %get3A_446 = tpu.vector_load %arg10[%get3A_444, %get3A_445] {strides = array<i32>} : memref<80x128xf32, #tpu.memory_space<vmem>>, vector<16xf32>,
          %mul3A_447 = arith.mulf %get3A_446, %get3A_446 : vector<16xf32>
          %add3A_448 = arith.addf %add3A_443, %mul3A_447 : vector<16xf32>
          %get3A_449 = arith.index_cast %add3A_429 : i32 to index
          %get3A_450 = arith.constant 64 : index
          %get3A_451 = tpu.vector_load %arg10[%get3A_449, %get3A_450] {strides = array<i32>} : memref<80x128xf32, #tpu.memory_space<vmem>>, vector<16xf32>,
          %mul3A_452 = arith.mulf %get3A_451, %get3A_451 : vector<16xf32>
          %add3A_453 = arith.addf %add3A_448, %mul3A_452 : vector<16xf32>
          %get3A_454 = arith.index_cast %add3A_429 : i32 to index
          %get3A_455 = arith.constant 80 : index
          %get3A_456 = tpu.vector_load %arg10[%get3A_454, %get3A_455] {strides = array<i32>} : memref<80x128xf32, #tpu.memory_space<vmem>>, vector<16xf32>,
          %mul3A_457 = arith.mulf %get3A_456, %get3A_456 : vector<16xf32>
          %add3A_458 = arith.addf %add3A_453, %mul3A_457 : vector<16xf32>
          %get3A_459 = arith.index_cast %add3A_429 : i32 to index
          %get3A_460 = arith.constant 96 : index
          %get3A_461 = tpu.vector_load %arg10[%get3A_459, %get3A_460] {strides = array<i32>} : memref<80x128xf32, #tpu.memory_space<vmem>>, vector<16xf32>,
          %mul3A_462 = arith.mulf %get3A_461, %get3A_461 : vector<16xf32>
          %add3A_463 = arith.addf %add3A_458, %mul3A_462 : vector<16xf32>
          %get3A_464 = arith.index_cast %add3A_429 : i32 to index
          %get3A_465 = arith.constant 112 : index
          %get3A_466 = tpu.vector_load %arg10[%get3A_464, %get3A_465] {strides = array<i32>} : memref<80x128xf32, #tpu.memory_space<vmem>>, vector<16xf32>,
          %mul3A_467 = arith.mulf %get3A_466, %get3A_466 : vector<16xf32>
          %add3A_468 = arith.addf %add3A_463, %mul3A_467 : vector<16xf32>
          %swap3A_469 = arith.constant 128 : index
          %swap3A_470 = tpu.vector_load %arg13[%swap3A_469] {strides = array<i32>} : memref<256xf32, #tpu.memory_space<vmem>>, vector<16xf32>,
          tpu.vector_store %arg13[%swap3A_469], %add3A_468 {strides = array<i32>} : memref<256xf32, #tpu.memory_space<vmem>>, vector<16xf32>,
          %add3A_471 = arith.constant 9 : i32
          %add3A_472 = arith.addi %mul3A_85, %add3A_471 : i32
          %get3A_473 = arith.index_cast %add3A_472 : i32 to index
          %get3A_474 = arith.constant 0 : index
          %get3A_475 = tpu.vector_load %arg10[%get3A_473, %get3A_474] {strides = array<i32>} : memref<80x128xf32, #tpu.memory_space<vmem>>, vector<16xf32>,
          %mul3A_476 = arith.mulf %get3A_475, %get3A_475 : vector<16xf32>
          %get3A_477 = arith.index_cast %add3A_472 : i32 to index
          %get3A_478 = arith.constant 16 : index
          %get3A_479 = tpu.vector_load %arg10[%get3A_477, %get3A_478] {strides = array<i32>} : memref<80x128xf32, #tpu.memory_space<vmem>>, vector<16xf32>,
          %mul3A_480 = arith.mulf %get3A_479, %get3A_479 : vector<16xf32>
          %add3A_481 = arith.addf %mul3A_476, %mul3A_480 : vector<16xf32>
          %get3A_482 = arith.index_cast %add3A_472 : i32 to index
          %get3A_483 = arith.constant 32 : index
          %get3A_484 = tpu.vector_load %arg10[%get3A_482, %get3A_483] {strides = array<i32>} : memref<80x128xf32, #tpu.memory_space<vmem>>, vector<16xf32>,
          %mul3A_485 = arith.mulf %get3A_484, %get3A_484 : vector<16xf32>
          %add3A_486 = arith.addf %add3A_481, %mul3A_485 : vector<16xf32>
          %get3A_487 = arith.index_cast %add3A_472 : i32 to index
          %get3A_488 = arith.constant 48 : index
          %get3A_489 = tpu.vector_load %arg10[%get3A_487, %get3A_488] {strides = array<i32>} : memref<80x128xf32, #tpu.memory_space<vmem>>, vector<16xf32>,
          %mul3A_490 = arith.mulf %get3A_489, %get3A_489 : vector<16xf32>
          %add3A_491 = arith.addf %add3A_486, %mul3A_490 : vector<16xf32>
          %get3A_492 = arith.index_cast %add3A_472 : i32 to index
          %get3A_493 = arith.constant 64 : index
          %get3A_494 = tpu.vector_load %arg10[%get3A_492, %get3A_493] {strides = array<i32>} : memref<80x128xf32, #tpu.memory_space<vmem>>, vector<16xf32>,
          %mul3A_495 = arith.mulf %get3A_494, %get3A_494 : vector<16xf32>
          %add3A_496 = arith.addf %add3A_491, %mul3A_495 : vector<16xf32>
          %get3A_497 = arith.index_cast %add3A_472 : i32 to index
          %get3A_498 = arith.constant 80 : index
          %get3A_499 = tpu.vector_load %arg10[%get3A_497, %get3A_498] {strides = array<i32>} : memref<80x128xf32, #tpu.memory_space<vmem>>, vector<16xf32>,
          %mul3A_500 = arith.mulf %get3A_499, %get3A_499 : vector<16xf32>
          %add3A_501 = arith.addf %add3A_496, %mul3A_500 : vector<16xf32>
          %get3A_502 = arith.index_cast %add3A_472 : i32 to index
          %get3A_503 = arith.constant 96 : index
          %get3A_504 = tpu.vector_load %arg10[%get3A_502, %get3A_503] {strides = array<i32>} : memref<80x128xf32, #tpu.memory_space<vmem>>, vector<16xf32>,
          %mul3A_505 = arith.mulf %get3A_504, %get3A_504 : vector<16xf32>
          %add3A_506 = arith.addf %add3A_501, %mul3A_505 : vector<16xf32>
          %get3A_507 = arith.index_cast %add3A_472 : i32 to index
          %get3A_508 = arith.constant 112 : index
          %get3A_509 = tpu.vector_load %arg10[%get3A_507, %get3A_508] {strides = array<i32>} : memref<80x128xf32, #tpu.memory_space<vmem>>, vector<16xf32>,
          %mul3A_510 = arith.mulf %get3A_509, %get3A_509 : vector<16xf32>
          %add3A_511 = arith.addf %add3A_506, %mul3A_510 : vector<16xf32>
          %swap3A_512 = arith.constant 144 : index
          %swap3A_513 = tpu.vector_load %arg13[%swap3A_512] {strides = array<i32>} : memref<256xf32, #tpu.memory_space<vmem>>, vector<16xf32>,
          tpu.vector_store %arg13[%swap3A_512], %add3A_511 {strides = array<i32>} : memref<256xf32, #tpu.memory_space<vmem>>, vector<16xf32>,
          %add3A_514 = arith.constant 10 : i32
          %add3A_515 = arith.addi %mul3A_85, %add3A_514 : i32
          %get3A_516 = arith.index_cast %add3A_515 : i32 to index
          %get3A_517 = arith.constant 0 : index
          %get3A_518 = tpu.vector_load %arg10[%get3A_516, %get3A_517] {strides = array<i32>} : memref<80x128xf32, #tpu.memory_space<vmem>>, vector<16xf32>,
          %mul3A_519 = arith.mulf %get3A_518, %get3A_518 : vector<16xf32>
          %get3A_520 = arith.index_cast %add3A_515 : i32 to index
          %get3A_521 = arith.constant 16 : index
          %get3A_522 = tpu.vector_load %arg10[%get3A_520, %get3A_521] {strides = array<i32>} : memref<80x128xf32, #tpu.memory_space<vmem>>, vector<16xf32>,
          %mul3A_523 = arith.mulf %get3A_522, %get3A_522 : vector<16xf32>
          %add3A_524 = arith.addf %mul3A_519, %mul3A_523 : vector<16xf32>
          %get3A_525 = arith.index_cast %add3A_515 : i32 to index
          %get3A_526 = arith.constant 32 : index
          %get3A_527 = tpu.vector_load %arg10[%get3A_525, %get3A_526] {strides = array<i32>} : memref<80x128xf32, #tpu.memory_space<vmem>>, vector<16xf32>,
          %mul3A_528 = arith.mulf %get3A_527, %get3A_527 : vector<16xf32>
          %add3A_529 = arith.addf %add3A_524, %mul3A_528 : vector<16xf32>
          %get3A_530 = arith.index_cast %add3A_515 : i32 to index
          %get3A_531 = arith.constant 48 : index
          %get3A_532 = tpu.vector_load %arg10[%get3A_530, %get3A_531] {strides = array<i32>} : memref<80x128xf32, #tpu.memory_space<vmem>>, vector<16xf32>,
          %mul3A_533 = arith.mulf %get3A_532, %get3A_532 : vector<16xf32>
          %add3A_534 = arith.addf %add3A_529, %mul3A_533 : vector<16xf32>
          %get3A_535 = arith.index_cast %add3A_515 : i32 to index
          %get3A_536 = arith.constant 64 : index
          %get3A_537 = tpu.vector_load %arg10[%get3A_535, %get3A_536] {strides = array<i32>} : memref<80x128xf32, #tpu.memory_space<vmem>>, vector<16xf32>,
          %mul3A_538 = arith.mulf %get3A_537, %get3A_537 : vector<16xf32>
          %add3A_539 = arith.addf %add3A_534, %mul3A_538 : vector<16xf32>
          %get3A_540 = arith.index_cast %add3A_515 : i32 to index
          %get3A_541 = arith.constant 80 : index
          %get3A_542 = tpu.vector_load %arg10[%get3A_540, %get3A_541] {strides = array<i32>} : memref<80x128xf32, #tpu.memory_space<vmem>>, vector<16xf32>,
          %mul3A_543 = arith.mulf %get3A_542, %get3A_542 : vector<16xf32>
          %add3A_544 = arith.addf %add3A_539, %mul3A_543 : vector<16xf32>
          %get3A_545 = arith.index_cast %add3A_515 : i32 to index
          %get3A_546 = arith.constant 96 : index
          %get3A_547 = tpu.vector_load %arg10[%get3A_545, %get3A_546] {strides = array<i32>} : memref<80x128xf32, #tpu.memory_space<vmem>>, vector<16xf32>,
          %mul3A_548 = arith.mulf %get3A_547, %get3A_547 : vector<16xf32>
          %add3A_549 = arith.addf %add3A_544, %mul3A_548 : vector<16xf32>
          %get3A_550 = arith.index_cast %add3A_515 : i32 to index
          %get3A_551 = arith.constant 112 : index
          %get3A_552 = tpu.vector_load %arg10[%get3A_550, %get3A_551] {strides = array<i32>} : memref<80x128xf32, #tpu.memory_space<vmem>>, vector<16xf32>,
          %mul3A_553 = arith.mulf %get3A_552, %get3A_552 : vector<16xf32>
          %add3A_554 = arith.addf %add3A_549, %mul3A_553 : vector<16xf32>
          %swap3A_555 = arith.constant 160 : index
          %swap3A_556 = tpu.vector_load %arg13[%swap3A_555] {strides = array<i32>} : memref<256xf32, #tpu.memory_space<vmem>>, vector<16xf32>,
          tpu.vector_store %arg13[%swap3A_555], %add3A_554 {strides = array<i32>} : memref<256xf32, #tpu.memory_space<vmem>>, vector<16xf32>,
          %add3A_557 = arith.constant 11 : i32
          %add3A_558 = arith.addi %mul3A_85, %add3A_557 : i32
          %get3A_559 = arith.index_cast %add3A_558 : i32 to index
          %get3A_560 = arith.constant 0 : index
          %get3A_561 = tpu.vector_load %arg10[%get3A_559, %get3A_560] {strides = array<i32>} : memref<80x128xf32, #tpu.memory_space<vmem>>, vector<16xf32>,
          %mul3A_562 = arith.mulf %get3A_561, %get3A_561 : vector<16xf32>
          %get3A_563 = arith.index_cast %add3A_558 : i32 to index
          %get3A_564 = arith.constant 16 : index
          %get3A_565 = tpu.vector_load %arg10[%get3A_563, %get3A_564] {strides = array<i32>} : memref<80x128xf32, #tpu.memory_space<vmem>>, vector<16xf32>,
          %mul3A_566 = arith.mulf %get3A_565, %get3A_565 : vector<16xf32>
          %add3A_567 = arith.addf %mul3A_562, %mul3A_566 : vector<16xf32>
          %get3A_568 = arith.index_cast %add3A_558 : i32 to index
          %get3A_569 = arith.constant 32 : index
          %get3A_570 = tpu.vector_load %arg10[%get3A_568, %get3A_569] {strides = array<i32>} : memref<80x128xf32, #tpu.memory_space<vmem>>, vector<16xf32>,
          %mul3A_571 = arith.mulf %get3A_570, %get3A_570 : vector<16xf32>
          %add3A_572 = arith.addf %add3A_567, %mul3A_571 : vector<16xf32>
          %get3A_573 = arith.index_cast %add3A_558 : i32 to index
          %get3A_574 = arith.constant 48 : index
          %get3A_575 = tpu.vector_load %arg10[%get3A_573, %get3A_574] {strides = array<i32>} : memref<80x128xf32, #tpu.memory_space<vmem>>, vector<16xf32>,
          %mul3A_576 = arith.mulf %get3A_575, %get3A_575 : vector<16xf32>
          %add3A_577 = arith.addf %add3A_572, %mul3A_576 : vector<16xf32>
          %get3A_578 = arith.index_cast %add3A_558 : i32 to index
          %get3A_579 = arith.constant 64 : index
          %get3A_580 = tpu.vector_load %arg10[%get3A_578, %get3A_579] {strides = array<i32>} : memref<80x128xf32, #tpu.memory_space<vmem>>, vector<16xf32>,
          %mul3A_581 = arith.mulf %get3A_580, %get3A_580 : vector<16xf32>
          %add3A_582 = arith.addf %add3A_577, %mul3A_581 : vector<16xf32>
          %get3A_583 = arith.index_cast %add3A_558 : i32 to index
          %get3A_584 = arith.constant 80 : index
          %get3A_585 = tpu.vector_load %arg10[%get3A_583, %get3A_584] {strides = array<i32>} : memref<80x128xf32, #tpu.memory_space<vmem>>, vector<16xf32>,
          %mul3A_586 = arith.mulf %get3A_585, %get3A_585 : vector<16xf32>
          %add3A_587 = arith.addf %add3A_582, %mul3A_586 : vector<16xf32>
          %get3A_588 = arith.index_cast %add3A_558 : i32 to index
          %get3A_589 = arith.constant 96 : index
          %get3A_590 = tpu.vector_load %arg10[%get3A_588, %get3A_589] {strides = array<i32>} : memref<80x128xf32, #tpu.memory_space<vmem>>, vector<16xf32>,
          %mul3A_591 = arith.mulf %get3A_590, %get3A_590 : vector<16xf32>
          %add3A_592 = arith.addf %add3A_587, %mul3A_591 : vector<16xf32>
          %get3A_593 = arith.index_cast %add3A_558 : i32 to index
          %get3A_594 = arith.constant 112 : index
          %get3A_595 = tpu.vector_load %arg10[%get3A_593, %get3A_594] {strides = array<i32>} : memref<80x128xf32, #tpu.memory_space<vmem>>, vector<16xf32>,
          %mul3A_596 = arith.mulf %get3A_595, %get3A_595 : vector<16xf32>
          %add3A_597 = arith.addf %add3A_592, %mul3A_596 : vector<16xf32>
          %swap3A_598 = arith.constant 176 : index
          %swap3A_599 = tpu.vector_load %arg13[%swap3A_598] {strides = array<i32>} : memref<256xf32, #tpu.memory_space<vmem>>, vector<16xf32>,
          tpu.vector_store %arg13[%swap3A_598], %add3A_597 {strides = array<i32>} : memref<256xf32, #tpu.memory_space<vmem>>, vector<16xf32>,
          %add3A_600 = arith.constant 12 : i32
          %add3A_601 = arith.addi %mul3A_85, %add3A_600 : i32
          %get3A_602 = arith.index_cast %add3A_601 : i32 to index
          %get3A_603 = arith.constant 0 : index
          %get3A_604 = tpu.vector_load %arg10[%get3A_602, %get3A_603] {strides = array<i32>} : memref<80x128xf32, #tpu.memory_space<vmem>>, vector<16xf32>,
          %mul3A_605 = arith.mulf %get3A_604, %get3A_604 : vector<16xf32>
          %get3A_606 = arith.index_cast %add3A_601 : i32 to index
          %get3A_607 = arith.constant 16 : index
          %get3A_608 = tpu.vector_load %arg10[%get3A_606, %get3A_607] {strides = array<i32>} : memref<80x128xf32, #tpu.memory_space<vmem>>, vector<16xf32>,
          %mul3A_609 = arith.mulf %get3A_608, %get3A_608 : vector<16xf32>
          %add3A_610 = arith.addf %mul3A_605, %mul3A_609 : vector<16xf32>
          %get3A_611 = arith.index_cast %add3A_601 : i32 to index
          %get3A_612 = arith.constant 32 : index
          %get3A_613 = tpu.vector_load %arg10[%get3A_611, %get3A_612] {strides = array<i32>} : memref<80x128xf32, #tpu.memory_space<vmem>>, vector<16xf32>,
          %mul3A_614 = arith.mulf %get3A_613, %get3A_613 : vector<16xf32>
          %add3A_615 = arith.addf %add3A_610, %mul3A_614 : vector<16xf32>
          %get3A_616 = arith.index_cast %add3A_601 : i32 to index
          %get3A_617 = arith.constant 48 : index
          %get3A_618 = tpu.vector_load %arg10[%get3A_616, %get3A_617] {strides = array<i32>} : memref<80x128xf32, #tpu.memory_space<vmem>>, vector<16xf32>,
          %mul3A_619 = arith.mulf %get3A_618, %get3A_618 : vector<16xf32>
          %add3A_620 = arith.addf %add3A_615, %mul3A_619 : vector<16xf32>
          %get3A_621 = arith.index_cast %add3A_601 : i32 to index
          %get3A_622 = arith.constant 64 : index
          %get3A_623 = tpu.vector_load %arg10[%get3A_621, %get3A_622] {strides = array<i32>} : memref<80x128xf32, #tpu.memory_space<vmem>>, vector<16xf32>,
          %mul3A_624 = arith.mulf %get3A_623, %get3A_623 : vector<16xf32>
          %add3A_625 = arith.addf %add3A_620, %mul3A_624 : vector<16xf32>
          %get3A_626 = arith.index_cast %add3A_601 : i32 to index
          %get3A_627 = arith.constant 80 : index
          %get3A_628 = tpu.vector_load %arg10[%get3A_626, %get3A_627] {strides = array<i32>} : memref<80x128xf32, #tpu.memory_space<vmem>>, vector<16xf32>,
          %mul3A_629 = arith.mulf %get3A_628, %get3A_628 : vector<16xf32>
          %add3A_630 = arith.addf %add3A_625, %mul3A_629 : vector<16xf32>
          %get3A_631 = arith.index_cast %add3A_601 : i32 to index
          %get3A_632 = arith.constant 96 : index
          %get3A_633 = tpu.vector_load %arg10[%get3A_631, %get3A_632] {strides = array<i32>} : memref<80x128xf32, #tpu.memory_space<vmem>>, vector<16xf32>,
          %mul3A_634 = arith.mulf %get3A_633, %get3A_633 : vector<16xf32>
          %add3A_635 = arith.addf %add3A_630, %mul3A_634 : vector<16xf32>
          %get3A_636 = arith.index_cast %add3A_601 : i32 to index
          %get3A_637 = arith.constant 112 : index
          %get3A_638 = tpu.vector_load %arg10[%get3A_636, %get3A_637] {strides = array<i32>} : memref<80x128xf32, #tpu.memory_space<vmem>>, vector<16xf32>,
          %mul3A_639 = arith.mulf %get3A_638, %get3A_638 : vector<16xf32>
          %add3A_640 = arith.addf %add3A_635, %mul3A_639 : vector<16xf32>
          %swap3A_641 = arith.constant 192 : index
          %swap3A_642 = tpu.vector_load %arg13[%swap3A_641] {strides = array<i32>} : memref<256xf32, #tpu.memory_space<vmem>>, vector<16xf32>,
          tpu.vector_store %arg13[%swap3A_641], %add3A_640 {strides = array<i32>} : memref<256xf32, #tpu.memory_space<vmem>>, vector<16xf32>,
          %add3A_643 = arith.constant 13 : i32
          %add3A_644 = arith.addi %mul3A_85, %add3A_643 : i32
          %get3A_645 = arith.index_cast %add3A_644 : i32 to index
          %get3A_646 = arith.constant 0 : index
          %get3A_647 = tpu.vector_load %arg10[%get3A_645, %get3A_646] {strides = array<i32>} : memref<80x128xf32, #tpu.memory_space<vmem>>, vector<16xf32>,
          %mul3A_648 = arith.mulf %get3A_647, %get3A_647 : vector<16xf32>
          %get3A_649 = arith.index_cast %add3A_644 : i32 to index
          %get3A_650 = arith.constant 16 : index
          %get3A_651 = tpu.vector_load %arg10[%get3A_649, %get3A_650] {strides = array<i32>} : memref<80x128xf32, #tpu.memory_space<vmem>>, vector<16xf32>,
          %mul3A_652 = arith.mulf %get3A_651, %get3A_651 : vector<16xf32>
          %add3A_653 = arith.addf %mul3A_648, %mul3A_652 : vector<16xf32>
          %get3A_654 = arith.index_cast %add3A_644 : i32 to index
          %get3A_655 = arith.constant 32 : index
          %get3A_656 = tpu.vector_load %arg10[%get3A_654, %get3A_655] {strides = array<i32>} : memref<80x128xf32, #tpu.memory_space<vmem>>, vector<16xf32>,
          %mul3A_657 = arith.mulf %get3A_656, %get3A_656 : vector<16xf32>
          %add3A_658 = arith.addf %add3A_653, %mul3A_657 : vector<16xf32>
          %get3A_659 = arith.index_cast %add3A_644 : i32 to index
          %get3A_660 = arith.constant 48 : index
          %get3A_661 = tpu.vector_load %arg10[%get3A_659, %get3A_660] {strides = array<i32>} : memref<80x128xf32, #tpu.memory_space<vmem>>, vector<16xf32>,
          %mul3A_662 = arith.mulf %get3A_661, %get3A_661 : vector<16xf32>
          %add3A_663 = arith.addf %add3A_658, %mul3A_662 : vector<16xf32>
          %get3A_664 = arith.index_cast %add3A_644 : i32 to index
          %get3A_665 = arith.constant 64 : index
          %get3A_666 = tpu.vector_load %arg10[%get3A_664, %get3A_665] {strides = array<i32>} : memref<80x128xf32, #tpu.memory_space<vmem>>, vector<16xf32>,
          %mul3A_667 = arith.mulf %get3A_666, %get3A_666 : vector<16xf32>
          %add3A_668 = arith.addf %add3A_663, %mul3A_667 : vector<16xf32>
          %get3A_669 = arith.index_cast %add3A_644 : i32 to index
          %get3A_670 = arith.constant 80 : index
          %get3A_671 = tpu.vector_load %arg10[%get3A_669, %get3A_670] {strides = array<i32>} : memref<80x128xf32, #tpu.memory_space<vmem>>, vector<16xf32>,
          %mul3A_672 = arith.mulf %get3A_671, %get3A_671 : vector<16xf32>
          %add3A_673 = arith.addf %add3A_668, %mul3A_672 : vector<16xf32>
          %get3A_674 = arith.index_cast %add3A_644 : i32 to index
          %get3A_675 = arith.constant 96 : index
          %get3A_676 = tpu.vector_load %arg10[%get3A_674, %get3A_675] {strides = array<i32>} : memref<80x128xf32, #tpu.memory_space<vmem>>, vector<16xf32>,
          %mul3A_677 = arith.mulf %get3A_676, %get3A_676 : vector<16xf32>
          %add3A_678 = arith.addf %add3A_673, %mul3A_677 : vector<16xf32>
          %get3A_679 = arith.index_cast %add3A_644 : i32 to index
          %get3A_680 = arith.constant 112 : index
          %get3A_681 = tpu.vector_load %arg10[%get3A_679, %get3A_680] {strides = array<i32>} : memref<80x128xf32, #tpu.memory_space<vmem>>, vector<16xf32>,
          %mul3A_682 = arith.mulf %get3A_681, %get3A_681 : vector<16xf32>
          %add3A_683 = arith.addf %add3A_678, %mul3A_682 : vector<16xf32>
          %swap3A_684 = arith.constant 208 : index
          %swap3A_685 = tpu.vector_load %arg13[%swap3A_684] {strides = array<i32>} : memref<256xf32, #tpu.memory_space<vmem>>, vector<16xf32>,
          tpu.vector_store %arg13[%swap3A_684], %add3A_683 {strides = array<i32>} : memref<256xf32, #tpu.memory_space<vmem>>, vector<16xf32>,
          %add3A_686 = arith.constant 14 : i32
          %add3A_687 = arith.addi %mul3A_85, %add3A_686 : i32
          %get3A_688 = arith.index_cast %add3A_687 : i32 to index
          %get3A_689 = arith.constant 0 : index
          %get3A_690 = tpu.vector_load %arg10[%get3A_688, %get3A_689] {strides = array<i32>} : memref<80x128xf32, #tpu.memory_space<vmem>>, vector<16xf32>,
          %mul3A_691 = arith.mulf %get3A_690, %get3A_690 : vector<16xf32>
          %get3A_692 = arith.index_cast %add3A_687 : i32 to index
          %get3A_693 = arith.constant 16 : index
          %get3A_694 = tpu.vector_load %arg10[%get3A_692, %get3A_693] {strides = array<i32>} : memref<80x128xf32, #tpu.memory_space<vmem>>, vector<16xf32>,
          %mul3A_695 = arith.mulf %get3A_694, %get3A_694 : vector<16xf32>
          %add3A_696 = arith.addf %mul3A_691, %mul3A_695 : vector<16xf32>
          %get3A_697 = arith.index_cast %add3A_687 : i32 to index
          %get3A_698 = arith.constant 32 : index
          %get3A_699 = tpu.vector_load %arg10[%get3A_697, %get3A_698] {strides = array<i32>} : memref<80x128xf32, #tpu.memory_space<vmem>>, vector<16xf32>,
          %mul3A_700 = arith.mulf %get3A_699, %get3A_699 : vector<16xf32>
          %add3A_701 = arith.addf %add3A_696, %mul3A_700 : vector<16xf32>
          %get3A_702 = arith.index_cast %add3A_687 : i32 to index
          %get3A_703 = arith.constant 48 : index
          %get3A_704 = tpu.vector_load %arg10[%get3A_702, %get3A_703] {strides = array<i32>} : memref<80x128xf32, #tpu.memory_space<vmem>>, vector<16xf32>,
          %mul3A_705 = arith.mulf %get3A_704, %get3A_704 : vector<16xf32>
          %add3A_706 = arith.addf %add3A_701, %mul3A_705 : vector<16xf32>
          %get3A_707 = arith.index_cast %add3A_687 : i32 to index
          %get3A_708 = arith.constant 64 : index
          %get3A_709 = tpu.vector_load %arg10[%get3A_707, %get3A_708] {strides = array<i32>} : memref<80x128xf32, #tpu.memory_space<vmem>>, vector<16xf32>,
          %mul3A_710 = arith.mulf %get3A_709, %get3A_709 : vector<16xf32>
          %add3A_711 = arith.addf %add3A_706, %mul3A_710 : vector<16xf32>
          %get3A_712 = arith.index_cast %add3A_687 : i32 to index
          %get3A_713 = arith.constant 80 : index
          %get3A_714 = tpu.vector_load %arg10[%get3A_712, %get3A_713] {strides = array<i32>} : memref<80x128xf32, #tpu.memory_space<vmem>>, vector<16xf32>,
          %mul3A_715 = arith.mulf %get3A_714, %get3A_714 : vector<16xf32>
          %add3A_716 = arith.addf %add3A_711, %mul3A_715 : vector<16xf32>
          %get3A_717 = arith.index_cast %add3A_687 : i32 to index
          %get3A_718 = arith.constant 96 : index
          %get3A_719 = tpu.vector_load %arg10[%get3A_717, %get3A_718] {strides = array<i32>} : memref<80x128xf32, #tpu.memory_space<vmem>>, vector<16xf32>,
          %mul3A_720 = arith.mulf %get3A_719, %get3A_719 : vector<16xf32>
          %add3A_721 = arith.addf %add3A_716, %mul3A_720 : vector<16xf32>
          %get3A_722 = arith.index_cast %add3A_687 : i32 to index
          %get3A_723 = arith.constant 112 : index
          %get3A_724 = tpu.vector_load %arg10[%get3A_722, %get3A_723] {strides = array<i32>} : memref<80x128xf32, #tpu.memory_space<vmem>>, vector<16xf32>,
          %mul3A_725 = arith.mulf %get3A_724, %get3A_724 : vector<16xf32>
          %add3A_726 = arith.addf %add3A_721, %mul3A_725 : vector<16xf32>
          %swap3A_727 = arith.constant 224 : index
          %swap3A_728 = tpu.vector_load %arg13[%swap3A_727] {strides = array<i32>} : memref<256xf32, #tpu.memory_space<vmem>>, vector<16xf32>,
          tpu.vector_store %arg13[%swap3A_727], %add3A_726 {strides = array<i32>} : memref<256xf32, #tpu.memory_space<vmem>>, vector<16xf32>,
          %add3A_729 = arith.constant 15 : i32
          %add3A_730 = arith.addi %mul3A_85, %add3A_729 : i32
          %get3A_731 = arith.index_cast %add3A_730 : i32 to index
          %get3A_732 = arith.constant 0 : index
          %get3A_733 = tpu.vector_load %arg10[%get3A_731, %get3A_732] {strides = array<i32>} : memref<80x128xf32, #tpu.memory_space<vmem>>, vector<16xf32>,
          %mul3A_734 = arith.mulf %get3A_733, %get3A_733 : vector<16xf32>
          %get3A_735 = arith.index_cast %add3A_730 : i32 to index
          %get3A_736 = arith.constant 16 : index
          %get3A_737 = tpu.vector_load %arg10[%get3A_735, %get3A_736] {strides = array<i32>} : memref<80x128xf32, #tpu.memory_space<vmem>>, vector<16xf32>,
          %mul3A_738 = arith.mulf %get3A_737, %get3A_737 : vector<16xf32>
          %add3A_739 = arith.addf %mul3A_734, %mul3A_738 : vector<16xf32>
          %get3A_740 = arith.index_cast %add3A_730 : i32 to index
          %get3A_741 = arith.constant 32 : index
          %get3A_742 = tpu.vector_load %arg10[%get3A_740, %get3A_741] {strides = array<i32>} : memref<80x128xf32, #tpu.memory_space<vmem>>, vector<16xf32>,
          %mul3A_743 = arith.mulf %get3A_742, %get3A_742 : vector<16xf32>
          %add3A_744 = arith.addf %add3A_739, %mul3A_743 : vector<16xf32>
          %get3A_745 = arith.index_cast %add3A_730 : i32 to index
          %get3A_746 = arith.constant 48 : index
          %get3A_747 = tpu.vector_load %arg10[%get3A_745, %get3A_746] {strides = array<i32>} : memref<80x128xf32, #tpu.memory_space<vmem>>, vector<16xf32>,
          %mul3A_748 = arith.mulf %get3A_747, %get3A_747 : vector<16xf32>
          %add3A_749 = arith.addf %add3A_744, %mul3A_748 : vector<16xf32>
          %get3A_750 = arith.index_cast %add3A_730 : i32 to index
          %get3A_751 = arith.constant 64 : index
          %get3A_752 = tpu.vector_load %arg10[%get3A_750, %get3A_751] {strides = array<i32>} : memref<80x128xf32, #tpu.memory_space<vmem>>, vector<16xf32>,
          %mul3A_753 = arith.mulf %get3A_752, %get3A_752 : vector<16xf32>
          %add3A_754 = arith.addf %add3A_749, %mul3A_753 : vector<16xf32>
          %get3A_755 = arith.index_cast %add3A_730 : i32 to index
          %get3A_756 = arith.constant 80 : index
          %get3A_757 = tpu.vector_load %arg10[%get3A_755, %get3A_756] {strides = array<i32>} : memref<80x128xf32, #tpu.memory_space<vmem>>, vector<16xf32>,
          %mul3A_758 = arith.mulf %get3A_757, %get3A_757 : vector<16xf32>
          %add3A_759 = arith.addf %add3A_754, %mul3A_758 : vector<16xf32>
          %get3A_760 = arith.index_cast %add3A_730 : i32 to index
          %get3A_761 = arith.constant 96 : index
          %get3A_762 = tpu.vector_load %arg10[%get3A_760, %get3A_761] {strides = array<i32>} : memref<80x128xf32, #tpu.memory_space<vmem>>, vector<16xf32>,
          %mul3A_763 = arith.mulf %get3A_762, %get3A_762 : vector<16xf32>
          %add3A_764 = arith.addf %add3A_759, %mul3A_763 : vector<16xf32>
          %get3A_765 = arith.index_cast %add3A_730 : i32 to index
          %get3A_766 = arith.constant 112 : index
          %get3A_767 = tpu.vector_load %arg10[%get3A_765, %get3A_766] {strides = array<i32>} : memref<80x128xf32, #tpu.memory_space<vmem>>, vector<16xf32>,
          %mul3A_768 = arith.mulf %get3A_767, %get3A_767 : vector<16xf32>
          %add3A_769 = arith.addf %add3A_764, %mul3A_768 : vector<16xf32>
          %swap3A_770 = arith.constant 240 : index
          %swap3A_771 = tpu.vector_load %arg13[%swap3A_770] {strides = array<i32>} : memref<256xf32, #tpu.memory_space<vmem>>, vector<16xf32>,
          tpu.vector_store %arg13[%swap3A_770], %add3A_769 {strides = array<i32>} : memref<256xf32, #tpu.memory_space<vmem>>, vector<16xf32>,
          %iota3A = tpu.iota {dimensions = array<i32: 0>} : vector<16xi32>
          %mul3A_772 = arith.constant 16 : i32
          %mul3A_773 = vector.broadcast %mul3A_772 : i32 to vector<16xi32>
          %mul3A_774 = arith.muli %iota3A, %mul3A_773 : vector<16xi32>
          %gather3A = tpu.vector_load_idx %arg13[%mul3A_774] : memref<256xf32, #tpu.memory_space<vmem>>[vector<16xi32>], vector<16xf32>,
          %add3A_775 = arith.constant 1 : i32
          %add3A_776 = vector.broadcast %add3A_775 : i32 to vector<16xi32>
          %add3A_777 = arith.addi %mul3A_774, %add3A_776 : vector<16xi32>
          %gather3A_778 = tpu.vector_load_idx %arg13[%add3A_777] : memref<256xf32, #tpu.memory_space<vmem>>[vector<16xi32>], vector<16xf32>,
          %add3A_779 = arith.addf %gather3A, %gather3A_778 : vector<16xf32>
          %add3A_780 = arith.constant 2 : i32
          %add3A_781 = vector.broadcast %add3A_780 : i32 to vector<16xi32>
          %add3A_782 = arith.addi %mul3A_774, %add3A_781 : vector<16xi32>
          %gather3A_783 = tpu.vector_load_idx %arg13[%add3A_782] : memref<256xf32, #tpu.memory_space<vmem>>[vector<16xi32>], vector<16xf32>,
          %add3A_784 = arith.addf %add3A_779, %gather3A_783 : vector<16xf32>
          %add3A_785 = arith.constant 3 : i32
          %add3A_786 = vector.broadcast %add3A_785 : i32 to vector<16xi32>
          %add3A_787 = arith.addi %mul3A_774, %add3A_786 : vector<16xi32>
          %gather3A_788 = tpu.vector_load_idx %arg13[%add3A_787] : memref<256xf32, #tpu.memory_space<vmem>>[vector<16xi32>], vector<16xf32>,
          %add3A_789 = arith.addf %add3A_784, %gather3A_788 : vector<16xf32>
          %add3A_790 = arith.constant 4 : i32
          %add3A_791 = vector.broadcast %add3A_790 : i32 to vector<16xi32>
          %add3A_792 = arith.addi %mul3A_774, %add3A_791 : vector<16xi32>
          %gather3A_793 = tpu.vector_load_idx %arg13[%add3A_792] : memref<256xf32, #tpu.memory_space<vmem>>[vector<16xi32>], vector<16xf32>,
          %add3A_794 = arith.addf %add3A_789, %gather3A_793 : vector<16xf32>
          %add3A_795 = arith.constant 5 : i32
          %add3A_796 = vector.broadcast %add3A_795 : i32 to vector<16xi32>
          %add3A_797 = arith.addi %mul3A_774, %add3A_796 : vector<16xi32>
          %gather3A_798 = tpu.vector_load_idx %arg13[%add3A_797] : memref<256xf32, #tpu.memory_space<vmem>>[vector<16xi32>], vector<16xf32>,
          %add3A_799 = arith.addf %add3A_794, %gather3A_798 : vector<16xf32>
          %add3A_800 = arith.constant 6 : i32
          %add3A_801 = vector.broadcast %add3A_800 : i32 to vector<16xi32>
          %add3A_802 = arith.addi %mul3A_774, %add3A_801 : vector<16xi32>
          %gather3A_803 = tpu.vector_load_idx %arg13[%add3A_802] : memref<256xf32, #tpu.memory_space<vmem>>[vector<16xi32>], vector<16xf32>,
          %add3A_804 = arith.addf %add3A_799, %gather3A_803 : vector<16xf32>
          %add3A_805 = arith.constant 7 : i32
          %add3A_806 = vector.broadcast %add3A_805 : i32 to vector<16xi32>
          %add3A_807 = arith.addi %mul3A_774, %add3A_806 : vector<16xi32>
          %gather3A_808 = tpu.vector_load_idx %arg13[%add3A_807] : memref<256xf32, #tpu.memory_space<vmem>>[vector<16xi32>], vector<16xf32>,
          %add3A_809 = arith.addf %add3A_804, %gather3A_808 : vector<16xf32>
          %add3A_810 = arith.constant 8 : i32
          %add3A_811 = vector.broadcast %add3A_810 : i32 to vector<16xi32>
          %add3A_812 = arith.addi %mul3A_774, %add3A_811 : vector<16xi32>
          %gather3A_813 = tpu.vector_load_idx %arg13[%add3A_812] : memref<256xf32, #tpu.memory_space<vmem>>[vector<16xi32>], vector<16xf32>,
          %add3A_814 = arith.addf %add3A_809, %gather3A_813 : vector<16xf32>
          %add3A_815 = arith.constant 9 : i32
          %add3A_816 = vector.broadcast %add3A_815 : i32 to vector<16xi32>
          %add3A_817 = arith.addi %mul3A_774, %add3A_816 : vector<16xi32>
          %gather3A_818 = tpu.vector_load_idx %arg13[%add3A_817] : memref<256xf32, #tpu.memory_space<vmem>>[vector<16xi32>], vector<16xf32>,
          %add3A_819 = arith.addf %add3A_814, %gather3A_818 : vector<16xf32>
          %add3A_820 = arith.constant 10 : i32
          %add3A_821 = vector.broadcast %add3A_820 : i32 to vector<16xi32>
          %add3A_822 = arith.addi %mul3A_774, %add3A_821 : vector<16xi32>
          %gather3A_823 = tpu.vector_load_idx %arg13[%add3A_822] : memref<256xf32, #tpu.memory_space<vmem>>[vector<16xi32>], vector<16xf32>,
          %add3A_824 = arith.addf %add3A_819, %gather3A_823 : vector<16xf32>
          %add3A_825 = arith.constant 11 : i32
          %add3A_826 = vector.broadcast %add3A_825 : i32 to vector<16xi32>
          %add3A_827 = arith.addi %mul3A_774, %add3A_826 : vector<16xi32>
          %gather3A_828 = tpu.vector_load_idx %arg13[%add3A_827] : memref<256xf32, #tpu.memory_space<vmem>>[vector<16xi32>], vector<16xf32>,
          %add3A_829 = arith.addf %add3A_824, %gather3A_828 : vector<16xf32>
          %add3A_830 = arith.constant 12 : i32
          %add3A_831 = vector.broadcast %add3A_830 : i32 to vector<16xi32>
          %add3A_832 = arith.addi %mul3A_774, %add3A_831 : vector<16xi32>
          %gather3A_833 = tpu.vector_load_idx %arg13[%add3A_832] : memref<256xf32, #tpu.memory_space<vmem>>[vector<16xi32>], vector<16xf32>,
          %add3A_834 = arith.addf %add3A_829, %gather3A_833 : vector<16xf32>
          %add3A_835 = arith.constant 13 : i32
          %add3A_836 = vector.broadcast %add3A_835 : i32 to vector<16xi32>
          %add3A_837 = arith.addi %mul3A_774, %add3A_836 : vector<16xi32>
          %gather3A_838 = tpu.vector_load_idx %arg13[%add3A_837] : memref<256xf32, #tpu.memory_space<vmem>>[vector<16xi32>], vector<16xf32>,
          %add3A_839 = arith.addf %add3A_834, %gather3A_838 : vector<16xf32>
          %add3A_840 = arith.constant 14 : i32
          %add3A_841 = vector.broadcast %add3A_840 : i32 to vector<16xi32>
          %add3A_842 = arith.addi %mul3A_774, %add3A_841 : vector<16xi32>
          %gather3A_843 = tpu.vector_load_idx %arg13[%add3A_842] : memref<256xf32, #tpu.memory_space<vmem>>[vector<16xi32>], vector<16xf32>,
          %add3A_844 = arith.addf %add3A_839, %gather3A_843 : vector<16xf32>
          %add3A_845 = arith.constant 15 : i32
          %add3A_846 = vector.broadcast %add3A_845 : i32 to vector<16xi32>
          %add3A_847 = arith.addi %mul3A_774, %add3A_846 : vector<16xi32>
          %gather3A_848 = tpu.vector_load_idx %arg13[%add3A_847] : memref<256xf32, #tpu.memory_space<vmem>>[vector<16xi32>], vector<16xf32>,
          %add3A_849 = arith.addf %add3A_844, %gather3A_848 : vector<16xf32>
          %mul3A_850 = arith.constant 80 : i32
          %mul3A_851 = arith.muli %add3A_35, %mul3A_850 : i32
          %add3A_852 = arith.addi %mul3A_851, %mul3A_85 : i32
          %get3A_853 = arith.index_cast %add3A_852 : i32 to index
          %get3A_854 = tpu.vector_load %arg7[%get3A_853] {strides = array<i32>} : memref<20000xi32, #tpu.memory_space<vmem>>, vector<16xi32>,
          %gather3A_855 = tpu.vector_load_idx %arg9[%get3A_854] : memref<10000xf32, #tpu.memory_space<vmem>>[vector<16xi32>], vector<16xf32>,
          %get3A_856 = arith.index_cast %add3A_852 : i32 to index
          %get3A_857 = tpu.vector_load %arg8[%get3A_856] {strides = array<i32>} : memref<20000xi32, #tpu.memory_space<vmem>>, vector<16xi32>,
          %gather3A_858 = tpu.vector_load_idx %arg9[%get3A_857] : memref<10000xf32, #tpu.memory_space<vmem>>[vector<16xi32>], vector<16xf32>,
          %sub3A = arith.subf %add3A_849, %gather3A_855 : vector<16xf32>
          %sub3A_859 = arith.subf %sub3A, %gather3A_858 : vector<16xf32>
          %mul3A_860 = arith.constant 5.000000e-01 : f32
          %mul3A_861 = vector.broadcast %mul3A_860 : f32 to vector<16xf32>
          %mul3A_862 = arith.mulf %mul3A_861, %sub3A_859 : vector<16xf32>
          %neg3A = arith.constant 0.000000e+00 : f32
          %neg3A_863 = vector.broadcast %neg3A : f32 to vector<16xf32>
          %neg3A_864 = arith.subf %neg3A_863, %mul3A_862 : vector<16xf32>
          %exp3A = math.exp %neg3A_864 : vector<16xf32>
          %add3A_865 = arith.constant 1.000000e+00 : f32
          %add3A_866 = vector.broadcast %add3A_865 : f32 to vector<16xf32>
          %add3A_867 = arith.addf %add3A_866, %exp3A : vector<16xf32>
          %div3A = arith.constant 1.000000e+00 : f32
          %div3A_868 = vector.broadcast %div3A : f32 to vector<16xf32>
          %div3A_869 = arith.divf %div3A_868, %add3A_867 : vector<16xf32>
          %swap3A_870 = arith.index_cast %add3A_852 : i32 to index
          %swap3A_871 = tpu.vector_load %arg14[%swap3A_870] {strides = array<i32>} : memref<20000xf32, #tpu.memory_space<vmem>>, vector<16xf32>,
          tpu.vector_store %arg14[%swap3A_870], %div3A_869 {strides = array<i32>} : memref<20000xf32, #tpu.memory_space<vmem>>, vector<16xf32>,
        }
        %scan3A_82 = arith.constant 5 : i32
      } else {
      }
      %mul3A_38 = arith.constant 3 : i32
      %mul3A_39 = arith.muli %scan3A_31, %mul3A_38 : i32
      %add3A_40 = arith.constant 1 : i32
      %add3A_41 = arith.addi %mul3A_39, %add3A_40 : i32
      %lt3A_42 = arith.constant 250 : i32
      %lt3A_43 = arith.cmpi slt, %add3A_41, %lt3A_42 : i32
      %convert_element_type3A_44 = arith.extui %lt3A_43 : i1 to i32
      %cond3A_45 = arith.constant 0 : i32
      %cond3A_46 = arith.cmpi ne, %convert_element_type3A_44, %cond3A_45 : i32
      scf.if %cond3A_46 {
        %add3A_56 = arith.constant 1 : i32
        %add3A_57 = arith.addi %add3A_41, %add3A_56 : i32
        %lt3A_58 = arith.constant 250 : i32
        %lt3A_59 = arith.cmpi slt, %add3A_57, %lt3A_58 : i32
        %convert_element_type3A_60 = arith.extui %lt3A_59 : i1 to i32
        %cond3A_61 = arith.constant 0 : i32
        %cond3A_62 = arith.cmpi ne, %convert_element_type3A_60, %cond3A_61 : i32
        scf.if %cond3A_62 {
          %add3A_83 = arith.constant 1 : i32
          %add3A_84 = arith.addi %add3A_41, %add3A_83 : i32
          %mul3A_85 = arith.constant 80 : i32
          %mul3A_86 = arith.muli %add3A_84, %mul3A_85 : i32
          %multiple_of3A_87 = tpu.assume_multiple %mul3A_86, 8 : i32
          %dma_wait3A_88 = tpu.memref_slice %arg7[%multiple_of3A_87] : memref<20000xi32, #tpu.memory_space<vmem>> -> memref<80xi32, #tpu.memory_space<vmem>>
          %dma_wait3A_89 = arith.constant 0 : i32
          %dma_wait3A_90 = arith.constant 0 : i32
          %dma_wait3A_91 = tpu.memref_slice %arg2[%dma_wait3A_89, %dma_wait3A_90] : memref<10000x128xf32, #tpu.memory_space<hbm>> -> memref<10000x128xf32, #tpu.memory_space<hbm>>
          tpu.wait_indirect_dma semaphore(%arg17 : memref<!tpu.dma_semaphore, #tpu.memory_space<semaphore_mem>>) src(%dma_wait3A_91 : memref<10000x128xf32, #tpu.memory_space<hbm>>) dst(%arg12 : memref<80x128xf32, #tpu.memory_space<vmem>>)
          %add3A_92 = arith.constant 1 : i32
          %add3A_93 = arith.addi %add3A_41, %add3A_92 : i32
          %mul3A_94 = arith.constant 80 : i32
          %mul3A_95 = arith.muli %add3A_93, %mul3A_94 : i32
          %multiple_of3A_96 = tpu.assume_multiple %mul3A_95, 8 : i32
          %dma_start3A_97 = tpu.memref_slice %arg8[%multiple_of3A_96] : memref<20000xi32, #tpu.memory_space<vmem>> -> memref<80xi32, #tpu.memory_space<vmem>>
          %dma_start3A_98 = arith.constant 0 : i32
          %dma_start3A_99 = arith.constant 0 : i32
          %dma_start3A_100 = tpu.memref_slice %arg2[%dma_start3A_98, %dma_start3A_99] : memref<10000x128xf32, #tpu.memory_space<hbm>> -> memref<10000x128xf32, #tpu.memory_space<hbm>>
          tpu.enqueue_indirect_dma source(%dma_start3A_100 : memref<10000x128xf32, #tpu.memory_space<hbm>>) target(%arg12 : memref<80x128xf32, #tpu.memory_space<vmem>>) offsets(%dma_start3A_97 : memref<80xi32, #tpu.memory_space<vmem>>) semaphore(%arg20 : memref<!tpu.dma_semaphore, #tpu.memory_space<semaphore_mem>>) {add = true}
        } else {
        }
        %add3A_63 = arith.constant 2 : i32
        %add3A_64 = arith.addi %add3A_41, %add3A_63 : i32
        %lt3A_65 = arith.constant 250 : i32
        %lt3A_66 = arith.cmpi slt, %add3A_64, %lt3A_65 : i32
        %convert_element_type3A_67 = arith.extui %lt3A_66 : i1 to i32
        %cond3A_68 = arith.constant 0 : i32
        %cond3A_69 = arith.cmpi ne, %convert_element_type3A_67, %cond3A_68 : i32
        scf.if %cond3A_69 {
          %add3A_83 = arith.constant 2 : i32
          %add3A_84 = arith.addi %add3A_41, %add3A_83 : i32
          %mul3A_85 = arith.constant 80 : i32
          %mul3A_86 = arith.muli %add3A_84, %mul3A_85 : i32
          %multiple_of3A_87 = tpu.assume_multiple %mul3A_86, 8 : i32
          %dma_start3A_88 = tpu.memref_slice %arg7[%multiple_of3A_87] : memref<20000xi32, #tpu.memory_space<vmem>> -> memref<80xi32, #tpu.memory_space<vmem>>
          %dma_start3A_89 = arith.constant 0 : i32
          %dma_start3A_90 = arith.constant 0 : i32
          %dma_start3A_91 = tpu.memref_slice %arg2[%dma_start3A_89, %dma_start3A_90] : memref<10000x128xf32, #tpu.memory_space<hbm>> -> memref<10000x128xf32, #tpu.memory_space<hbm>>
          tpu.enqueue_indirect_dma source(%dma_start3A_91 : memref<10000x128xf32, #tpu.memory_space<hbm>>) target(%arg10 : memref<80x128xf32, #tpu.memory_space<vmem>>) offsets(%dma_start3A_88 : memref<80xi32, #tpu.memory_space<vmem>>) semaphore(%arg15 : memref<!tpu.dma_semaphore, #tpu.memory_space<semaphore_mem>>)
        } else {
        }
        %mul3A_70 = arith.constant 80 : i32
        %mul3A_71 = arith.muli %add3A_41, %mul3A_70 : i32
        %multiple_of3A_72 = tpu.assume_multiple %mul3A_71, 8 : i32
        %dma_wait3A_73 = tpu.memref_slice %arg8[%multiple_of3A_72] : memref<20000xi32, #tpu.memory_space<vmem>> -> memref<80xi32, #tpu.memory_space<vmem>>
        %dma_wait3A_74 = arith.constant 0 : i32
        %dma_wait3A_75 = arith.constant 0 : i32
        %dma_wait3A_76 = tpu.memref_slice %arg2[%dma_wait3A_74, %dma_wait3A_75] : memref<10000x128xf32, #tpu.memory_space<hbm>> -> memref<10000x128xf32, #tpu.memory_space<hbm>>
        tpu.wait_indirect_dma semaphore(%arg19 : memref<!tpu.dma_semaphore, #tpu.memory_space<semaphore_mem>>) src(%dma_wait3A_76 : memref<10000x128xf32, #tpu.memory_space<hbm>>) dst(%arg11 : memref<80x128xf32, #tpu.memory_space<vmem>>)
        %scan3A_77 = arith.constant 0 : i32
        %scan3A_78 = arith.constant 0 : i32
        %scan3A_79 = arith.constant 5 : i32
        %scan3A_80 = arith.addi %scan3A_78, %scan3A_79 : i32
        %scan3A_81 = arith.constant 1 : i32
        scf.for %scan3A_83 = %scan3A_78 to %scan3A_80 step %scan3A_81  : i32 {
          %mul3A_84 = arith.constant 16 : i32
          %mul3A_85 = arith.muli %scan3A_83, %mul3A_84 : i32
          %add3A_86 = arith.constant 0 : i32
          %add3A_87 = arith.addi %mul3A_85, %add3A_86 : i32
          %get3A = arith.index_cast %add3A_87 : i32 to index
          %get3A_88 = arith.constant 0 : index
          %get3A_89 = tpu.vector_load %arg11[%get3A, %get3A_88] {strides = array<i32>} : memref<80x128xf32, #tpu.memory_space<vmem>>, vector<16xf32>,
          %mul3A_90 = arith.mulf %get3A_89, %get3A_89 : vector<16xf32>
          %get3A_91 = arith.index_cast %add3A_87 : i32 to index
          %get3A_92 = arith.constant 16 : index
          %get3A_93 = tpu.vector_load %arg11[%get3A_91, %get3A_92] {strides = array<i32>} : memref<80x128xf32, #tpu.memory_space<vmem>>, vector<16xf32>,
          %mul3A_94 = arith.mulf %get3A_93, %get3A_93 : vector<16xf32>
          %add3A_95 = arith.addf %mul3A_90, %mul3A_94 : vector<16xf32>
          %get3A_96 = arith.index_cast %add3A_87 : i32 to index
          %get3A_97 = arith.constant 32 : index
          %get3A_98 = tpu.vector_load %arg11[%get3A_96, %get3A_97] {strides = array<i32>} : memref<80x128xf32, #tpu.memory_space<vmem>>, vector<16xf32>,
          %mul3A_99 = arith.mulf %get3A_98, %get3A_98 : vector<16xf32>
          %add3A_100 = arith.addf %add3A_95, %mul3A_99 : vector<16xf32>
          %get3A_101 = arith.index_cast %add3A_87 : i32 to index
          %get3A_102 = arith.constant 48 : index
          %get3A_103 = tpu.vector_load %arg11[%get3A_101, %get3A_102] {strides = array<i32>} : memref<80x128xf32, #tpu.memory_space<vmem>>, vector<16xf32>,
          %mul3A_104 = arith.mulf %get3A_103, %get3A_103 : vector<16xf32>
          %add3A_105 = arith.addf %add3A_100, %mul3A_104 : vector<16xf32>
          %get3A_106 = arith.index_cast %add3A_87 : i32 to index
          %get3A_107 = arith.constant 64 : index
          %get3A_108 = tpu.vector_load %arg11[%get3A_106, %get3A_107] {strides = array<i32>} : memref<80x128xf32, #tpu.memory_space<vmem>>, vector<16xf32>,
          %mul3A_109 = arith.mulf %get3A_108, %get3A_108 : vector<16xf32>
          %add3A_110 = arith.addf %add3A_105, %mul3A_109 : vector<16xf32>
          %get3A_111 = arith.index_cast %add3A_87 : i32 to index
          %get3A_112 = arith.constant 80 : index
          %get3A_113 = tpu.vector_load %arg11[%get3A_111, %get3A_112] {strides = array<i32>} : memref<80x128xf32, #tpu.memory_space<vmem>>, vector<16xf32>,
          %mul3A_114 = arith.mulf %get3A_113, %get3A_113 : vector<16xf32>
          %add3A_115 = arith.addf %add3A_110, %mul3A_114 : vector<16xf32>
          %get3A_116 = arith.index_cast %add3A_87 : i32 to index
          %get3A_117 = arith.constant 96 : index
          %get3A_118 = tpu.vector_load %arg11[%get3A_116, %get3A_117] {strides = array<i32>} : memref<80x128xf32, #tpu.memory_space<vmem>>, vector<16xf32>,
          %mul3A_119 = arith.mulf %get3A_118, %get3A_118 : vector<16xf32>
          %add3A_120 = arith.addf %add3A_115, %mul3A_119 : vector<16xf32>
          %get3A_121 = arith.index_cast %add3A_87 : i32 to index
          %get3A_122 = arith.constant 112 : index
          %get3A_123 = tpu.vector_load %arg11[%get3A_121, %get3A_122] {strides = array<i32>} : memref<80x128xf32, #tpu.memory_space<vmem>>, vector<16xf32>,
          %mul3A_124 = arith.mulf %get3A_123, %get3A_123 : vector<16xf32>
          %add3A_125 = arith.addf %add3A_120, %mul3A_124 : vector<16xf32>
          %swap3A = arith.constant 0 : index
          %swap3A_126 = tpu.vector_load %arg13[%swap3A] {strides = array<i32>} : memref<256xf32, #tpu.memory_space<vmem>>, vector<16xf32>,
          tpu.vector_store %arg13[%swap3A], %add3A_125 {strides = array<i32>} : memref<256xf32, #tpu.memory_space<vmem>>, vector<16xf32>,
          %add3A_127 = arith.constant 1 : i32
          %add3A_128 = arith.addi %mul3A_85, %add3A_127 : i32
          %get3A_129 = arith.index_cast %add3A_128 : i32 to index
          %get3A_130 = arith.constant 0 : index
          %get3A_131 = tpu.vector_load %arg11[%get3A_129, %get3A_130] {strides = array<i32>} : memref<80x128xf32, #tpu.memory_space<vmem>>, vector<16xf32>,
          %mul3A_132 = arith.mulf %get3A_131, %get3A_131 : vector<16xf32>
          %get3A_133 = arith.index_cast %add3A_128 : i32 to index
          %get3A_134 = arith.constant 16 : index
          %get3A_135 = tpu.vector_load %arg11[%get3A_133, %get3A_134] {strides = array<i32>} : memref<80x128xf32, #tpu.memory_space<vmem>>, vector<16xf32>,
          %mul3A_136 = arith.mulf %get3A_135, %get3A_135 : vector<16xf32>
          %add3A_137 = arith.addf %mul3A_132, %mul3A_136 : vector<16xf32>
          %get3A_138 = arith.index_cast %add3A_128 : i32 to index
          %get3A_139 = arith.constant 32 : index
          %get3A_140 = tpu.vector_load %arg11[%get3A_138, %get3A_139] {strides = array<i32>} : memref<80x128xf32, #tpu.memory_space<vmem>>, vector<16xf32>,
          %mul3A_141 = arith.mulf %get3A_140, %get3A_140 : vector<16xf32>
          %add3A_142 = arith.addf %add3A_137, %mul3A_141 : vector<16xf32>
          %get3A_143 = arith.index_cast %add3A_128 : i32 to index
          %get3A_144 = arith.constant 48 : index
          %get3A_145 = tpu.vector_load %arg11[%get3A_143, %get3A_144] {strides = array<i32>} : memref<80x128xf32, #tpu.memory_space<vmem>>, vector<16xf32>,
          %mul3A_146 = arith.mulf %get3A_145, %get3A_145 : vector<16xf32>
          %add3A_147 = arith.addf %add3A_142, %mul3A_146 : vector<16xf32>
          %get3A_148 = arith.index_cast %add3A_128 : i32 to index
          %get3A_149 = arith.constant 64 : index
          %get3A_150 = tpu.vector_load %arg11[%get3A_148, %get3A_149] {strides = array<i32>} : memref<80x128xf32, #tpu.memory_space<vmem>>, vector<16xf32>,
          %mul3A_151 = arith.mulf %get3A_150, %get3A_150 : vector<16xf32>
          %add3A_152 = arith.addf %add3A_147, %mul3A_151 : vector<16xf32>
          %get3A_153 = arith.index_cast %add3A_128 : i32 to index
          %get3A_154 = arith.constant 80 : index
          %get3A_155 = tpu.vector_load %arg11[%get3A_153, %get3A_154] {strides = array<i32>} : memref<80x128xf32, #tpu.memory_space<vmem>>, vector<16xf32>,
          %mul3A_156 = arith.mulf %get3A_155, %get3A_155 : vector<16xf32>
          %add3A_157 = arith.addf %add3A_152, %mul3A_156 : vector<16xf32>
          %get3A_158 = arith.index_cast %add3A_128 : i32 to index
          %get3A_159 = arith.constant 96 : index
          %get3A_160 = tpu.vector_load %arg11[%get3A_158, %get3A_159] {strides = array<i32>} : memref<80x128xf32, #tpu.memory_space<vmem>>, vector<16xf32>,
          %mul3A_161 = arith.mulf %get3A_160, %get3A_160 : vector<16xf32>
          %add3A_162 = arith.addf %add3A_157, %mul3A_161 : vector<16xf32>
          %get3A_163 = arith.index_cast %add3A_128 : i32 to index
          %get3A_164 = arith.constant 112 : index
          %get3A_165 = tpu.vector_load %arg11[%get3A_163, %get3A_164] {strides = array<i32>} : memref<80x128xf32, #tpu.memory_space<vmem>>, vector<16xf32>,
          %mul3A_166 = arith.mulf %get3A_165, %get3A_165 : vector<16xf32>
          %add3A_167 = arith.addf %add3A_162, %mul3A_166 : vector<16xf32>
          %swap3A_168 = arith.constant 16 : index
          %swap3A_169 = tpu.vector_load %arg13[%swap3A_168] {strides = array<i32>} : memref<256xf32, #tpu.memory_space<vmem>>, vector<16xf32>,
          tpu.vector_store %arg13[%swap3A_168], %add3A_167 {strides = array<i32>} : memref<256xf32, #tpu.memory_space<vmem>>, vector<16xf32>,
          %add3A_170 = arith.constant 2 : i32
          %add3A_171 = arith.addi %mul3A_85, %add3A_170 : i32
          %get3A_172 = arith.index_cast %add3A_171 : i32 to index
          %get3A_173 = arith.constant 0 : index
          %get3A_174 = tpu.vector_load %arg11[%get3A_172, %get3A_173] {strides = array<i32>} : memref<80x128xf32, #tpu.memory_space<vmem>>, vector<16xf32>,
          %mul3A_175 = arith.mulf %get3A_174, %get3A_174 : vector<16xf32>
          %get3A_176 = arith.index_cast %add3A_171 : i32 to index
          %get3A_177 = arith.constant 16 : index
          %get3A_178 = tpu.vector_load %arg11[%get3A_176, %get3A_177] {strides = array<i32>} : memref<80x128xf32, #tpu.memory_space<vmem>>, vector<16xf32>,
          %mul3A_179 = arith.mulf %get3A_178, %get3A_178 : vector<16xf32>
          %add3A_180 = arith.addf %mul3A_175, %mul3A_179 : vector<16xf32>
          %get3A_181 = arith.index_cast %add3A_171 : i32 to index
          %get3A_182 = arith.constant 32 : index
          %get3A_183 = tpu.vector_load %arg11[%get3A_181, %get3A_182] {strides = array<i32>} : memref<80x128xf32, #tpu.memory_space<vmem>>, vector<16xf32>,
          %mul3A_184 = arith.mulf %get3A_183, %get3A_183 : vector<16xf32>
          %add3A_185 = arith.addf %add3A_180, %mul3A_184 : vector<16xf32>
          %get3A_186 = arith.index_cast %add3A_171 : i32 to index
          %get3A_187 = arith.constant 48 : index
          %get3A_188 = tpu.vector_load %arg11[%get3A_186, %get3A_187] {strides = array<i32>} : memref<80x128xf32, #tpu.memory_space<vmem>>, vector<16xf32>,
          %mul3A_189 = arith.mulf %get3A_188, %get3A_188 : vector<16xf32>
          %add3A_190 = arith.addf %add3A_185, %mul3A_189 : vector<16xf32>
          %get3A_191 = arith.index_cast %add3A_171 : i32 to index
          %get3A_192 = arith.constant 64 : index
          %get3A_193 = tpu.vector_load %arg11[%get3A_191, %get3A_192] {strides = array<i32>} : memref<80x128xf32, #tpu.memory_space<vmem>>, vector<16xf32>,
          %mul3A_194 = arith.mulf %get3A_193, %get3A_193 : vector<16xf32>
          %add3A_195 = arith.addf %add3A_190, %mul3A_194 : vector<16xf32>
          %get3A_196 = arith.index_cast %add3A_171 : i32 to index
          %get3A_197 = arith.constant 80 : index
          %get3A_198 = tpu.vector_load %arg11[%get3A_196, %get3A_197] {strides = array<i32>} : memref<80x128xf32, #tpu.memory_space<vmem>>, vector<16xf32>,
          %mul3A_199 = arith.mulf %get3A_198, %get3A_198 : vector<16xf32>
          %add3A_200 = arith.addf %add3A_195, %mul3A_199 : vector<16xf32>
          %get3A_201 = arith.index_cast %add3A_171 : i32 to index
          %get3A_202 = arith.constant 96 : index
          %get3A_203 = tpu.vector_load %arg11[%get3A_201, %get3A_202] {strides = array<i32>} : memref<80x128xf32, #tpu.memory_space<vmem>>, vector<16xf32>,
          %mul3A_204 = arith.mulf %get3A_203, %get3A_203 : vector<16xf32>
          %add3A_205 = arith.addf %add3A_200, %mul3A_204 : vector<16xf32>
          %get3A_206 = arith.index_cast %add3A_171 : i32 to index
          %get3A_207 = arith.constant 112 : index
          %get3A_208 = tpu.vector_load %arg11[%get3A_206, %get3A_207] {strides = array<i32>} : memref<80x128xf32, #tpu.memory_space<vmem>>, vector<16xf32>,
          %mul3A_209 = arith.mulf %get3A_208, %get3A_208 : vector<16xf32>
          %add3A_210 = arith.addf %add3A_205, %mul3A_209 : vector<16xf32>
          %swap3A_211 = arith.constant 32 : index
          %swap3A_212 = tpu.vector_load %arg13[%swap3A_211] {strides = array<i32>} : memref<256xf32, #tpu.memory_space<vmem>>, vector<16xf32>,
          tpu.vector_store %arg13[%swap3A_211], %add3A_210 {strides = array<i32>} : memref<256xf32, #tpu.memory_space<vmem>>, vector<16xf32>,
          %add3A_213 = arith.constant 3 : i32
          %add3A_214 = arith.addi %mul3A_85, %add3A_213 : i32
          %get3A_215 = arith.index_cast %add3A_214 : i32 to index
          %get3A_216 = arith.constant 0 : index
          %get3A_217 = tpu.vector_load %arg11[%get3A_215, %get3A_216] {strides = array<i32>} : memref<80x128xf32, #tpu.memory_space<vmem>>, vector<16xf32>,
          %mul3A_218 = arith.mulf %get3A_217, %get3A_217 : vector<16xf32>
          %get3A_219 = arith.index_cast %add3A_214 : i32 to index
          %get3A_220 = arith.constant 16 : index
          %get3A_221 = tpu.vector_load %arg11[%get3A_219, %get3A_220] {strides = array<i32>} : memref<80x128xf32, #tpu.memory_space<vmem>>, vector<16xf32>,
          %mul3A_222 = arith.mulf %get3A_221, %get3A_221 : vector<16xf32>
          %add3A_223 = arith.addf %mul3A_218, %mul3A_222 : vector<16xf32>
          %get3A_224 = arith.index_cast %add3A_214 : i32 to index
          %get3A_225 = arith.constant 32 : index
          %get3A_226 = tpu.vector_load %arg11[%get3A_224, %get3A_225] {strides = array<i32>} : memref<80x128xf32, #tpu.memory_space<vmem>>, vector<16xf32>,
          %mul3A_227 = arith.mulf %get3A_226, %get3A_226 : vector<16xf32>
          %add3A_228 = arith.addf %add3A_223, %mul3A_227 : vector<16xf32>
          %get3A_229 = arith.index_cast %add3A_214 : i32 to index
          %get3A_230 = arith.constant 48 : index
          %get3A_231 = tpu.vector_load %arg11[%get3A_229, %get3A_230] {strides = array<i32>} : memref<80x128xf32, #tpu.memory_space<vmem>>, vector<16xf32>,
          %mul3A_232 = arith.mulf %get3A_231, %get3A_231 : vector<16xf32>
          %add3A_233 = arith.addf %add3A_228, %mul3A_232 : vector<16xf32>
          %get3A_234 = arith.index_cast %add3A_214 : i32 to index
          %get3A_235 = arith.constant 64 : index
          %get3A_236 = tpu.vector_load %arg11[%get3A_234, %get3A_235] {strides = array<i32>} : memref<80x128xf32, #tpu.memory_space<vmem>>, vector<16xf32>,
          %mul3A_237 = arith.mulf %get3A_236, %get3A_236 : vector<16xf32>
          %add3A_238 = arith.addf %add3A_233, %mul3A_237 : vector<16xf32>
          %get3A_239 = arith.index_cast %add3A_214 : i32 to index
          %get3A_240 = arith.constant 80 : index
          %get3A_241 = tpu.vector_load %arg11[%get3A_239, %get3A_240] {strides = array<i32>} : memref<80x128xf32, #tpu.memory_space<vmem>>, vector<16xf32>,
          %mul3A_242 = arith.mulf %get3A_241, %get3A_241 : vector<16xf32>
          %add3A_243 = arith.addf %add3A_238, %mul3A_242 : vector<16xf32>
          %get3A_244 = arith.index_cast %add3A_214 : i32 to index
          %get3A_245 = arith.constant 96 : index
          %get3A_246 = tpu.vector_load %arg11[%get3A_244, %get3A_245] {strides = array<i32>} : memref<80x128xf32, #tpu.memory_space<vmem>>, vector<16xf32>,
          %mul3A_247 = arith.mulf %get3A_246, %get3A_246 : vector<16xf32>
          %add3A_248 = arith.addf %add3A_243, %mul3A_247 : vector<16xf32>
          %get3A_249 = arith.index_cast %add3A_214 : i32 to index
          %get3A_250 = arith.constant 112 : index
          %get3A_251 = tpu.vector_load %arg11[%get3A_249, %get3A_250] {strides = array<i32>} : memref<80x128xf32, #tpu.memory_space<vmem>>, vector<16xf32>,
          %mul3A_252 = arith.mulf %get3A_251, %get3A_251 : vector<16xf32>
          %add3A_253 = arith.addf %add3A_248, %mul3A_252 : vector<16xf32>
          %swap3A_254 = arith.constant 48 : index
          %swap3A_255 = tpu.vector_load %arg13[%swap3A_254] {strides = array<i32>} : memref<256xf32, #tpu.memory_space<vmem>>, vector<16xf32>,
          tpu.vector_store %arg13[%swap3A_254], %add3A_253 {strides = array<i32>} : memref<256xf32, #tpu.memory_space<vmem>>, vector<16xf32>,
          %add3A_256 = arith.constant 4 : i32
          %add3A_257 = arith.addi %mul3A_85, %add3A_256 : i32
          %get3A_258 = arith.index_cast %add3A_257 : i32 to index
          %get3A_259 = arith.constant 0 : index
          %get3A_260 = tpu.vector_load %arg11[%get3A_258, %get3A_259] {strides = array<i32>} : memref<80x128xf32, #tpu.memory_space<vmem>>, vector<16xf32>,
          %mul3A_261 = arith.mulf %get3A_260, %get3A_260 : vector<16xf32>
          %get3A_262 = arith.index_cast %add3A_257 : i32 to index
          %get3A_263 = arith.constant 16 : index
          %get3A_264 = tpu.vector_load %arg11[%get3A_262, %get3A_263] {strides = array<i32>} : memref<80x128xf32, #tpu.memory_space<vmem>>, vector<16xf32>,
          %mul3A_265 = arith.mulf %get3A_264, %get3A_264 : vector<16xf32>
          %add3A_266 = arith.addf %mul3A_261, %mul3A_265 : vector<16xf32>
          %get3A_267 = arith.index_cast %add3A_257 : i32 to index
          %get3A_268 = arith.constant 32 : index
          %get3A_269 = tpu.vector_load %arg11[%get3A_267, %get3A_268] {strides = array<i32>} : memref<80x128xf32, #tpu.memory_space<vmem>>, vector<16xf32>,
          %mul3A_270 = arith.mulf %get3A_269, %get3A_269 : vector<16xf32>
          %add3A_271 = arith.addf %add3A_266, %mul3A_270 : vector<16xf32>
          %get3A_272 = arith.index_cast %add3A_257 : i32 to index
          %get3A_273 = arith.constant 48 : index
          %get3A_274 = tpu.vector_load %arg11[%get3A_272, %get3A_273] {strides = array<i32>} : memref<80x128xf32, #tpu.memory_space<vmem>>, vector<16xf32>,
          %mul3A_275 = arith.mulf %get3A_274, %get3A_274 : vector<16xf32>
          %add3A_276 = arith.addf %add3A_271, %mul3A_275 : vector<16xf32>
          %get3A_277 = arith.index_cast %add3A_257 : i32 to index
          %get3A_278 = arith.constant 64 : index
          %get3A_279 = tpu.vector_load %arg11[%get3A_277, %get3A_278] {strides = array<i32>} : memref<80x128xf32, #tpu.memory_space<vmem>>, vector<16xf32>,
          %mul3A_280 = arith.mulf %get3A_279, %get3A_279 : vector<16xf32>
          %add3A_281 = arith.addf %add3A_276, %mul3A_280 : vector<16xf32>
          %get3A_282 = arith.index_cast %add3A_257 : i32 to index
          %get3A_283 = arith.constant 80 : index
          %get3A_284 = tpu.vector_load %arg11[%get3A_282, %get3A_283] {strides = array<i32>} : memref<80x128xf32, #tpu.memory_space<vmem>>, vector<16xf32>,
          %mul3A_285 = arith.mulf %get3A_284, %get3A_284 : vector<16xf32>
          %add3A_286 = arith.addf %add3A_281, %mul3A_285 : vector<16xf32>
          %get3A_287 = arith.index_cast %add3A_257 : i32 to index
          %get3A_288 = arith.constant 96 : index
          %get3A_289 = tpu.vector_load %arg11[%get3A_287, %get3A_288] {strides = array<i32>} : memref<80x128xf32, #tpu.memory_space<vmem>>, vector<16xf32>,
          %mul3A_290 = arith.mulf %get3A_289, %get3A_289 : vector<16xf32>
          %add3A_291 = arith.addf %add3A_286, %mul3A_290 : vector<16xf32>
          %get3A_292 = arith.index_cast %add3A_257 : i32 to index
          %get3A_293 = arith.constant 112 : index
          %get3A_294 = tpu.vector_load %arg11[%get3A_292, %get3A_293] {strides = array<i32>} : memref<80x128xf32, #tpu.memory_space<vmem>>, vector<16xf32>,
          %mul3A_295 = arith.mulf %get3A_294, %get3A_294 : vector<16xf32>
          %add3A_296 = arith.addf %add3A_291, %mul3A_295 : vector<16xf32>
          %swap3A_297 = arith.constant 64 : index
          %swap3A_298 = tpu.vector_load %arg13[%swap3A_297] {strides = array<i32>} : memref<256xf32, #tpu.memory_space<vmem>>, vector<16xf32>,
          tpu.vector_store %arg13[%swap3A_297], %add3A_296 {strides = array<i32>} : memref<256xf32, #tpu.memory_space<vmem>>, vector<16xf32>,
          %add3A_299 = arith.constant 5 : i32
          %add3A_300 = arith.addi %mul3A_85, %add3A_299 : i32
          %get3A_301 = arith.index_cast %add3A_300 : i32 to index
          %get3A_302 = arith.constant 0 : index
          %get3A_303 = tpu.vector_load %arg11[%get3A_301, %get3A_302] {strides = array<i32>} : memref<80x128xf32, #tpu.memory_space<vmem>>, vector<16xf32>,
          %mul3A_304 = arith.mulf %get3A_303, %get3A_303 : vector<16xf32>
          %get3A_305 = arith.index_cast %add3A_300 : i32 to index
          %get3A_306 = arith.constant 16 : index
          %get3A_307 = tpu.vector_load %arg11[%get3A_305, %get3A_306] {strides = array<i32>} : memref<80x128xf32, #tpu.memory_space<vmem>>, vector<16xf32>,
          %mul3A_308 = arith.mulf %get3A_307, %get3A_307 : vector<16xf32>
          %add3A_309 = arith.addf %mul3A_304, %mul3A_308 : vector<16xf32>
          %get3A_310 = arith.index_cast %add3A_300 : i32 to index
          %get3A_311 = arith.constant 32 : index
          %get3A_312 = tpu.vector_load %arg11[%get3A_310, %get3A_311] {strides = array<i32>} : memref<80x128xf32, #tpu.memory_space<vmem>>, vector<16xf32>,
          %mul3A_313 = arith.mulf %get3A_312, %get3A_312 : vector<16xf32>
          %add3A_314 = arith.addf %add3A_309, %mul3A_313 : vector<16xf32>
          %get3A_315 = arith.index_cast %add3A_300 : i32 to index
          %get3A_316 = arith.constant 48 : index
          %get3A_317 = tpu.vector_load %arg11[%get3A_315, %get3A_316] {strides = array<i32>} : memref<80x128xf32, #tpu.memory_space<vmem>>, vector<16xf32>,
          %mul3A_318 = arith.mulf %get3A_317, %get3A_317 : vector<16xf32>
          %add3A_319 = arith.addf %add3A_314, %mul3A_318 : vector<16xf32>
          %get3A_320 = arith.index_cast %add3A_300 : i32 to index
          %get3A_321 = arith.constant 64 : index
          %get3A_322 = tpu.vector_load %arg11[%get3A_320, %get3A_321] {strides = array<i32>} : memref<80x128xf32, #tpu.memory_space<vmem>>, vector<16xf32>,
          %mul3A_323 = arith.mulf %get3A_322, %get3A_322 : vector<16xf32>
          %add3A_324 = arith.addf %add3A_319, %mul3A_323 : vector<16xf32>
          %get3A_325 = arith.index_cast %add3A_300 : i32 to index
          %get3A_326 = arith.constant 80 : index
          %get3A_327 = tpu.vector_load %arg11[%get3A_325, %get3A_326] {strides = array<i32>} : memref<80x128xf32, #tpu.memory_space<vmem>>, vector<16xf32>,
          %mul3A_328 = arith.mulf %get3A_327, %get3A_327 : vector<16xf32>
          %add3A_329 = arith.addf %add3A_324, %mul3A_328 : vector<16xf32>
          %get3A_330 = arith.index_cast %add3A_300 : i32 to index
          %get3A_331 = arith.constant 96 : index
          %get3A_332 = tpu.vector_load %arg11[%get3A_330, %get3A_331] {strides = array<i32>} : memref<80x128xf32, #tpu.memory_space<vmem>>, vector<16xf32>,
          %mul3A_333 = arith.mulf %get3A_332, %get3A_332 : vector<16xf32>
          %add3A_334 = arith.addf %add3A_329, %mul3A_333 : vector<16xf32>
          %get3A_335 = arith.index_cast %add3A_300 : i32 to index
          %get3A_336 = arith.constant 112 : index
          %get3A_337 = tpu.vector_load %arg11[%get3A_335, %get3A_336] {strides = array<i32>} : memref<80x128xf32, #tpu.memory_space<vmem>>, vector<16xf32>,
          %mul3A_338 = arith.mulf %get3A_337, %get3A_337 : vector<16xf32>
          %add3A_339 = arith.addf %add3A_334, %mul3A_338 : vector<16xf32>
          %swap3A_340 = arith.constant 80 : index
          %swap3A_341 = tpu.vector_load %arg13[%swap3A_340] {strides = array<i32>} : memref<256xf32, #tpu.memory_space<vmem>>, vector<16xf32>,
          tpu.vector_store %arg13[%swap3A_340], %add3A_339 {strides = array<i32>} : memref<256xf32, #tpu.memory_space<vmem>>, vector<16xf32>,
          %add3A_342 = arith.constant 6 : i32
          %add3A_343 = arith.addi %mul3A_85, %add3A_342 : i32
          %get3A_344 = arith.index_cast %add3A_343 : i32 to index
          %get3A_345 = arith.constant 0 : index
          %get3A_346 = tpu.vector_load %arg11[%get3A_344, %get3A_345] {strides = array<i32>} : memref<80x128xf32, #tpu.memory_space<vmem>>, vector<16xf32>,
          %mul3A_347 = arith.mulf %get3A_346, %get3A_346 : vector<16xf32>
          %get3A_348 = arith.index_cast %add3A_343 : i32 to index
          %get3A_349 = arith.constant 16 : index
          %get3A_350 = tpu.vector_load %arg11[%get3A_348, %get3A_349] {strides = array<i32>} : memref<80x128xf32, #tpu.memory_space<vmem>>, vector<16xf32>,
          %mul3A_351 = arith.mulf %get3A_350, %get3A_350 : vector<16xf32>
          %add3A_352 = arith.addf %mul3A_347, %mul3A_351 : vector<16xf32>
          %get3A_353 = arith.index_cast %add3A_343 : i32 to index
          %get3A_354 = arith.constant 32 : index
          %get3A_355 = tpu.vector_load %arg11[%get3A_353, %get3A_354] {strides = array<i32>} : memref<80x128xf32, #tpu.memory_space<vmem>>, vector<16xf32>,
          %mul3A_356 = arith.mulf %get3A_355, %get3A_355 : vector<16xf32>
          %add3A_357 = arith.addf %add3A_352, %mul3A_356 : vector<16xf32>
          %get3A_358 = arith.index_cast %add3A_343 : i32 to index
          %get3A_359 = arith.constant 48 : index
          %get3A_360 = tpu.vector_load %arg11[%get3A_358, %get3A_359] {strides = array<i32>} : memref<80x128xf32, #tpu.memory_space<vmem>>, vector<16xf32>,
          %mul3A_361 = arith.mulf %get3A_360, %get3A_360 : vector<16xf32>
          %add3A_362 = arith.addf %add3A_357, %mul3A_361 : vector<16xf32>
          %get3A_363 = arith.index_cast %add3A_343 : i32 to index
          %get3A_364 = arith.constant 64 : index
          %get3A_365 = tpu.vector_load %arg11[%get3A_363, %get3A_364] {strides = array<i32>} : memref<80x128xf32, #tpu.memory_space<vmem>>, vector<16xf32>,
          %mul3A_366 = arith.mulf %get3A_365, %get3A_365 : vector<16xf32>
          %add3A_367 = arith.addf %add3A_362, %mul3A_366 : vector<16xf32>
          %get3A_368 = arith.index_cast %add3A_343 : i32 to index
          %get3A_369 = arith.constant 80 : index
          %get3A_370 = tpu.vector_load %arg11[%get3A_368, %get3A_369] {strides = array<i32>} : memref<80x128xf32, #tpu.memory_space<vmem>>, vector<16xf32>,
          %mul3A_371 = arith.mulf %get3A_370, %get3A_370 : vector<16xf32>
          %add3A_372 = arith.addf %add3A_367, %mul3A_371 : vector<16xf32>
          %get3A_373 = arith.index_cast %add3A_343 : i32 to index
          %get3A_374 = arith.constant 96 : index
          %get3A_375 = tpu.vector_load %arg11[%get3A_373, %get3A_374] {strides = array<i32>} : memref<80x128xf32, #tpu.memory_space<vmem>>, vector<16xf32>,
          %mul3A_376 = arith.mulf %get3A_375, %get3A_375 : vector<16xf32>
          %add3A_377 = arith.addf %add3A_372, %mul3A_376 : vector<16xf32>
          %get3A_378 = arith.index_cast %add3A_343 : i32 to index
          %get3A_379 = arith.constant 112 : index
          %get3A_380 = tpu.vector_load %arg11[%get3A_378, %get3A_379] {strides = array<i32>} : memref<80x128xf32, #tpu.memory_space<vmem>>, vector<16xf32>,
          %mul3A_381 = arith.mulf %get3A_380, %get3A_380 : vector<16xf32>
          %add3A_382 = arith.addf %add3A_377, %mul3A_381 : vector<16xf32>
          %swap3A_383 = arith.constant 96 : index
          %swap3A_384 = tpu.vector_load %arg13[%swap3A_383] {strides = array<i32>} : memref<256xf32, #tpu.memory_space<vmem>>, vector<16xf32>,
          tpu.vector_store %arg13[%swap3A_383], %add3A_382 {strides = array<i32>} : memref<256xf32, #tpu.memory_space<vmem>>, vector<16xf32>,
          %add3A_385 = arith.constant 7 : i32
          %add3A_386 = arith.addi %mul3A_85, %add3A_385 : i32
          %get3A_387 = arith.index_cast %add3A_386 : i32 to index
          %get3A_388 = arith.constant 0 : index
          %get3A_389 = tpu.vector_load %arg11[%get3A_387, %get3A_388] {strides = array<i32>} : memref<80x128xf32, #tpu.memory_space<vmem>>, vector<16xf32>,
          %mul3A_390 = arith.mulf %get3A_389, %get3A_389 : vector<16xf32>
          %get3A_391 = arith.index_cast %add3A_386 : i32 to index
          %get3A_392 = arith.constant 16 : index
          %get3A_393 = tpu.vector_load %arg11[%get3A_391, %get3A_392] {strides = array<i32>} : memref<80x128xf32, #tpu.memory_space<vmem>>, vector<16xf32>,
          %mul3A_394 = arith.mulf %get3A_393, %get3A_393 : vector<16xf32>
          %add3A_395 = arith.addf %mul3A_390, %mul3A_394 : vector<16xf32>
          %get3A_396 = arith.index_cast %add3A_386 : i32 to index
          %get3A_397 = arith.constant 32 : index
          %get3A_398 = tpu.vector_load %arg11[%get3A_396, %get3A_397] {strides = array<i32>} : memref<80x128xf32, #tpu.memory_space<vmem>>, vector<16xf32>,
          %mul3A_399 = arith.mulf %get3A_398, %get3A_398 : vector<16xf32>
          %add3A_400 = arith.addf %add3A_395, %mul3A_399 : vector<16xf32>
          %get3A_401 = arith.index_cast %add3A_386 : i32 to index
          %get3A_402 = arith.constant 48 : index
          %get3A_403 = tpu.vector_load %arg11[%get3A_401, %get3A_402] {strides = array<i32>} : memref<80x128xf32, #tpu.memory_space<vmem>>, vector<16xf32>,
          %mul3A_404 = arith.mulf %get3A_403, %get3A_403 : vector<16xf32>
          %add3A_405 = arith.addf %add3A_400, %mul3A_404 : vector<16xf32>
          %get3A_406 = arith.index_cast %add3A_386 : i32 to index
          %get3A_407 = arith.constant 64 : index
          %get3A_408 = tpu.vector_load %arg11[%get3A_406, %get3A_407] {strides = array<i32>} : memref<80x128xf32, #tpu.memory_space<vmem>>, vector<16xf32>,
          %mul3A_409 = arith.mulf %get3A_408, %get3A_408 : vector<16xf32>
          %add3A_410 = arith.addf %add3A_405, %mul3A_409 : vector<16xf32>
          %get3A_411 = arith.index_cast %add3A_386 : i32 to index
          %get3A_412 = arith.constant 80 : index
          %get3A_413 = tpu.vector_load %arg11[%get3A_411, %get3A_412] {strides = array<i32>} : memref<80x128xf32, #tpu.memory_space<vmem>>, vector<16xf32>,
          %mul3A_414 = arith.mulf %get3A_413, %get3A_413 : vector<16xf32>
          %add3A_415 = arith.addf %add3A_410, %mul3A_414 : vector<16xf32>
          %get3A_416 = arith.index_cast %add3A_386 : i32 to index
          %get3A_417 = arith.constant 96 : index
          %get3A_418 = tpu.vector_load %arg11[%get3A_416, %get3A_417] {strides = array<i32>} : memref<80x128xf32, #tpu.memory_space<vmem>>, vector<16xf32>,
          %mul3A_419 = arith.mulf %get3A_418, %get3A_418 : vector<16xf32>
          %add3A_420 = arith.addf %add3A_415, %mul3A_419 : vector<16xf32>
          %get3A_421 = arith.index_cast %add3A_386 : i32 to index
          %get3A_422 = arith.constant 112 : index
          %get3A_423 = tpu.vector_load %arg11[%get3A_421, %get3A_422] {strides = array<i32>} : memref<80x128xf32, #tpu.memory_space<vmem>>, vector<16xf32>,
          %mul3A_424 = arith.mulf %get3A_423, %get3A_423 : vector<16xf32>
          %add3A_425 = arith.addf %add3A_420, %mul3A_424 : vector<16xf32>
          %swap3A_426 = arith.constant 112 : index
          %swap3A_427 = tpu.vector_load %arg13[%swap3A_426] {strides = array<i32>} : memref<256xf32, #tpu.memory_space<vmem>>, vector<16xf32>,
          tpu.vector_store %arg13[%swap3A_426], %add3A_425 {strides = array<i32>} : memref<256xf32, #tpu.memory_space<vmem>>, vector<16xf32>,
          %add3A_428 = arith.constant 8 : i32
          %add3A_429 = arith.addi %mul3A_85, %add3A_428 : i32
          %get3A_430 = arith.index_cast %add3A_429 : i32 to index
          %get3A_431 = arith.constant 0 : index
          %get3A_432 = tpu.vector_load %arg11[%get3A_430, %get3A_431] {strides = array<i32>} : memref<80x128xf32, #tpu.memory_space<vmem>>, vector<16xf32>,
          %mul3A_433 = arith.mulf %get3A_432, %get3A_432 : vector<16xf32>
          %get3A_434 = arith.index_cast %add3A_429 : i32 to index
          %get3A_435 = arith.constant 16 : index
          %get3A_436 = tpu.vector_load %arg11[%get3A_434, %get3A_435] {strides = array<i32>} : memref<80x128xf32, #tpu.memory_space<vmem>>, vector<16xf32>,
          %mul3A_437 = arith.mulf %get3A_436, %get3A_436 : vector<16xf32>
          %add3A_438 = arith.addf %mul3A_433, %mul3A_437 : vector<16xf32>
          %get3A_439 = arith.index_cast %add3A_429 : i32 to index
          %get3A_440 = arith.constant 32 : index
          %get3A_441 = tpu.vector_load %arg11[%get3A_439, %get3A_440] {strides = array<i32>} : memref<80x128xf32, #tpu.memory_space<vmem>>, vector<16xf32>,
          %mul3A_442 = arith.mulf %get3A_441, %get3A_441 : vector<16xf32>
          %add3A_443 = arith.addf %add3A_438, %mul3A_442 : vector<16xf32>
          %get3A_444 = arith.index_cast %add3A_429 : i32 to index
          %get3A_445 = arith.constant 48 : index
          %get3A_446 = tpu.vector_load %arg11[%get3A_444, %get3A_445] {strides = array<i32>} : memref<80x128xf32, #tpu.memory_space<vmem>>, vector<16xf32>,
          %mul3A_447 = arith.mulf %get3A_446, %get3A_446 : vector<16xf32>
          %add3A_448 = arith.addf %add3A_443, %mul3A_447 : vector<16xf32>
          %get3A_449 = arith.index_cast %add3A_429 : i32 to index
          %get3A_450 = arith.constant 64 : index
          %get3A_451 = tpu.vector_load %arg11[%get3A_449, %get3A_450] {strides = array<i32>} : memref<80x128xf32, #tpu.memory_space<vmem>>, vector<16xf32>,
          %mul3A_452 = arith.mulf %get3A_451, %get3A_451 : vector<16xf32>
          %add3A_453 = arith.addf %add3A_448, %mul3A_452 : vector<16xf32>
          %get3A_454 = arith.index_cast %add3A_429 : i32 to index
          %get3A_455 = arith.constant 80 : index
          %get3A_456 = tpu.vector_load %arg11[%get3A_454, %get3A_455] {strides = array<i32>} : memref<80x128xf32, #tpu.memory_space<vmem>>, vector<16xf32>,
          %mul3A_457 = arith.mulf %get3A_456, %get3A_456 : vector<16xf32>
          %add3A_458 = arith.addf %add3A_453, %mul3A_457 : vector<16xf32>
          %get3A_459 = arith.index_cast %add3A_429 : i32 to index
          %get3A_460 = arith.constant 96 : index
          %get3A_461 = tpu.vector_load %arg11[%get3A_459, %get3A_460] {strides = array<i32>} : memref<80x128xf32, #tpu.memory_space<vmem>>, vector<16xf32>,
          %mul3A_462 = arith.mulf %get3A_461, %get3A_461 : vector<16xf32>
          %add3A_463 = arith.addf %add3A_458, %mul3A_462 : vector<16xf32>
          %get3A_464 = arith.index_cast %add3A_429 : i32 to index
          %get3A_465 = arith.constant 112 : index
          %get3A_466 = tpu.vector_load %arg11[%get3A_464, %get3A_465] {strides = array<i32>} : memref<80x128xf32, #tpu.memory_space<vmem>>, vector<16xf32>,
          %mul3A_467 = arith.mulf %get3A_466, %get3A_466 : vector<16xf32>
          %add3A_468 = arith.addf %add3A_463, %mul3A_467 : vector<16xf32>
          %swap3A_469 = arith.constant 128 : index
          %swap3A_470 = tpu.vector_load %arg13[%swap3A_469] {strides = array<i32>} : memref<256xf32, #tpu.memory_space<vmem>>, vector<16xf32>,
          tpu.vector_store %arg13[%swap3A_469], %add3A_468 {strides = array<i32>} : memref<256xf32, #tpu.memory_space<vmem>>, vector<16xf32>,
          %add3A_471 = arith.constant 9 : i32
          %add3A_472 = arith.addi %mul3A_85, %add3A_471 : i32
          %get3A_473 = arith.index_cast %add3A_472 : i32 to index
          %get3A_474 = arith.constant 0 : index
          %get3A_475 = tpu.vector_load %arg11[%get3A_473, %get3A_474] {strides = array<i32>} : memref<80x128xf32, #tpu.memory_space<vmem>>, vector<16xf32>,
          %mul3A_476 = arith.mulf %get3A_475, %get3A_475 : vector<16xf32>
          %get3A_477 = arith.index_cast %add3A_472 : i32 to index
          %get3A_478 = arith.constant 16 : index
          %get3A_479 = tpu.vector_load %arg11[%get3A_477, %get3A_478] {strides = array<i32>} : memref<80x128xf32, #tpu.memory_space<vmem>>, vector<16xf32>,
          %mul3A_480 = arith.mulf %get3A_479, %get3A_479 : vector<16xf32>
          %add3A_481 = arith.addf %mul3A_476, %mul3A_480 : vector<16xf32>
          %get3A_482 = arith.index_cast %add3A_472 : i32 to index
          %get3A_483 = arith.constant 32 : index
          %get3A_484 = tpu.vector_load %arg11[%get3A_482, %get3A_483] {strides = array<i32>} : memref<80x128xf32, #tpu.memory_space<vmem>>, vector<16xf32>,
          %mul3A_485 = arith.mulf %get3A_484, %get3A_484 : vector<16xf32>
          %add3A_486 = arith.addf %add3A_481, %mul3A_485 : vector<16xf32>
          %get3A_487 = arith.index_cast %add3A_472 : i32 to index
          %get3A_488 = arith.constant 48 : index
          %get3A_489 = tpu.vector_load %arg11[%get3A_487, %get3A_488] {strides = array<i32>} : memref<80x128xf32, #tpu.memory_space<vmem>>, vector<16xf32>,
          %mul3A_490 = arith.mulf %get3A_489, %get3A_489 : vector<16xf32>
          %add3A_491 = arith.addf %add3A_486, %mul3A_490 : vector<16xf32>
          %get3A_492 = arith.index_cast %add3A_472 : i32 to index
          %get3A_493 = arith.constant 64 : index
          %get3A_494 = tpu.vector_load %arg11[%get3A_492, %get3A_493] {strides = array<i32>} : memref<80x128xf32, #tpu.memory_space<vmem>>, vector<16xf32>,
          %mul3A_495 = arith.mulf %get3A_494, %get3A_494 : vector<16xf32>
          %add3A_496 = arith.addf %add3A_491, %mul3A_495 : vector<16xf32>
          %get3A_497 = arith.index_cast %add3A_472 : i32 to index
          %get3A_498 = arith.constant 80 : index
          %get3A_499 = tpu.vector_load %arg11[%get3A_497, %get3A_498] {strides = array<i32>} : memref<80x128xf32, #tpu.memory_space<vmem>>, vector<16xf32>,
          %mul3A_500 = arith.mulf %get3A_499, %get3A_499 : vector<16xf32>
          %add3A_501 = arith.addf %add3A_496, %mul3A_500 : vector<16xf32>
          %get3A_502 = arith.index_cast %add3A_472 : i32 to index
          %get3A_503 = arith.constant 96 : index
          %get3A_504 = tpu.vector_load %arg11[%get3A_502, %get3A_503] {strides = array<i32>} : memref<80x128xf32, #tpu.memory_space<vmem>>, vector<16xf32>,
          %mul3A_505 = arith.mulf %get3A_504, %get3A_504 : vector<16xf32>
          %add3A_506 = arith.addf %add3A_501, %mul3A_505 : vector<16xf32>
          %get3A_507 = arith.index_cast %add3A_472 : i32 to index
          %get3A_508 = arith.constant 112 : index
          %get3A_509 = tpu.vector_load %arg11[%get3A_507, %get3A_508] {strides = array<i32>} : memref<80x128xf32, #tpu.memory_space<vmem>>, vector<16xf32>,
          %mul3A_510 = arith.mulf %get3A_509, %get3A_509 : vector<16xf32>
          %add3A_511 = arith.addf %add3A_506, %mul3A_510 : vector<16xf32>
          %swap3A_512 = arith.constant 144 : index
          %swap3A_513 = tpu.vector_load %arg13[%swap3A_512] {strides = array<i32>} : memref<256xf32, #tpu.memory_space<vmem>>, vector<16xf32>,
          tpu.vector_store %arg13[%swap3A_512], %add3A_511 {strides = array<i32>} : memref<256xf32, #tpu.memory_space<vmem>>, vector<16xf32>,
          %add3A_514 = arith.constant 10 : i32
          %add3A_515 = arith.addi %mul3A_85, %add3A_514 : i32
          %get3A_516 = arith.index_cast %add3A_515 : i32 to index
          %get3A_517 = arith.constant 0 : index
          %get3A_518 = tpu.vector_load %arg11[%get3A_516, %get3A_517] {strides = array<i32>} : memref<80x128xf32, #tpu.memory_space<vmem>>, vector<16xf32>,
          %mul3A_519 = arith.mulf %get3A_518, %get3A_518 : vector<16xf32>
          %get3A_520 = arith.index_cast %add3A_515 : i32 to index
          %get3A_521 = arith.constant 16 : index
          %get3A_522 = tpu.vector_load %arg11[%get3A_520, %get3A_521] {strides = array<i32>} : memref<80x128xf32, #tpu.memory_space<vmem>>, vector<16xf32>,
          %mul3A_523 = arith.mulf %get3A_522, %get3A_522 : vector<16xf32>
          %add3A_524 = arith.addf %mul3A_519, %mul3A_523 : vector<16xf32>
          %get3A_525 = arith.index_cast %add3A_515 : i32 to index
          %get3A_526 = arith.constant 32 : index
          %get3A_527 = tpu.vector_load %arg11[%get3A_525, %get3A_526] {strides = array<i32>} : memref<80x128xf32, #tpu.memory_space<vmem>>, vector<16xf32>,
          %mul3A_528 = arith.mulf %get3A_527, %get3A_527 : vector<16xf32>
          %add3A_529 = arith.addf %add3A_524, %mul3A_528 : vector<16xf32>
          %get3A_530 = arith.index_cast %add3A_515 : i32 to index
          %get3A_531 = arith.constant 48 : index
          %get3A_532 = tpu.vector_load %arg11[%get3A_530, %get3A_531] {strides = array<i32>} : memref<80x128xf32, #tpu.memory_space<vmem>>, vector<16xf32>,
          %mul3A_533 = arith.mulf %get3A_532, %get3A_532 : vector<16xf32>
          %add3A_534 = arith.addf %add3A_529, %mul3A_533 : vector<16xf32>
          %get3A_535 = arith.index_cast %add3A_515 : i32 to index
          %get3A_536 = arith.constant 64 : index
          %get3A_537 = tpu.vector_load %arg11[%get3A_535, %get3A_536] {strides = array<i32>} : memref<80x128xf32, #tpu.memory_space<vmem>>, vector<16xf32>,
          %mul3A_538 = arith.mulf %get3A_537, %get3A_537 : vector<16xf32>
          %add3A_539 = arith.addf %add3A_534, %mul3A_538 : vector<16xf32>
          %get3A_540 = arith.index_cast %add3A_515 : i32 to index
          %get3A_541 = arith.constant 80 : index
          %get3A_542 = tpu.vector_load %arg11[%get3A_540, %get3A_541] {strides = array<i32>} : memref<80x128xf32, #tpu.memory_space<vmem>>, vector<16xf32>,
          %mul3A_543 = arith.mulf %get3A_542, %get3A_542 : vector<16xf32>
          %add3A_544 = arith.addf %add3A_539, %mul3A_543 : vector<16xf32>
          %get3A_545 = arith.index_cast %add3A_515 : i32 to index
          %get3A_546 = arith.constant 96 : index
          %get3A_547 = tpu.vector_load %arg11[%get3A_545, %get3A_546] {strides = array<i32>} : memref<80x128xf32, #tpu.memory_space<vmem>>, vector<16xf32>,
          %mul3A_548 = arith.mulf %get3A_547, %get3A_547 : vector<16xf32>
          %add3A_549 = arith.addf %add3A_544, %mul3A_548 : vector<16xf32>
          %get3A_550 = arith.index_cast %add3A_515 : i32 to index
          %get3A_551 = arith.constant 112 : index
          %get3A_552 = tpu.vector_load %arg11[%get3A_550, %get3A_551] {strides = array<i32>} : memref<80x128xf32, #tpu.memory_space<vmem>>, vector<16xf32>,
          %mul3A_553 = arith.mulf %get3A_552, %get3A_552 : vector<16xf32>
          %add3A_554 = arith.addf %add3A_549, %mul3A_553 : vector<16xf32>
          %swap3A_555 = arith.constant 160 : index
          %swap3A_556 = tpu.vector_load %arg13[%swap3A_555] {strides = array<i32>} : memref<256xf32, #tpu.memory_space<vmem>>, vector<16xf32>,
          tpu.vector_store %arg13[%swap3A_555], %add3A_554 {strides = array<i32>} : memref<256xf32, #tpu.memory_space<vmem>>, vector<16xf32>,
          %add3A_557 = arith.constant 11 : i32
          %add3A_558 = arith.addi %mul3A_85, %add3A_557 : i32
          %get3A_559 = arith.index_cast %add3A_558 : i32 to index
          %get3A_560 = arith.constant 0 : index
          %get3A_561 = tpu.vector_load %arg11[%get3A_559, %get3A_560] {strides = array<i32>} : memref<80x128xf32, #tpu.memory_space<vmem>>, vector<16xf32>,
          %mul3A_562 = arith.mulf %get3A_561, %get3A_561 : vector<16xf32>
          %get3A_563 = arith.index_cast %add3A_558 : i32 to index
          %get3A_564 = arith.constant 16 : index
          %get3A_565 = tpu.vector_load %arg11[%get3A_563, %get3A_564] {strides = array<i32>} : memref<80x128xf32, #tpu.memory_space<vmem>>, vector<16xf32>,
          %mul3A_566 = arith.mulf %get3A_565, %get3A_565 : vector<16xf32>
          %add3A_567 = arith.addf %mul3A_562, %mul3A_566 : vector<16xf32>
          %get3A_568 = arith.index_cast %add3A_558 : i32 to index
          %get3A_569 = arith.constant 32 : index
          %get3A_570 = tpu.vector_load %arg11[%get3A_568, %get3A_569] {strides = array<i32>} : memref<80x128xf32, #tpu.memory_space<vmem>>, vector<16xf32>,
          %mul3A_571 = arith.mulf %get3A_570, %get3A_570 : vector<16xf32>
          %add3A_572 = arith.addf %add3A_567, %mul3A_571 : vector<16xf32>
          %get3A_573 = arith.index_cast %add3A_558 : i32 to index
          %get3A_574 = arith.constant 48 : index
          %get3A_575 = tpu.vector_load %arg11[%get3A_573, %get3A_574] {strides = array<i32>} : memref<80x128xf32, #tpu.memory_space<vmem>>, vector<16xf32>,
          %mul3A_576 = arith.mulf %get3A_575, %get3A_575 : vector<16xf32>
          %add3A_577 = arith.addf %add3A_572, %mul3A_576 : vector<16xf32>
          %get3A_578 = arith.index_cast %add3A_558 : i32 to index
          %get3A_579 = arith.constant 64 : index
          %get3A_580 = tpu.vector_load %arg11[%get3A_578, %get3A_579] {strides = array<i32>} : memref<80x128xf32, #tpu.memory_space<vmem>>, vector<16xf32>,
          %mul3A_581 = arith.mulf %get3A_580, %get3A_580 : vector<16xf32>
          %add3A_582 = arith.addf %add3A_577, %mul3A_581 : vector<16xf32>
          %get3A_583 = arith.index_cast %add3A_558 : i32 to index
          %get3A_584 = arith.constant 80 : index
          %get3A_585 = tpu.vector_load %arg11[%get3A_583, %get3A_584] {strides = array<i32>} : memref<80x128xf32, #tpu.memory_space<vmem>>, vector<16xf32>,
          %mul3A_586 = arith.mulf %get3A_585, %get3A_585 : vector<16xf32>
          %add3A_587 = arith.addf %add3A_582, %mul3A_586 : vector<16xf32>
          %get3A_588 = arith.index_cast %add3A_558 : i32 to index
          %get3A_589 = arith.constant 96 : index
          %get3A_590 = tpu.vector_load %arg11[%get3A_588, %get3A_589] {strides = array<i32>} : memref<80x128xf32, #tpu.memory_space<vmem>>, vector<16xf32>,
          %mul3A_591 = arith.mulf %get3A_590, %get3A_590 : vector<16xf32>
          %add3A_592 = arith.addf %add3A_587, %mul3A_591 : vector<16xf32>
          %get3A_593 = arith.index_cast %add3A_558 : i32 to index
          %get3A_594 = arith.constant 112 : index
          %get3A_595 = tpu.vector_load %arg11[%get3A_593, %get3A_594] {strides = array<i32>} : memref<80x128xf32, #tpu.memory_space<vmem>>, vector<16xf32>,
          %mul3A_596 = arith.mulf %get3A_595, %get3A_595 : vector<16xf32>
          %add3A_597 = arith.addf %add3A_592, %mul3A_596 : vector<16xf32>
          %swap3A_598 = arith.constant 176 : index
          %swap3A_599 = tpu.vector_load %arg13[%swap3A_598] {strides = array<i32>} : memref<256xf32, #tpu.memory_space<vmem>>, vector<16xf32>,
          tpu.vector_store %arg13[%swap3A_598], %add3A_597 {strides = array<i32>} : memref<256xf32, #tpu.memory_space<vmem>>, vector<16xf32>,
          %add3A_600 = arith.constant 12 : i32
          %add3A_601 = arith.addi %mul3A_85, %add3A_600 : i32
          %get3A_602 = arith.index_cast %add3A_601 : i32 to index
          %get3A_603 = arith.constant 0 : index
          %get3A_604 = tpu.vector_load %arg11[%get3A_602, %get3A_603] {strides = array<i32>} : memref<80x128xf32, #tpu.memory_space<vmem>>, vector<16xf32>,
          %mul3A_605 = arith.mulf %get3A_604, %get3A_604 : vector<16xf32>
          %get3A_606 = arith.index_cast %add3A_601 : i32 to index
          %get3A_607 = arith.constant 16 : index
          %get3A_608 = tpu.vector_load %arg11[%get3A_606, %get3A_607] {strides = array<i32>} : memref<80x128xf32, #tpu.memory_space<vmem>>, vector<16xf32>,
          %mul3A_609 = arith.mulf %get3A_608, %get3A_608 : vector<16xf32>
          %add3A_610 = arith.addf %mul3A_605, %mul3A_609 : vector<16xf32>
          %get3A_611 = arith.index_cast %add3A_601 : i32 to index
          %get3A_612 = arith.constant 32 : index
          %get3A_613 = tpu.vector_load %arg11[%get3A_611, %get3A_612] {strides = array<i32>} : memref<80x128xf32, #tpu.memory_space<vmem>>, vector<16xf32>,
          %mul3A_614 = arith.mulf %get3A_613, %get3A_613 : vector<16xf32>
          %add3A_615 = arith.addf %add3A_610, %mul3A_614 : vector<16xf32>
          %get3A_616 = arith.index_cast %add3A_601 : i32 to index
          %get3A_617 = arith.constant 48 : index
          %get3A_618 = tpu.vector_load %arg11[%get3A_616, %get3A_617] {strides = array<i32>} : memref<80x128xf32, #tpu.memory_space<vmem>>, vector<16xf32>,
          %mul3A_619 = arith.mulf %get3A_618, %get3A_618 : vector<16xf32>
          %add3A_620 = arith.addf %add3A_615, %mul3A_619 : vector<16xf32>
          %get3A_621 = arith.index_cast %add3A_601 : i32 to index
          %get3A_622 = arith.constant 64 : index
          %get3A_623 = tpu.vector_load %arg11[%get3A_621, %get3A_622] {strides = array<i32>} : memref<80x128xf32, #tpu.memory_space<vmem>>, vector<16xf32>,
          %mul3A_624 = arith.mulf %get3A_623, %get3A_623 : vector<16xf32>
          %add3A_625 = arith.addf %add3A_620, %mul3A_624 : vector<16xf32>
          %get3A_626 = arith.index_cast %add3A_601 : i32 to index
          %get3A_627 = arith.constant 80 : index
          %get3A_628 = tpu.vector_load %arg11[%get3A_626, %get3A_627] {strides = array<i32>} : memref<80x128xf32, #tpu.memory_space<vmem>>, vector<16xf32>,
          %mul3A_629 = arith.mulf %get3A_628, %get3A_628 : vector<16xf32>
          %add3A_630 = arith.addf %add3A_625, %mul3A_629 : vector<16xf32>
          %get3A_631 = arith.index_cast %add3A_601 : i32 to index
          %get3A_632 = arith.constant 96 : index
          %get3A_633 = tpu.vector_load %arg11[%get3A_631, %get3A_632] {strides = array<i32>} : memref<80x128xf32, #tpu.memory_space<vmem>>, vector<16xf32>,
          %mul3A_634 = arith.mulf %get3A_633, %get3A_633 : vector<16xf32>
          %add3A_635 = arith.addf %add3A_630, %mul3A_634 : vector<16xf32>
          %get3A_636 = arith.index_cast %add3A_601 : i32 to index
          %get3A_637 = arith.constant 112 : index
          %get3A_638 = tpu.vector_load %arg11[%get3A_636, %get3A_637] {strides = array<i32>} : memref<80x128xf32, #tpu.memory_space<vmem>>, vector<16xf32>,
          %mul3A_639 = arith.mulf %get3A_638, %get3A_638 : vector<16xf32>
          %add3A_640 = arith.addf %add3A_635, %mul3A_639 : vector<16xf32>
          %swap3A_641 = arith.constant 192 : index
          %swap3A_642 = tpu.vector_load %arg13[%swap3A_641] {strides = array<i32>} : memref<256xf32, #tpu.memory_space<vmem>>, vector<16xf32>,
          tpu.vector_store %arg13[%swap3A_641], %add3A_640 {strides = array<i32>} : memref<256xf32, #tpu.memory_space<vmem>>, vector<16xf32>,
          %add3A_643 = arith.constant 13 : i32
          %add3A_644 = arith.addi %mul3A_85, %add3A_643 : i32
          %get3A_645 = arith.index_cast %add3A_644 : i32 to index
          %get3A_646 = arith.constant 0 : index
          %get3A_647 = tpu.vector_load %arg11[%get3A_645, %get3A_646] {strides = array<i32>} : memref<80x128xf32, #tpu.memory_space<vmem>>, vector<16xf32>,
          %mul3A_648 = arith.mulf %get3A_647, %get3A_647 : vector<16xf32>
          %get3A_649 = arith.index_cast %add3A_644 : i32 to index
          %get3A_650 = arith.constant 16 : index
          %get3A_651 = tpu.vector_load %arg11[%get3A_649, %get3A_650] {strides = array<i32>} : memref<80x128xf32, #tpu.memory_space<vmem>>, vector<16xf32>,
          %mul3A_652 = arith.mulf %get3A_651, %get3A_651 : vector<16xf32>
          %add3A_653 = arith.addf %mul3A_648, %mul3A_652 : vector<16xf32>
          %get3A_654 = arith.index_cast %add3A_644 : i32 to index
          %get3A_655 = arith.constant 32 : index
          %get3A_656 = tpu.vector_load %arg11[%get3A_654, %get3A_655] {strides = array<i32>} : memref<80x128xf32, #tpu.memory_space<vmem>>, vector<16xf32>,
          %mul3A_657 = arith.mulf %get3A_656, %get3A_656 : vector<16xf32>
          %add3A_658 = arith.addf %add3A_653, %mul3A_657 : vector<16xf32>
          %get3A_659 = arith.index_cast %add3A_644 : i32 to index
          %get3A_660 = arith.constant 48 : index
          %get3A_661 = tpu.vector_load %arg11[%get3A_659, %get3A_660] {strides = array<i32>} : memref<80x128xf32, #tpu.memory_space<vmem>>, vector<16xf32>,
          %mul3A_662 = arith.mulf %get3A_661, %get3A_661 : vector<16xf32>
          %add3A_663 = arith.addf %add3A_658, %mul3A_662 : vector<16xf32>
          %get3A_664 = arith.index_cast %add3A_644 : i32 to index
          %get3A_665 = arith.constant 64 : index
          %get3A_666 = tpu.vector_load %arg11[%get3A_664, %get3A_665] {strides = array<i32>} : memref<80x128xf32, #tpu.memory_space<vmem>>, vector<16xf32>,
          %mul3A_667 = arith.mulf %get3A_666, %get3A_666 : vector<16xf32>
          %add3A_668 = arith.addf %add3A_663, %mul3A_667 : vector<16xf32>
          %get3A_669 = arith.index_cast %add3A_644 : i32 to index
          %get3A_670 = arith.constant 80 : index
          %get3A_671 = tpu.vector_load %arg11[%get3A_669, %get3A_670] {strides = array<i32>} : memref<80x128xf32, #tpu.memory_space<vmem>>, vector<16xf32>,
          %mul3A_672 = arith.mulf %get3A_671, %get3A_671 : vector<16xf32>
          %add3A_673 = arith.addf %add3A_668, %mul3A_672 : vector<16xf32>
          %get3A_674 = arith.index_cast %add3A_644 : i32 to index
          %get3A_675 = arith.constant 96 : index
          %get3A_676 = tpu.vector_load %arg11[%get3A_674, %get3A_675] {strides = array<i32>} : memref<80x128xf32, #tpu.memory_space<vmem>>, vector<16xf32>,
          %mul3A_677 = arith.mulf %get3A_676, %get3A_676 : vector<16xf32>
          %add3A_678 = arith.addf %add3A_673, %mul3A_677 : vector<16xf32>
          %get3A_679 = arith.index_cast %add3A_644 : i32 to index
          %get3A_680 = arith.constant 112 : index
          %get3A_681 = tpu.vector_load %arg11[%get3A_679, %get3A_680] {strides = array<i32>} : memref<80x128xf32, #tpu.memory_space<vmem>>, vector<16xf32>,
          %mul3A_682 = arith.mulf %get3A_681, %get3A_681 : vector<16xf32>
          %add3A_683 = arith.addf %add3A_678, %mul3A_682 : vector<16xf32>
          %swap3A_684 = arith.constant 208 : index
          %swap3A_685 = tpu.vector_load %arg13[%swap3A_684] {strides = array<i32>} : memref<256xf32, #tpu.memory_space<vmem>>, vector<16xf32>,
          tpu.vector_store %arg13[%swap3A_684], %add3A_683 {strides = array<i32>} : memref<256xf32, #tpu.memory_space<vmem>>, vector<16xf32>,
          %add3A_686 = arith.constant 14 : i32
          %add3A_687 = arith.addi %mul3A_85, %add3A_686 : i32
          %get3A_688 = arith.index_cast %add3A_687 : i32 to index
          %get3A_689 = arith.constant 0 : index
          %get3A_690 = tpu.vector_load %arg11[%get3A_688, %get3A_689] {strides = array<i32>} : memref<80x128xf32, #tpu.memory_space<vmem>>, vector<16xf32>,
          %mul3A_691 = arith.mulf %get3A_690, %get3A_690 : vector<16xf32>
          %get3A_692 = arith.index_cast %add3A_687 : i32 to index
          %get3A_693 = arith.constant 16 : index
          %get3A_694 = tpu.vector_load %arg11[%get3A_692, %get3A_693] {strides = array<i32>} : memref<80x128xf32, #tpu.memory_space<vmem>>, vector<16xf32>,
          %mul3A_695 = arith.mulf %get3A_694, %get3A_694 : vector<16xf32>
          %add3A_696 = arith.addf %mul3A_691, %mul3A_695 : vector<16xf32>
          %get3A_697 = arith.index_cast %add3A_687 : i32 to index
          %get3A_698 = arith.constant 32 : index
          %get3A_699 = tpu.vector_load %arg11[%get3A_697, %get3A_698] {strides = array<i32>} : memref<80x128xf32, #tpu.memory_space<vmem>>, vector<16xf32>,
          %mul3A_700 = arith.mulf %get3A_699, %get3A_699 : vector<16xf32>
          %add3A_701 = arith.addf %add3A_696, %mul3A_700 : vector<16xf32>
          %get3A_702 = arith.index_cast %add3A_687 : i32 to index
          %get3A_703 = arith.constant 48 : index
          %get3A_704 = tpu.vector_load %arg11[%get3A_702, %get3A_703] {strides = array<i32>} : memref<80x128xf32, #tpu.memory_space<vmem>>, vector<16xf32>,
          %mul3A_705 = arith.mulf %get3A_704, %get3A_704 : vector<16xf32>
          %add3A_706 = arith.addf %add3A_701, %mul3A_705 : vector<16xf32>
          %get3A_707 = arith.index_cast %add3A_687 : i32 to index
          %get3A_708 = arith.constant 64 : index
          %get3A_709 = tpu.vector_load %arg11[%get3A_707, %get3A_708] {strides = array<i32>} : memref<80x128xf32, #tpu.memory_space<vmem>>, vector<16xf32>,
          %mul3A_710 = arith.mulf %get3A_709, %get3A_709 : vector<16xf32>
          %add3A_711 = arith.addf %add3A_706, %mul3A_710 : vector<16xf32>
          %get3A_712 = arith.index_cast %add3A_687 : i32 to index
          %get3A_713 = arith.constant 80 : index
          %get3A_714 = tpu.vector_load %arg11[%get3A_712, %get3A_713] {strides = array<i32>} : memref<80x128xf32, #tpu.memory_space<vmem>>, vector<16xf32>,
          %mul3A_715 = arith.mulf %get3A_714, %get3A_714 : vector<16xf32>
          %add3A_716 = arith.addf %add3A_711, %mul3A_715 : vector<16xf32>
          %get3A_717 = arith.index_cast %add3A_687 : i32 to index
          %get3A_718 = arith.constant 96 : index
          %get3A_719 = tpu.vector_load %arg11[%get3A_717, %get3A_718] {strides = array<i32>} : memref<80x128xf32, #tpu.memory_space<vmem>>, vector<16xf32>,
          %mul3A_720 = arith.mulf %get3A_719, %get3A_719 : vector<16xf32>
          %add3A_721 = arith.addf %add3A_716, %mul3A_720 : vector<16xf32>
          %get3A_722 = arith.index_cast %add3A_687 : i32 to index
          %get3A_723 = arith.constant 112 : index
          %get3A_724 = tpu.vector_load %arg11[%get3A_722, %get3A_723] {strides = array<i32>} : memref<80x128xf32, #tpu.memory_space<vmem>>, vector<16xf32>,
          %mul3A_725 = arith.mulf %get3A_724, %get3A_724 : vector<16xf32>
          %add3A_726 = arith.addf %add3A_721, %mul3A_725 : vector<16xf32>
          %swap3A_727 = arith.constant 224 : index
          %swap3A_728 = tpu.vector_load %arg13[%swap3A_727] {strides = array<i32>} : memref<256xf32, #tpu.memory_space<vmem>>, vector<16xf32>,
          tpu.vector_store %arg13[%swap3A_727], %add3A_726 {strides = array<i32>} : memref<256xf32, #tpu.memory_space<vmem>>, vector<16xf32>,
          %add3A_729 = arith.constant 15 : i32
          %add3A_730 = arith.addi %mul3A_85, %add3A_729 : i32
          %get3A_731 = arith.index_cast %add3A_730 : i32 to index
          %get3A_732 = arith.constant 0 : index
          %get3A_733 = tpu.vector_load %arg11[%get3A_731, %get3A_732] {strides = array<i32>} : memref<80x128xf32, #tpu.memory_space<vmem>>, vector<16xf32>,
          %mul3A_734 = arith.mulf %get3A_733, %get3A_733 : vector<16xf32>
          %get3A_735 = arith.index_cast %add3A_730 : i32 to index
          %get3A_736 = arith.constant 16 : index
          %get3A_737 = tpu.vector_load %arg11[%get3A_735, %get3A_736] {strides = array<i32>} : memref<80x128xf32, #tpu.memory_space<vmem>>, vector<16xf32>,
          %mul3A_738 = arith.mulf %get3A_737, %get3A_737 : vector<16xf32>
          %add3A_739 = arith.addf %mul3A_734, %mul3A_738 : vector<16xf32>
          %get3A_740 = arith.index_cast %add3A_730 : i32 to index
          %get3A_741 = arith.constant 32 : index
          %get3A_742 = tpu.vector_load %arg11[%get3A_740, %get3A_741] {strides = array<i32>} : memref<80x128xf32, #tpu.memory_space<vmem>>, vector<16xf32>,
          %mul3A_743 = arith.mulf %get3A_742, %get3A_742 : vector<16xf32>
          %add3A_744 = arith.addf %add3A_739, %mul3A_743 : vector<16xf32>
          %get3A_745 = arith.index_cast %add3A_730 : i32 to index
          %get3A_746 = arith.constant 48 : index
          %get3A_747 = tpu.vector_load %arg11[%get3A_745, %get3A_746] {strides = array<i32>} : memref<80x128xf32, #tpu.memory_space<vmem>>, vector<16xf32>,
          %mul3A_748 = arith.mulf %get3A_747, %get3A_747 : vector<16xf32>
          %add3A_749 = arith.addf %add3A_744, %mul3A_748 : vector<16xf32>
          %get3A_750 = arith.index_cast %add3A_730 : i32 to index
          %get3A_751 = arith.constant 64 : index
          %get3A_752 = tpu.vector_load %arg11[%get3A_750, %get3A_751] {strides = array<i32>} : memref<80x128xf32, #tpu.memory_space<vmem>>, vector<16xf32>,
          %mul3A_753 = arith.mulf %get3A_752, %get3A_752 : vector<16xf32>
          %add3A_754 = arith.addf %add3A_749, %mul3A_753 : vector<16xf32>
          %get3A_755 = arith.index_cast %add3A_730 : i32 to index
          %get3A_756 = arith.constant 80 : index
          %get3A_757 = tpu.vector_load %arg11[%get3A_755, %get3A_756] {strides = array<i32>} : memref<80x128xf32, #tpu.memory_space<vmem>>, vector<16xf32>,
          %mul3A_758 = arith.mulf %get3A_757, %get3A_757 : vector<16xf32>
          %add3A_759 = arith.addf %add3A_754, %mul3A_758 : vector<16xf32>
          %get3A_760 = arith.index_cast %add3A_730 : i32 to index
          %get3A_761 = arith.constant 96 : index
          %get3A_762 = tpu.vector_load %arg11[%get3A_760, %get3A_761] {strides = array<i32>} : memref<80x128xf32, #tpu.memory_space<vmem>>, vector<16xf32>,
          %mul3A_763 = arith.mulf %get3A_762, %get3A_762 : vector<16xf32>
          %add3A_764 = arith.addf %add3A_759, %mul3A_763 : vector<16xf32>
          %get3A_765 = arith.index_cast %add3A_730 : i32 to index
          %get3A_766 = arith.constant 112 : index
          %get3A_767 = tpu.vector_load %arg11[%get3A_765, %get3A_766] {strides = array<i32>} : memref<80x128xf32, #tpu.memory_space<vmem>>, vector<16xf32>,
          %mul3A_768 = arith.mulf %get3A_767, %get3A_767 : vector<16xf32>
          %add3A_769 = arith.addf %add3A_764, %mul3A_768 : vector<16xf32>
          %swap3A_770 = arith.constant 240 : index
          %swap3A_771 = tpu.vector_load %arg13[%swap3A_770] {strides = array<i32>} : memref<256xf32, #tpu.memory_space<vmem>>, vector<16xf32>,
          tpu.vector_store %arg13[%swap3A_770], %add3A_769 {strides = array<i32>} : memref<256xf32, #tpu.memory_space<vmem>>, vector<16xf32>,
          %iota3A = tpu.iota {dimensions = array<i32: 0>} : vector<16xi32>
          %mul3A_772 = arith.constant 16 : i32
          %mul3A_773 = vector.broadcast %mul3A_772 : i32 to vector<16xi32>
          %mul3A_774 = arith.muli %iota3A, %mul3A_773 : vector<16xi32>
          %gather3A = tpu.vector_load_idx %arg13[%mul3A_774] : memref<256xf32, #tpu.memory_space<vmem>>[vector<16xi32>], vector<16xf32>,
          %add3A_775 = arith.constant 1 : i32
          %add3A_776 = vector.broadcast %add3A_775 : i32 to vector<16xi32>
          %add3A_777 = arith.addi %mul3A_774, %add3A_776 : vector<16xi32>
          %gather3A_778 = tpu.vector_load_idx %arg13[%add3A_777] : memref<256xf32, #tpu.memory_space<vmem>>[vector<16xi32>], vector<16xf32>,
          %add3A_779 = arith.addf %gather3A, %gather3A_778 : vector<16xf32>
          %add3A_780 = arith.constant 2 : i32
          %add3A_781 = vector.broadcast %add3A_780 : i32 to vector<16xi32>
          %add3A_782 = arith.addi %mul3A_774, %add3A_781 : vector<16xi32>
          %gather3A_783 = tpu.vector_load_idx %arg13[%add3A_782] : memref<256xf32, #tpu.memory_space<vmem>>[vector<16xi32>], vector<16xf32>,
          %add3A_784 = arith.addf %add3A_779, %gather3A_783 : vector<16xf32>
          %add3A_785 = arith.constant 3 : i32
          %add3A_786 = vector.broadcast %add3A_785 : i32 to vector<16xi32>
          %add3A_787 = arith.addi %mul3A_774, %add3A_786 : vector<16xi32>
          %gather3A_788 = tpu.vector_load_idx %arg13[%add3A_787] : memref<256xf32, #tpu.memory_space<vmem>>[vector<16xi32>], vector<16xf32>,
          %add3A_789 = arith.addf %add3A_784, %gather3A_788 : vector<16xf32>
          %add3A_790 = arith.constant 4 : i32
          %add3A_791 = vector.broadcast %add3A_790 : i32 to vector<16xi32>
          %add3A_792 = arith.addi %mul3A_774, %add3A_791 : vector<16xi32>
          %gather3A_793 = tpu.vector_load_idx %arg13[%add3A_792] : memref<256xf32, #tpu.memory_space<vmem>>[vector<16xi32>], vector<16xf32>,
          %add3A_794 = arith.addf %add3A_789, %gather3A_793 : vector<16xf32>
          %add3A_795 = arith.constant 5 : i32
          %add3A_796 = vector.broadcast %add3A_795 : i32 to vector<16xi32>
          %add3A_797 = arith.addi %mul3A_774, %add3A_796 : vector<16xi32>
          %gather3A_798 = tpu.vector_load_idx %arg13[%add3A_797] : memref<256xf32, #tpu.memory_space<vmem>>[vector<16xi32>], vector<16xf32>,
          %add3A_799 = arith.addf %add3A_794, %gather3A_798 : vector<16xf32>
          %add3A_800 = arith.constant 6 : i32
          %add3A_801 = vector.broadcast %add3A_800 : i32 to vector<16xi32>
          %add3A_802 = arith.addi %mul3A_774, %add3A_801 : vector<16xi32>
          %gather3A_803 = tpu.vector_load_idx %arg13[%add3A_802] : memref<256xf32, #tpu.memory_space<vmem>>[vector<16xi32>], vector<16xf32>,
          %add3A_804 = arith.addf %add3A_799, %gather3A_803 : vector<16xf32>
          %add3A_805 = arith.constant 7 : i32
          %add3A_806 = vector.broadcast %add3A_805 : i32 to vector<16xi32>
          %add3A_807 = arith.addi %mul3A_774, %add3A_806 : vector<16xi32>
          %gather3A_808 = tpu.vector_load_idx %arg13[%add3A_807] : memref<256xf32, #tpu.memory_space<vmem>>[vector<16xi32>], vector<16xf32>,
          %add3A_809 = arith.addf %add3A_804, %gather3A_808 : vector<16xf32>
          %add3A_810 = arith.constant 8 : i32
          %add3A_811 = vector.broadcast %add3A_810 : i32 to vector<16xi32>
          %add3A_812 = arith.addi %mul3A_774, %add3A_811 : vector<16xi32>
          %gather3A_813 = tpu.vector_load_idx %arg13[%add3A_812] : memref<256xf32, #tpu.memory_space<vmem>>[vector<16xi32>], vector<16xf32>,
          %add3A_814 = arith.addf %add3A_809, %gather3A_813 : vector<16xf32>
          %add3A_815 = arith.constant 9 : i32
          %add3A_816 = vector.broadcast %add3A_815 : i32 to vector<16xi32>
          %add3A_817 = arith.addi %mul3A_774, %add3A_816 : vector<16xi32>
          %gather3A_818 = tpu.vector_load_idx %arg13[%add3A_817] : memref<256xf32, #tpu.memory_space<vmem>>[vector<16xi32>], vector<16xf32>,
          %add3A_819 = arith.addf %add3A_814, %gather3A_818 : vector<16xf32>
          %add3A_820 = arith.constant 10 : i32
          %add3A_821 = vector.broadcast %add3A_820 : i32 to vector<16xi32>
          %add3A_822 = arith.addi %mul3A_774, %add3A_821 : vector<16xi32>
          %gather3A_823 = tpu.vector_load_idx %arg13[%add3A_822] : memref<256xf32, #tpu.memory_space<vmem>>[vector<16xi32>], vector<16xf32>,
          %add3A_824 = arith.addf %add3A_819, %gather3A_823 : vector<16xf32>
          %add3A_825 = arith.constant 11 : i32
          %add3A_826 = vector.broadcast %add3A_825 : i32 to vector<16xi32>
          %add3A_827 = arith.addi %mul3A_774, %add3A_826 : vector<16xi32>
          %gather3A_828 = tpu.vector_load_idx %arg13[%add3A_827] : memref<256xf32, #tpu.memory_space<vmem>>[vector<16xi32>], vector<16xf32>,
          %add3A_829 = arith.addf %add3A_824, %gather3A_828 : vector<16xf32>
          %add3A_830 = arith.constant 12 : i32
          %add3A_831 = vector.broadcast %add3A_830 : i32 to vector<16xi32>
          %add3A_832 = arith.addi %mul3A_774, %add3A_831 : vector<16xi32>
          %gather3A_833 = tpu.vector_load_idx %arg13[%add3A_832] : memref<256xf32, #tpu.memory_space<vmem>>[vector<16xi32>], vector<16xf32>,
          %add3A_834 = arith.addf %add3A_829, %gather3A_833 : vector<16xf32>
          %add3A_835 = arith.constant 13 : i32
          %add3A_836 = vector.broadcast %add3A_835 : i32 to vector<16xi32>
          %add3A_837 = arith.addi %mul3A_774, %add3A_836 : vector<16xi32>
          %gather3A_838 = tpu.vector_load_idx %arg13[%add3A_837] : memref<256xf32, #tpu.memory_space<vmem>>[vector<16xi32>], vector<16xf32>,
          %add3A_839 = arith.addf %add3A_834, %gather3A_838 : vector<16xf32>
          %add3A_840 = arith.constant 14 : i32
          %add3A_841 = vector.broadcast %add3A_840 : i32 to vector<16xi32>
          %add3A_842 = arith.addi %mul3A_774, %add3A_841 : vector<16xi32>
          %gather3A_843 = tpu.vector_load_idx %arg13[%add3A_842] : memref<256xf32, #tpu.memory_space<vmem>>[vector<16xi32>], vector<16xf32>,
          %add3A_844 = arith.addf %add3A_839, %gather3A_843 : vector<16xf32>
          %add3A_845 = arith.constant 15 : i32
          %add3A_846 = vector.broadcast %add3A_845 : i32 to vector<16xi32>
          %add3A_847 = arith.addi %mul3A_774, %add3A_846 : vector<16xi32>
          %gather3A_848 = tpu.vector_load_idx %arg13[%add3A_847] : memref<256xf32, #tpu.memory_space<vmem>>[vector<16xi32>], vector<16xf32>,
          %add3A_849 = arith.addf %add3A_844, %gather3A_848 : vector<16xf32>
          %mul3A_850 = arith.constant 80 : i32
          %mul3A_851 = arith.muli %add3A_41, %mul3A_850 : i32
          %add3A_852 = arith.addi %mul3A_851, %mul3A_85 : i32
          %get3A_853 = arith.index_cast %add3A_852 : i32 to index
          %get3A_854 = tpu.vector_load %arg7[%get3A_853] {strides = array<i32>} : memref<20000xi32, #tpu.memory_space<vmem>>, vector<16xi32>,
          %gather3A_855 = tpu.vector_load_idx %arg9[%get3A_854] : memref<10000xf32, #tpu.memory_space<vmem>>[vector<16xi32>], vector<16xf32>,
          %get3A_856 = arith.index_cast %add3A_852 : i32 to index
          %get3A_857 = tpu.vector_load %arg8[%get3A_856] {strides = array<i32>} : memref<20000xi32, #tpu.memory_space<vmem>>, vector<16xi32>,
          %gather3A_858 = tpu.vector_load_idx %arg9[%get3A_857] : memref<10000xf32, #tpu.memory_space<vmem>>[vector<16xi32>], vector<16xf32>,
          %sub3A = arith.subf %add3A_849, %gather3A_855 : vector<16xf32>
          %sub3A_859 = arith.subf %sub3A, %gather3A_858 : vector<16xf32>
          %mul3A_860 = arith.constant 5.000000e-01 : f32
          %mul3A_861 = vector.broadcast %mul3A_860 : f32 to vector<16xf32>
          %mul3A_862 = arith.mulf %mul3A_861, %sub3A_859 : vector<16xf32>
          %neg3A = arith.constant 0.000000e+00 : f32
          %neg3A_863 = vector.broadcast %neg3A : f32 to vector<16xf32>
          %neg3A_864 = arith.subf %neg3A_863, %mul3A_862 : vector<16xf32>
          %exp3A = math.exp %neg3A_864 : vector<16xf32>
          %add3A_865 = arith.constant 1.000000e+00 : f32
          %add3A_866 = vector.broadcast %add3A_865 : f32 to vector<16xf32>
          %add3A_867 = arith.addf %add3A_866, %exp3A : vector<16xf32>
          %div3A = arith.constant 1.000000e+00 : f32
          %div3A_868 = vector.broadcast %div3A : f32 to vector<16xf32>
          %div3A_869 = arith.divf %div3A_868, %add3A_867 : vector<16xf32>
          %swap3A_870 = arith.index_cast %add3A_852 : i32 to index
          %swap3A_871 = tpu.vector_load %arg14[%swap3A_870] {strides = array<i32>} : memref<20000xf32, #tpu.memory_space<vmem>>, vector<16xf32>,
          tpu.vector_store %arg14[%swap3A_870], %div3A_869 {strides = array<i32>} : memref<20000xf32, #tpu.memory_space<vmem>>, vector<16xf32>,
        }
        %scan3A_82 = arith.constant 5 : i32
      } else {
      }
      %mul3A_47 = arith.constant 3 : i32
      %mul3A_48 = arith.muli %scan3A_31, %mul3A_47 : i32
      %add3A_49 = arith.constant 2 : i32
      %add3A_50 = arith.addi %mul3A_48, %add3A_49 : i32
      %lt3A_51 = arith.constant 250 : i32
      %lt3A_52 = arith.cmpi slt, %add3A_50, %lt3A_51 : i32
      %convert_element_type3A_53 = arith.extui %lt3A_52 : i1 to i32
      %cond3A_54 = arith.constant 0 : i32
      %cond3A_55 = arith.cmpi ne, %convert_element_type3A_53, %cond3A_54 : i32
      scf.if %cond3A_55 {
        %add3A_56 = arith.constant 1 : i32
        %add3A_57 = arith.addi %add3A_50, %add3A_56 : i32
        %lt3A_58 = arith.constant 250 : i32
        %lt3A_59 = arith.cmpi slt, %add3A_57, %lt3A_58 : i32
        %convert_element_type3A_60 = arith.extui %lt3A_59 : i1 to i32
        %cond3A_61 = arith.constant 0 : i32
        %cond3A_62 = arith.cmpi ne, %convert_element_type3A_60, %cond3A_61 : i32
        scf.if %cond3A_62 {
          %add3A_83 = arith.constant 1 : i32
          %add3A_84 = arith.addi %add3A_50, %add3A_83 : i32
          %mul3A_85 = arith.constant 80 : i32
          %mul3A_86 = arith.muli %add3A_84, %mul3A_85 : i32
          %multiple_of3A_87 = tpu.assume_multiple %mul3A_86, 8 : i32
          %dma_wait3A_88 = tpu.memref_slice %arg7[%multiple_of3A_87] : memref<20000xi32, #tpu.memory_space<vmem>> -> memref<80xi32, #tpu.memory_space<vmem>>
          %dma_wait3A_89 = arith.constant 0 : i32
          %dma_wait3A_90 = arith.constant 0 : i32
          %dma_wait3A_91 = tpu.memref_slice %arg2[%dma_wait3A_89, %dma_wait3A_90] : memref<10000x128xf32, #tpu.memory_space<hbm>> -> memref<10000x128xf32, #tpu.memory_space<hbm>>
          tpu.wait_indirect_dma semaphore(%arg15 : memref<!tpu.dma_semaphore, #tpu.memory_space<semaphore_mem>>) src(%dma_wait3A_91 : memref<10000x128xf32, #tpu.memory_space<hbm>>) dst(%arg10 : memref<80x128xf32, #tpu.memory_space<vmem>>)
          %add3A_92 = arith.constant 1 : i32
          %add3A_93 = arith.addi %add3A_50, %add3A_92 : i32
          %mul3A_94 = arith.constant 80 : i32
          %mul3A_95 = arith.muli %add3A_93, %mul3A_94 : i32
          %multiple_of3A_96 = tpu.assume_multiple %mul3A_95, 8 : i32
          %dma_start3A_97 = tpu.memref_slice %arg8[%multiple_of3A_96] : memref<20000xi32, #tpu.memory_space<vmem>> -> memref<80xi32, #tpu.memory_space<vmem>>
          %dma_start3A_98 = arith.constant 0 : i32
          %dma_start3A_99 = arith.constant 0 : i32
          %dma_start3A_100 = tpu.memref_slice %arg2[%dma_start3A_98, %dma_start3A_99] : memref<10000x128xf32, #tpu.memory_space<hbm>> -> memref<10000x128xf32, #tpu.memory_space<hbm>>
          tpu.enqueue_indirect_dma source(%dma_start3A_100 : memref<10000x128xf32, #tpu.memory_space<hbm>>) target(%arg10 : memref<80x128xf32, #tpu.memory_space<vmem>>) offsets(%dma_start3A_97 : memref<80xi32, #tpu.memory_space<vmem>>) semaphore(%arg18 : memref<!tpu.dma_semaphore, #tpu.memory_space<semaphore_mem>>) {add = true}
        } else {
        }
        %add3A_63 = arith.constant 2 : i32
        %add3A_64 = arith.addi %add3A_50, %add3A_63 : i32
        %lt3A_65 = arith.constant 250 : i32
        %lt3A_66 = arith.cmpi slt, %add3A_64, %lt3A_65 : i32
        %convert_element_type3A_67 = arith.extui %lt3A_66 : i1 to i32
        %cond3A_68 = arith.constant 0 : i32
        %cond3A_69 = arith.cmpi ne, %convert_element_type3A_67, %cond3A_68 : i32
        scf.if %cond3A_69 {
          %add3A_83 = arith.constant 2 : i32
          %add3A_84 = arith.addi %add3A_50, %add3A_83 : i32
          %mul3A_85 = arith.constant 80 : i32
          %mul3A_86 = arith.muli %add3A_84, %mul3A_85 : i32
          %multiple_of3A_87 = tpu.assume_multiple %mul3A_86, 8 : i32
          %dma_start3A_88 = tpu.memref_slice %arg7[%multiple_of3A_87] : memref<20000xi32, #tpu.memory_space<vmem>> -> memref<80xi32, #tpu.memory_space<vmem>>
          %dma_start3A_89 = arith.constant 0 : i32
          %dma_start3A_90 = arith.constant 0 : i32
          %dma_start3A_91 = tpu.memref_slice %arg2[%dma_start3A_89, %dma_start3A_90] : memref<10000x128xf32, #tpu.memory_space<hbm>> -> memref<10000x128xf32, #tpu.memory_space<hbm>>
          tpu.enqueue_indirect_dma source(%dma_start3A_91 : memref<10000x128xf32, #tpu.memory_space<hbm>>) target(%arg11 : memref<80x128xf32, #tpu.memory_space<vmem>>) offsets(%dma_start3A_88 : memref<80xi32, #tpu.memory_space<vmem>>) semaphore(%arg16 : memref<!tpu.dma_semaphore, #tpu.memory_space<semaphore_mem>>)
        } else {
        }
        %mul3A_70 = arith.constant 80 : i32
        %mul3A_71 = arith.muli %add3A_50, %mul3A_70 : i32
        %multiple_of3A_72 = tpu.assume_multiple %mul3A_71, 8 : i32
        %dma_wait3A_73 = tpu.memref_slice %arg8[%multiple_of3A_72] : memref<20000xi32, #tpu.memory_space<vmem>> -> memref<80xi32, #tpu.memory_space<vmem>>
        %dma_wait3A_74 = arith.constant 0 : i32
        %dma_wait3A_75 = arith.constant 0 : i32
        %dma_wait3A_76 = tpu.memref_slice %arg2[%dma_wait3A_74, %dma_wait3A_75] : memref<10000x128xf32, #tpu.memory_space<hbm>> -> memref<10000x128xf32, #tpu.memory_space<hbm>>
        tpu.wait_indirect_dma semaphore(%arg20 : memref<!tpu.dma_semaphore, #tpu.memory_space<semaphore_mem>>) src(%dma_wait3A_76 : memref<10000x128xf32, #tpu.memory_space<hbm>>) dst(%arg12 : memref<80x128xf32, #tpu.memory_space<vmem>>)
        %scan3A_77 = arith.constant 0 : i32
        %scan3A_78 = arith.constant 0 : i32
        %scan3A_79 = arith.constant 5 : i32
        %scan3A_80 = arith.addi %scan3A_78, %scan3A_79 : i32
        %scan3A_81 = arith.constant 1 : i32
        scf.for %scan3A_83 = %scan3A_78 to %scan3A_80 step %scan3A_81  : i32 {
          %mul3A_84 = arith.constant 16 : i32
          %mul3A_85 = arith.muli %scan3A_83, %mul3A_84 : i32
          %add3A_86 = arith.constant 0 : i32
          %add3A_87 = arith.addi %mul3A_85, %add3A_86 : i32
          %get3A = arith.index_cast %add3A_87 : i32 to index
          %get3A_88 = arith.constant 0 : index
          %get3A_89 = tpu.vector_load %arg12[%get3A, %get3A_88] {strides = array<i32>} : memref<80x128xf32, #tpu.memory_space<vmem>>, vector<16xf32>,
          %mul3A_90 = arith.mulf %get3A_89, %get3A_89 : vector<16xf32>
          %get3A_91 = arith.index_cast %add3A_87 : i32 to index
          %get3A_92 = arith.constant 16 : index
          %get3A_93 = tpu.vector_load %arg12[%get3A_91, %get3A_92] {strides = array<i32>} : memref<80x128xf32, #tpu.memory_space<vmem>>, vector<16xf32>,
          %mul3A_94 = arith.mulf %get3A_93, %get3A_93 : vector<16xf32>
          %add3A_95 = arith.addf %mul3A_90, %mul3A_94 : vector<16xf32>
          %get3A_96 = arith.index_cast %add3A_87 : i32 to index
          %get3A_97 = arith.constant 32 : index
          %get3A_98 = tpu.vector_load %arg12[%get3A_96, %get3A_97] {strides = array<i32>} : memref<80x128xf32, #tpu.memory_space<vmem>>, vector<16xf32>,
          %mul3A_99 = arith.mulf %get3A_98, %get3A_98 : vector<16xf32>
          %add3A_100 = arith.addf %add3A_95, %mul3A_99 : vector<16xf32>
          %get3A_101 = arith.index_cast %add3A_87 : i32 to index
          %get3A_102 = arith.constant 48 : index
          %get3A_103 = tpu.vector_load %arg12[%get3A_101, %get3A_102] {strides = array<i32>} : memref<80x128xf32, #tpu.memory_space<vmem>>, vector<16xf32>,
          %mul3A_104 = arith.mulf %get3A_103, %get3A_103 : vector<16xf32>
          %add3A_105 = arith.addf %add3A_100, %mul3A_104 : vector<16xf32>
          %get3A_106 = arith.index_cast %add3A_87 : i32 to index
          %get3A_107 = arith.constant 64 : index
          %get3A_108 = tpu.vector_load %arg12[%get3A_106, %get3A_107] {strides = array<i32>} : memref<80x128xf32, #tpu.memory_space<vmem>>, vector<16xf32>,
          %mul3A_109 = arith.mulf %get3A_108, %get3A_108 : vector<16xf32>
          %add3A_110 = arith.addf %add3A_105, %mul3A_109 : vector<16xf32>
          %get3A_111 = arith.index_cast %add3A_87 : i32 to index
          %get3A_112 = arith.constant 80 : index
          %get3A_113 = tpu.vector_load %arg12[%get3A_111, %get3A_112] {strides = array<i32>} : memref<80x128xf32, #tpu.memory_space<vmem>>, vector<16xf32>,
          %mul3A_114 = arith.mulf %get3A_113, %get3A_113 : vector<16xf32>
          %add3A_115 = arith.addf %add3A_110, %mul3A_114 : vector<16xf32>
          %get3A_116 = arith.index_cast %add3A_87 : i32 to index
          %get3A_117 = arith.constant 96 : index
          %get3A_118 = tpu.vector_load %arg12[%get3A_116, %get3A_117] {strides = array<i32>} : memref<80x128xf32, #tpu.memory_space<vmem>>, vector<16xf32>,
          %mul3A_119 = arith.mulf %get3A_118, %get3A_118 : vector<16xf32>
          %add3A_120 = arith.addf %add3A_115, %mul3A_119 : vector<16xf32>
          %get3A_121 = arith.index_cast %add3A_87 : i32 to index
          %get3A_122 = arith.constant 112 : index
          %get3A_123 = tpu.vector_load %arg12[%get3A_121, %get3A_122] {strides = array<i32>} : memref<80x128xf32, #tpu.memory_space<vmem>>, vector<16xf32>,
          %mul3A_124 = arith.mulf %get3A_123, %get3A_123 : vector<16xf32>
          %add3A_125 = arith.addf %add3A_120, %mul3A_124 : vector<16xf32>
          %swap3A = arith.constant 0 : index
          %swap3A_126 = tpu.vector_load %arg13[%swap3A] {strides = array<i32>} : memref<256xf32, #tpu.memory_space<vmem>>, vector<16xf32>,
          tpu.vector_store %arg13[%swap3A], %add3A_125 {strides = array<i32>} : memref<256xf32, #tpu.memory_space<vmem>>, vector<16xf32>,
          %add3A_127 = arith.constant 1 : i32
          %add3A_128 = arith.addi %mul3A_85, %add3A_127 : i32
          %get3A_129 = arith.index_cast %add3A_128 : i32 to index
          %get3A_130 = arith.constant 0 : index
          %get3A_131 = tpu.vector_load %arg12[%get3A_129, %get3A_130] {strides = array<i32>} : memref<80x128xf32, #tpu.memory_space<vmem>>, vector<16xf32>,
          %mul3A_132 = arith.mulf %get3A_131, %get3A_131 : vector<16xf32>
          %get3A_133 = arith.index_cast %add3A_128 : i32 to index
          %get3A_134 = arith.constant 16 : index
          %get3A_135 = tpu.vector_load %arg12[%get3A_133, %get3A_134] {strides = array<i32>} : memref<80x128xf32, #tpu.memory_space<vmem>>, vector<16xf32>,
          %mul3A_136 = arith.mulf %get3A_135, %get3A_135 : vector<16xf32>
          %add3A_137 = arith.addf %mul3A_132, %mul3A_136 : vector<16xf32>
          %get3A_138 = arith.index_cast %add3A_128 : i32 to index
          %get3A_139 = arith.constant 32 : index
          %get3A_140 = tpu.vector_load %arg12[%get3A_138, %get3A_139] {strides = array<i32>} : memref<80x128xf32, #tpu.memory_space<vmem>>, vector<16xf32>,
          %mul3A_141 = arith.mulf %get3A_140, %get3A_140 : vector<16xf32>
          %add3A_142 = arith.addf %add3A_137, %mul3A_141 : vector<16xf32>
          %get3A_143 = arith.index_cast %add3A_128 : i32 to index
          %get3A_144 = arith.constant 48 : index
          %get3A_145 = tpu.vector_load %arg12[%get3A_143, %get3A_144] {strides = array<i32>} : memref<80x128xf32, #tpu.memory_space<vmem>>, vector<16xf32>,
          %mul3A_146 = arith.mulf %get3A_145, %get3A_145 : vector<16xf32>
          %add3A_147 = arith.addf %add3A_142, %mul3A_146 : vector<16xf32>
          %get3A_148 = arith.index_cast %add3A_128 : i32 to index
          %get3A_149 = arith.constant 64 : index
          %get3A_150 = tpu.vector_load %arg12[%get3A_148, %get3A_149] {strides = array<i32>} : memref<80x128xf32, #tpu.memory_space<vmem>>, vector<16xf32>,
          %mul3A_151 = arith.mulf %get3A_150, %get3A_150 : vector<16xf32>
          %add3A_152 = arith.addf %add3A_147, %mul3A_151 : vector<16xf32>
          %get3A_153 = arith.index_cast %add3A_128 : i32 to index
          %get3A_154 = arith.constant 80 : index
          %get3A_155 = tpu.vector_load %arg12[%get3A_153, %get3A_154] {strides = array<i32>} : memref<80x128xf32, #tpu.memory_space<vmem>>, vector<16xf32>,
          %mul3A_156 = arith.mulf %get3A_155, %get3A_155 : vector<16xf32>
          %add3A_157 = arith.addf %add3A_152, %mul3A_156 : vector<16xf32>
          %get3A_158 = arith.index_cast %add3A_128 : i32 to index
          %get3A_159 = arith.constant 96 : index
          %get3A_160 = tpu.vector_load %arg12[%get3A_158, %get3A_159] {strides = array<i32>} : memref<80x128xf32, #tpu.memory_space<vmem>>, vector<16xf32>,
          %mul3A_161 = arith.mulf %get3A_160, %get3A_160 : vector<16xf32>
          %add3A_162 = arith.addf %add3A_157, %mul3A_161 : vector<16xf32>
          %get3A_163 = arith.index_cast %add3A_128 : i32 to index
          %get3A_164 = arith.constant 112 : index
          %get3A_165 = tpu.vector_load %arg12[%get3A_163, %get3A_164] {strides = array<i32>} : memref<80x128xf32, #tpu.memory_space<vmem>>, vector<16xf32>,
          %mul3A_166 = arith.mulf %get3A_165, %get3A_165 : vector<16xf32>
          %add3A_167 = arith.addf %add3A_162, %mul3A_166 : vector<16xf32>
          %swap3A_168 = arith.constant 16 : index
          %swap3A_169 = tpu.vector_load %arg13[%swap3A_168] {strides = array<i32>} : memref<256xf32, #tpu.memory_space<vmem>>, vector<16xf32>,
          tpu.vector_store %arg13[%swap3A_168], %add3A_167 {strides = array<i32>} : memref<256xf32, #tpu.memory_space<vmem>>, vector<16xf32>,
          %add3A_170 = arith.constant 2 : i32
          %add3A_171 = arith.addi %mul3A_85, %add3A_170 : i32
          %get3A_172 = arith.index_cast %add3A_171 : i32 to index
          %get3A_173 = arith.constant 0 : index
          %get3A_174 = tpu.vector_load %arg12[%get3A_172, %get3A_173] {strides = array<i32>} : memref<80x128xf32, #tpu.memory_space<vmem>>, vector<16xf32>,
          %mul3A_175 = arith.mulf %get3A_174, %get3A_174 : vector<16xf32>
          %get3A_176 = arith.index_cast %add3A_171 : i32 to index
          %get3A_177 = arith.constant 16 : index
          %get3A_178 = tpu.vector_load %arg12[%get3A_176, %get3A_177] {strides = array<i32>} : memref<80x128xf32, #tpu.memory_space<vmem>>, vector<16xf32>,
          %mul3A_179 = arith.mulf %get3A_178, %get3A_178 : vector<16xf32>
          %add3A_180 = arith.addf %mul3A_175, %mul3A_179 : vector<16xf32>
          %get3A_181 = arith.index_cast %add3A_171 : i32 to index
          %get3A_182 = arith.constant 32 : index
          %get3A_183 = tpu.vector_load %arg12[%get3A_181, %get3A_182] {strides = array<i32>} : memref<80x128xf32, #tpu.memory_space<vmem>>, vector<16xf32>,
          %mul3A_184 = arith.mulf %get3A_183, %get3A_183 : vector<16xf32>
          %add3A_185 = arith.addf %add3A_180, %mul3A_184 : vector<16xf32>
          %get3A_186 = arith.index_cast %add3A_171 : i32 to index
          %get3A_187 = arith.constant 48 : index
          %get3A_188 = tpu.vector_load %arg12[%get3A_186, %get3A_187] {strides = array<i32>} : memref<80x128xf32, #tpu.memory_space<vmem>>, vector<16xf32>,
          %mul3A_189 = arith.mulf %get3A_188, %get3A_188 : vector<16xf32>
          %add3A_190 = arith.addf %add3A_185, %mul3A_189 : vector<16xf32>
          %get3A_191 = arith.index_cast %add3A_171 : i32 to index
          %get3A_192 = arith.constant 64 : index
          %get3A_193 = tpu.vector_load %arg12[%get3A_191, %get3A_192] {strides = array<i32>} : memref<80x128xf32, #tpu.memory_space<vmem>>, vector<16xf32>,
          %mul3A_194 = arith.mulf %get3A_193, %get3A_193 : vector<16xf32>
          %add3A_195 = arith.addf %add3A_190, %mul3A_194 : vector<16xf32>
          %get3A_196 = arith.index_cast %add3A_171 : i32 to index
          %get3A_197 = arith.constant 80 : index
          %get3A_198 = tpu.vector_load %arg12[%get3A_196, %get3A_197] {strides = array<i32>} : memref<80x128xf32, #tpu.memory_space<vmem>>, vector<16xf32>,
          %mul3A_199 = arith.mulf %get3A_198, %get3A_198 : vector<16xf32>
          %add3A_200 = arith.addf %add3A_195, %mul3A_199 : vector<16xf32>
          %get3A_201 = arith.index_cast %add3A_171 : i32 to index
          %get3A_202 = arith.constant 96 : index
          %get3A_203 = tpu.vector_load %arg12[%get3A_201, %get3A_202] {strides = array<i32>} : memref<80x128xf32, #tpu.memory_space<vmem>>, vector<16xf32>,
          %mul3A_204 = arith.mulf %get3A_203, %get3A_203 : vector<16xf32>
          %add3A_205 = arith.addf %add3A_200, %mul3A_204 : vector<16xf32>
          %get3A_206 = arith.index_cast %add3A_171 : i32 to index
          %get3A_207 = arith.constant 112 : index
          %get3A_208 = tpu.vector_load %arg12[%get3A_206, %get3A_207] {strides = array<i32>} : memref<80x128xf32, #tpu.memory_space<vmem>>, vector<16xf32>,
          %mul3A_209 = arith.mulf %get3A_208, %get3A_208 : vector<16xf32>
          %add3A_210 = arith.addf %add3A_205, %mul3A_209 : vector<16xf32>
          %swap3A_211 = arith.constant 32 : index
          %swap3A_212 = tpu.vector_load %arg13[%swap3A_211] {strides = array<i32>} : memref<256xf32, #tpu.memory_space<vmem>>, vector<16xf32>,
          tpu.vector_store %arg13[%swap3A_211], %add3A_210 {strides = array<i32>} : memref<256xf32, #tpu.memory_space<vmem>>, vector<16xf32>,
          %add3A_213 = arith.constant 3 : i32
          %add3A_214 = arith.addi %mul3A_85, %add3A_213 : i32
          %get3A_215 = arith.index_cast %add3A_214 : i32 to index
          %get3A_216 = arith.constant 0 : index
          %get3A_217 = tpu.vector_load %arg12[%get3A_215, %get3A_216] {strides = array<i32>} : memref<80x128xf32, #tpu.memory_space<vmem>>, vector<16xf32>,
          %mul3A_218 = arith.mulf %get3A_217, %get3A_217 : vector<16xf32>
          %get3A_219 = arith.index_cast %add3A_214 : i32 to index
          %get3A_220 = arith.constant 16 : index
          %get3A_221 = tpu.vector_load %arg12[%get3A_219, %get3A_220] {strides = array<i32>} : memref<80x128xf32, #tpu.memory_space<vmem>>, vector<16xf32>,
          %mul3A_222 = arith.mulf %get3A_221, %get3A_221 : vector<16xf32>
          %add3A_223 = arith.addf %mul3A_218, %mul3A_222 : vector<16xf32>
          %get3A_224 = arith.index_cast %add3A_214 : i32 to index
          %get3A_225 = arith.constant 32 : index
          %get3A_226 = tpu.vector_load %arg12[%get3A_224, %get3A_225] {strides = array<i32>} : memref<80x128xf32, #tpu.memory_space<vmem>>, vector<16xf32>,
          %mul3A_227 = arith.mulf %get3A_226, %get3A_226 : vector<16xf32>
          %add3A_228 = arith.addf %add3A_223, %mul3A_227 : vector<16xf32>
          %get3A_229 = arith.index_cast %add3A_214 : i32 to index
          %get3A_230 = arith.constant 48 : index
          %get3A_231 = tpu.vector_load %arg12[%get3A_229, %get3A_230] {strides = array<i32>} : memref<80x128xf32, #tpu.memory_space<vmem>>, vector<16xf32>,
          %mul3A_232 = arith.mulf %get3A_231, %get3A_231 : vector<16xf32>
          %add3A_233 = arith.addf %add3A_228, %mul3A_232 : vector<16xf32>
          %get3A_234 = arith.index_cast %add3A_214 : i32 to index
          %get3A_235 = arith.constant 64 : index
          %get3A_236 = tpu.vector_load %arg12[%get3A_234, %get3A_235] {strides = array<i32>} : memref<80x128xf32, #tpu.memory_space<vmem>>, vector<16xf32>,
          %mul3A_237 = arith.mulf %get3A_236, %get3A_236 : vector<16xf32>
          %add3A_238 = arith.addf %add3A_233, %mul3A_237 : vector<16xf32>
          %get3A_239 = arith.index_cast %add3A_214 : i32 to index
          %get3A_240 = arith.constant 80 : index
          %get3A_241 = tpu.vector_load %arg12[%get3A_239, %get3A_240] {strides = array<i32>} : memref<80x128xf32, #tpu.memory_space<vmem>>, vector<16xf32>,
          %mul3A_242 = arith.mulf %get3A_241, %get3A_241 : vector<16xf32>
          %add3A_243 = arith.addf %add3A_238, %mul3A_242 : vector<16xf32>
          %get3A_244 = arith.index_cast %add3A_214 : i32 to index
          %get3A_245 = arith.constant 96 : index
          %get3A_246 = tpu.vector_load %arg12[%get3A_244, %get3A_245] {strides = array<i32>} : memref<80x128xf32, #tpu.memory_space<vmem>>, vector<16xf32>,
          %mul3A_247 = arith.mulf %get3A_246, %get3A_246 : vector<16xf32>
          %add3A_248 = arith.addf %add3A_243, %mul3A_247 : vector<16xf32>
          %get3A_249 = arith.index_cast %add3A_214 : i32 to index
          %get3A_250 = arith.constant 112 : index
          %get3A_251 = tpu.vector_load %arg12[%get3A_249, %get3A_250] {strides = array<i32>} : memref<80x128xf32, #tpu.memory_space<vmem>>, vector<16xf32>,
          %mul3A_252 = arith.mulf %get3A_251, %get3A_251 : vector<16xf32>
          %add3A_253 = arith.addf %add3A_248, %mul3A_252 : vector<16xf32>
          %swap3A_254 = arith.constant 48 : index
          %swap3A_255 = tpu.vector_load %arg13[%swap3A_254] {strides = array<i32>} : memref<256xf32, #tpu.memory_space<vmem>>, vector<16xf32>,
          tpu.vector_store %arg13[%swap3A_254], %add3A_253 {strides = array<i32>} : memref<256xf32, #tpu.memory_space<vmem>>, vector<16xf32>,
          %add3A_256 = arith.constant 4 : i32
          %add3A_257 = arith.addi %mul3A_85, %add3A_256 : i32
          %get3A_258 = arith.index_cast %add3A_257 : i32 to index
          %get3A_259 = arith.constant 0 : index
          %get3A_260 = tpu.vector_load %arg12[%get3A_258, %get3A_259] {strides = array<i32>} : memref<80x128xf32, #tpu.memory_space<vmem>>, vector<16xf32>,
          %mul3A_261 = arith.mulf %get3A_260, %get3A_260 : vector<16xf32>
          %get3A_262 = arith.index_cast %add3A_257 : i32 to index
          %get3A_263 = arith.constant 16 : index
          %get3A_264 = tpu.vector_load %arg12[%get3A_262, %get3A_263] {strides = array<i32>} : memref<80x128xf32, #tpu.memory_space<vmem>>, vector<16xf32>,
          %mul3A_265 = arith.mulf %get3A_264, %get3A_264 : vector<16xf32>
          %add3A_266 = arith.addf %mul3A_261, %mul3A_265 : vector<16xf32>
          %get3A_267 = arith.index_cast %add3A_257 : i32 to index
          %get3A_268 = arith.constant 32 : index
          %get3A_269 = tpu.vector_load %arg12[%get3A_267, %get3A_268] {strides = array<i32>} : memref<80x128xf32, #tpu.memory_space<vmem>>, vector<16xf32>,
          %mul3A_270 = arith.mulf %get3A_269, %get3A_269 : vector<16xf32>
          %add3A_271 = arith.addf %add3A_266, %mul3A_270 : vector<16xf32>
          %get3A_272 = arith.index_cast %add3A_257 : i32 to index
          %get3A_273 = arith.constant 48 : index
          %get3A_274 = tpu.vector_load %arg12[%get3A_272, %get3A_273] {strides = array<i32>} : memref<80x128xf32, #tpu.memory_space<vmem>>, vector<16xf32>,
          %mul3A_275 = arith.mulf %get3A_274, %get3A_274 : vector<16xf32>
          %add3A_276 = arith.addf %add3A_271, %mul3A_275 : vector<16xf32>
          %get3A_277 = arith.index_cast %add3A_257 : i32 to index
          %get3A_278 = arith.constant 64 : index
          %get3A_279 = tpu.vector_load %arg12[%get3A_277, %get3A_278] {strides = array<i32>} : memref<80x128xf32, #tpu.memory_space<vmem>>, vector<16xf32>,
          %mul3A_280 = arith.mulf %get3A_279, %get3A_279 : vector<16xf32>
          %add3A_281 = arith.addf %add3A_276, %mul3A_280 : vector<16xf32>
          %get3A_282 = arith.index_cast %add3A_257 : i32 to index
          %get3A_283 = arith.constant 80 : index
          %get3A_284 = tpu.vector_load %arg12[%get3A_282, %get3A_283] {strides = array<i32>} : memref<80x128xf32, #tpu.memory_space<vmem>>, vector<16xf32>,
          %mul3A_285 = arith.mulf %get3A_284, %get3A_284 : vector<16xf32>
          %add3A_286 = arith.addf %add3A_281, %mul3A_285 : vector<16xf32>
          %get3A_287 = arith.index_cast %add3A_257 : i32 to index
          %get3A_288 = arith.constant 96 : index
          %get3A_289 = tpu.vector_load %arg12[%get3A_287, %get3A_288] {strides = array<i32>} : memref<80x128xf32, #tpu.memory_space<vmem>>, vector<16xf32>,
          %mul3A_290 = arith.mulf %get3A_289, %get3A_289 : vector<16xf32>
          %add3A_291 = arith.addf %add3A_286, %mul3A_290 : vector<16xf32>
          %get3A_292 = arith.index_cast %add3A_257 : i32 to index
          %get3A_293 = arith.constant 112 : index
          %get3A_294 = tpu.vector_load %arg12[%get3A_292, %get3A_293] {strides = array<i32>} : memref<80x128xf32, #tpu.memory_space<vmem>>, vector<16xf32>,
          %mul3A_295 = arith.mulf %get3A_294, %get3A_294 : vector<16xf32>
          %add3A_296 = arith.addf %add3A_291, %mul3A_295 : vector<16xf32>
          %swap3A_297 = arith.constant 64 : index
          %swap3A_298 = tpu.vector_load %arg13[%swap3A_297] {strides = array<i32>} : memref<256xf32, #tpu.memory_space<vmem>>, vector<16xf32>,
          tpu.vector_store %arg13[%swap3A_297], %add3A_296 {strides = array<i32>} : memref<256xf32, #tpu.memory_space<vmem>>, vector<16xf32>,
          %add3A_299 = arith.constant 5 : i32
          %add3A_300 = arith.addi %mul3A_85, %add3A_299 : i32
          %get3A_301 = arith.index_cast %add3A_300 : i32 to index
          %get3A_302 = arith.constant 0 : index
          %get3A_303 = tpu.vector_load %arg12[%get3A_301, %get3A_302] {strides = array<i32>} : memref<80x128xf32, #tpu.memory_space<vmem>>, vector<16xf32>,
          %mul3A_304 = arith.mulf %get3A_303, %get3A_303 : vector<16xf32>
          %get3A_305 = arith.index_cast %add3A_300 : i32 to index
          %get3A_306 = arith.constant 16 : index
          %get3A_307 = tpu.vector_load %arg12[%get3A_305, %get3A_306] {strides = array<i32>} : memref<80x128xf32, #tpu.memory_space<vmem>>, vector<16xf32>,
          %mul3A_308 = arith.mulf %get3A_307, %get3A_307 : vector<16xf32>
          %add3A_309 = arith.addf %mul3A_304, %mul3A_308 : vector<16xf32>
          %get3A_310 = arith.index_cast %add3A_300 : i32 to index
          %get3A_311 = arith.constant 32 : index
          %get3A_312 = tpu.vector_load %arg12[%get3A_310, %get3A_311] {strides = array<i32>} : memref<80x128xf32, #tpu.memory_space<vmem>>, vector<16xf32>,
          %mul3A_313 = arith.mulf %get3A_312, %get3A_312 : vector<16xf32>
          %add3A_314 = arith.addf %add3A_309, %mul3A_313 : vector<16xf32>
          %get3A_315 = arith.index_cast %add3A_300 : i32 to index
          %get3A_316 = arith.constant 48 : index
          %get3A_317 = tpu.vector_load %arg12[%get3A_315, %get3A_316] {strides = array<i32>} : memref<80x128xf32, #tpu.memory_space<vmem>>, vector<16xf32>,
          %mul3A_318 = arith.mulf %get3A_317, %get3A_317 : vector<16xf32>
          %add3A_319 = arith.addf %add3A_314, %mul3A_318 : vector<16xf32>
          %get3A_320 = arith.index_cast %add3A_300 : i32 to index
          %get3A_321 = arith.constant 64 : index
          %get3A_322 = tpu.vector_load %arg12[%get3A_320, %get3A_321] {strides = array<i32>} : memref<80x128xf32, #tpu.memory_space<vmem>>, vector<16xf32>,
          %mul3A_323 = arith.mulf %get3A_322, %get3A_322 : vector<16xf32>
          %add3A_324 = arith.addf %add3A_319, %mul3A_323 : vector<16xf32>
          %get3A_325 = arith.index_cast %add3A_300 : i32 to index
          %get3A_326 = arith.constant 80 : index
          %get3A_327 = tpu.vector_load %arg12[%get3A_325, %get3A_326] {strides = array<i32>} : memref<80x128xf32, #tpu.memory_space<vmem>>, vector<16xf32>,
          %mul3A_328 = arith.mulf %get3A_327, %get3A_327 : vector<16xf32>
          %add3A_329 = arith.addf %add3A_324, %mul3A_328 : vector<16xf32>
          %get3A_330 = arith.index_cast %add3A_300 : i32 to index
          %get3A_331 = arith.constant 96 : index
          %get3A_332 = tpu.vector_load %arg12[%get3A_330, %get3A_331] {strides = array<i32>} : memref<80x128xf32, #tpu.memory_space<vmem>>, vector<16xf32>,
          %mul3A_333 = arith.mulf %get3A_332, %get3A_332 : vector<16xf32>
          %add3A_334 = arith.addf %add3A_329, %mul3A_333 : vector<16xf32>
          %get3A_335 = arith.index_cast %add3A_300 : i32 to index
          %get3A_336 = arith.constant 112 : index
          %get3A_337 = tpu.vector_load %arg12[%get3A_335, %get3A_336] {strides = array<i32>} : memref<80x128xf32, #tpu.memory_space<vmem>>, vector<16xf32>,
          %mul3A_338 = arith.mulf %get3A_337, %get3A_337 : vector<16xf32>
          %add3A_339 = arith.addf %add3A_334, %mul3A_338 : vector<16xf32>
          %swap3A_340 = arith.constant 80 : index
          %swap3A_341 = tpu.vector_load %arg13[%swap3A_340] {strides = array<i32>} : memref<256xf32, #tpu.memory_space<vmem>>, vector<16xf32>,
          tpu.vector_store %arg13[%swap3A_340], %add3A_339 {strides = array<i32>} : memref<256xf32, #tpu.memory_space<vmem>>, vector<16xf32>,
          %add3A_342 = arith.constant 6 : i32
          %add3A_343 = arith.addi %mul3A_85, %add3A_342 : i32
          %get3A_344 = arith.index_cast %add3A_343 : i32 to index
          %get3A_345 = arith.constant 0 : index
          %get3A_346 = tpu.vector_load %arg12[%get3A_344, %get3A_345] {strides = array<i32>} : memref<80x128xf32, #tpu.memory_space<vmem>>, vector<16xf32>,
          %mul3A_347 = arith.mulf %get3A_346, %get3A_346 : vector<16xf32>
          %get3A_348 = arith.index_cast %add3A_343 : i32 to index
          %get3A_349 = arith.constant 16 : index
          %get3A_350 = tpu.vector_load %arg12[%get3A_348, %get3A_349] {strides = array<i32>} : memref<80x128xf32, #tpu.memory_space<vmem>>, vector<16xf32>,
          %mul3A_351 = arith.mulf %get3A_350, %get3A_350 : vector<16xf32>
          %add3A_352 = arith.addf %mul3A_347, %mul3A_351 : vector<16xf32>
          %get3A_353 = arith.index_cast %add3A_343 : i32 to index
          %get3A_354 = arith.constant 32 : index
          %get3A_355 = tpu.vector_load %arg12[%get3A_353, %get3A_354] {strides = array<i32>} : memref<80x128xf32, #tpu.memory_space<vmem>>, vector<16xf32>,
          %mul3A_356 = arith.mulf %get3A_355, %get3A_355 : vector<16xf32>
          %add3A_357 = arith.addf %add3A_352, %mul3A_356 : vector<16xf32>
          %get3A_358 = arith.index_cast %add3A_343 : i32 to index
          %get3A_359 = arith.constant 48 : index
          %get3A_360 = tpu.vector_load %arg12[%get3A_358, %get3A_359] {strides = array<i32>} : memref<80x128xf32, #tpu.memory_space<vmem>>, vector<16xf32>,
          %mul3A_361 = arith.mulf %get3A_360, %get3A_360 : vector<16xf32>
          %add3A_362 = arith.addf %add3A_357, %mul3A_361 : vector<16xf32>
          %get3A_363 = arith.index_cast %add3A_343 : i32 to index
          %get3A_364 = arith.constant 64 : index
          %get3A_365 = tpu.vector_load %arg12[%get3A_363, %get3A_364] {strides = array<i32>} : memref<80x128xf32, #tpu.memory_space<vmem>>, vector<16xf32>,
          %mul3A_366 = arith.mulf %get3A_365, %get3A_365 : vector<16xf32>
          %add3A_367 = arith.addf %add3A_362, %mul3A_366 : vector<16xf32>
          %get3A_368 = arith.index_cast %add3A_343 : i32 to index
          %get3A_369 = arith.constant 80 : index
          %get3A_370 = tpu.vector_load %arg12[%get3A_368, %get3A_369] {strides = array<i32>} : memref<80x128xf32, #tpu.memory_space<vmem>>, vector<16xf32>,
          %mul3A_371 = arith.mulf %get3A_370, %get3A_370 : vector<16xf32>
          %add3A_372 = arith.addf %add3A_367, %mul3A_371 : vector<16xf32>
          %get3A_373 = arith.index_cast %add3A_343 : i32 to index
          %get3A_374 = arith.constant 96 : index
          %get3A_375 = tpu.vector_load %arg12[%get3A_373, %get3A_374] {strides = array<i32>} : memref<80x128xf32, #tpu.memory_space<vmem>>, vector<16xf32>,
          %mul3A_376 = arith.mulf %get3A_375, %get3A_375 : vector<16xf32>
          %add3A_377 = arith.addf %add3A_372, %mul3A_376 : vector<16xf32>
          %get3A_378 = arith.index_cast %add3A_343 : i32 to index
          %get3A_379 = arith.constant 112 : index
          %get3A_380 = tpu.vector_load %arg12[%get3A_378, %get3A_379] {strides = array<i32>} : memref<80x128xf32, #tpu.memory_space<vmem>>, vector<16xf32>,
          %mul3A_381 = arith.mulf %get3A_380, %get3A_380 : vector<16xf32>
          %add3A_382 = arith.addf %add3A_377, %mul3A_381 : vector<16xf32>
          %swap3A_383 = arith.constant 96 : index
          %swap3A_384 = tpu.vector_load %arg13[%swap3A_383] {strides = array<i32>} : memref<256xf32, #tpu.memory_space<vmem>>, vector<16xf32>,
          tpu.vector_store %arg13[%swap3A_383], %add3A_382 {strides = array<i32>} : memref<256xf32, #tpu.memory_space<vmem>>, vector<16xf32>,
          %add3A_385 = arith.constant 7 : i32
          %add3A_386 = arith.addi %mul3A_85, %add3A_385 : i32
          %get3A_387 = arith.index_cast %add3A_386 : i32 to index
          %get3A_388 = arith.constant 0 : index
          %get3A_389 = tpu.vector_load %arg12[%get3A_387, %get3A_388] {strides = array<i32>} : memref<80x128xf32, #tpu.memory_space<vmem>>, vector<16xf32>,
          %mul3A_390 = arith.mulf %get3A_389, %get3A_389 : vector<16xf32>
          %get3A_391 = arith.index_cast %add3A_386 : i32 to index
          %get3A_392 = arith.constant 16 : index
          %get3A_393 = tpu.vector_load %arg12[%get3A_391, %get3A_392] {strides = array<i32>} : memref<80x128xf32, #tpu.memory_space<vmem>>, vector<16xf32>,
          %mul3A_394 = arith.mulf %get3A_393, %get3A_393 : vector<16xf32>
          %add3A_395 = arith.addf %mul3A_390, %mul3A_394 : vector<16xf32>
          %get3A_396 = arith.index_cast %add3A_386 : i32 to index
          %get3A_397 = arith.constant 32 : index
          %get3A_398 = tpu.vector_load %arg12[%get3A_396, %get3A_397] {strides = array<i32>} : memref<80x128xf32, #tpu.memory_space<vmem>>, vector<16xf32>,
          %mul3A_399 = arith.mulf %get3A_398, %get3A_398 : vector<16xf32>
          %add3A_400 = arith.addf %add3A_395, %mul3A_399 : vector<16xf32>
          %get3A_401 = arith.index_cast %add3A_386 : i32 to index
          %get3A_402 = arith.constant 48 : index
          %get3A_403 = tpu.vector_load %arg12[%get3A_401, %get3A_402] {strides = array<i32>} : memref<80x128xf32, #tpu.memory_space<vmem>>, vector<16xf32>,
          %mul3A_404 = arith.mulf %get3A_403, %get3A_403 : vector<16xf32>
          %add3A_405 = arith.addf %add3A_400, %mul3A_404 : vector<16xf32>
          %get3A_406 = arith.index_cast %add3A_386 : i32 to index
          %get3A_407 = arith.constant 64 : index
          %get3A_408 = tpu.vector_load %arg12[%get3A_406, %get3A_407] {strides = array<i32>} : memref<80x128xf32, #tpu.memory_space<vmem>>, vector<16xf32>,
          %mul3A_409 = arith.mulf %get3A_408, %get3A_408 : vector<16xf32>
          %add3A_410 = arith.addf %add3A_405, %mul3A_409 : vector<16xf32>
          %get3A_411 = arith.index_cast %add3A_386 : i32 to index
          %get3A_412 = arith.constant 80 : index
          %get3A_413 = tpu.vector_load %arg12[%get3A_411, %get3A_412] {strides = array<i32>} : memref<80x128xf32, #tpu.memory_space<vmem>>, vector<16xf32>,
          %mul3A_414 = arith.mulf %get3A_413, %get3A_413 : vector<16xf32>
          %add3A_415 = arith.addf %add3A_410, %mul3A_414 : vector<16xf32>
          %get3A_416 = arith.index_cast %add3A_386 : i32 to index
          %get3A_417 = arith.constant 96 : index
          %get3A_418 = tpu.vector_load %arg12[%get3A_416, %get3A_417] {strides = array<i32>} : memref<80x128xf32, #tpu.memory_space<vmem>>, vector<16xf32>,
          %mul3A_419 = arith.mulf %get3A_418, %get3A_418 : vector<16xf32>
          %add3A_420 = arith.addf %add3A_415, %mul3A_419 : vector<16xf32>
          %get3A_421 = arith.index_cast %add3A_386 : i32 to index
          %get3A_422 = arith.constant 112 : index
          %get3A_423 = tpu.vector_load %arg12[%get3A_421, %get3A_422] {strides = array<i32>} : memref<80x128xf32, #tpu.memory_space<vmem>>, vector<16xf32>,
          %mul3A_424 = arith.mulf %get3A_423, %get3A_423 : vector<16xf32>
          %add3A_425 = arith.addf %add3A_420, %mul3A_424 : vector<16xf32>
          %swap3A_426 = arith.constant 112 : index
          %swap3A_427 = tpu.vector_load %arg13[%swap3A_426] {strides = array<i32>} : memref<256xf32, #tpu.memory_space<vmem>>, vector<16xf32>,
          tpu.vector_store %arg13[%swap3A_426], %add3A_425 {strides = array<i32>} : memref<256xf32, #tpu.memory_space<vmem>>, vector<16xf32>,
          %add3A_428 = arith.constant 8 : i32
          %add3A_429 = arith.addi %mul3A_85, %add3A_428 : i32
          %get3A_430 = arith.index_cast %add3A_429 : i32 to index
          %get3A_431 = arith.constant 0 : index
          %get3A_432 = tpu.vector_load %arg12[%get3A_430, %get3A_431] {strides = array<i32>} : memref<80x128xf32, #tpu.memory_space<vmem>>, vector<16xf32>,
          %mul3A_433 = arith.mulf %get3A_432, %get3A_432 : vector<16xf32>
          %get3A_434 = arith.index_cast %add3A_429 : i32 to index
          %get3A_435 = arith.constant 16 : index
          %get3A_436 = tpu.vector_load %arg12[%get3A_434, %get3A_435] {strides = array<i32>} : memref<80x128xf32, #tpu.memory_space<vmem>>, vector<16xf32>,
          %mul3A_437 = arith.mulf %get3A_436, %get3A_436 : vector<16xf32>
          %add3A_438 = arith.addf %mul3A_433, %mul3A_437 : vector<16xf32>
          %get3A_439 = arith.index_cast %add3A_429 : i32 to index
          %get3A_440 = arith.constant 32 : index
          %get3A_441 = tpu.vector_load %arg12[%get3A_439, %get3A_440] {strides = array<i32>} : memref<80x128xf32, #tpu.memory_space<vmem>>, vector<16xf32>,
          %mul3A_442 = arith.mulf %get3A_441, %get3A_441 : vector<16xf32>
          %add3A_443 = arith.addf %add3A_438, %mul3A_442 : vector<16xf32>
          %get3A_444 = arith.index_cast %add3A_429 : i32 to index
          %get3A_445 = arith.constant 48 : index
          %get3A_446 = tpu.vector_load %arg12[%get3A_444, %get3A_445] {strides = array<i32>} : memref<80x128xf32, #tpu.memory_space<vmem>>, vector<16xf32>,
          %mul3A_447 = arith.mulf %get3A_446, %get3A_446 : vector<16xf32>
          %add3A_448 = arith.addf %add3A_443, %mul3A_447 : vector<16xf32>
          %get3A_449 = arith.index_cast %add3A_429 : i32 to index
          %get3A_450 = arith.constant 64 : index
          %get3A_451 = tpu.vector_load %arg12[%get3A_449, %get3A_450] {strides = array<i32>} : memref<80x128xf32, #tpu.memory_space<vmem>>, vector<16xf32>,
          %mul3A_452 = arith.mulf %get3A_451, %get3A_451 : vector<16xf32>
          %add3A_453 = arith.addf %add3A_448, %mul3A_452 : vector<16xf32>
          %get3A_454 = arith.index_cast %add3A_429 : i32 to index
          %get3A_455 = arith.constant 80 : index
          %get3A_456 = tpu.vector_load %arg12[%get3A_454, %get3A_455] {strides = array<i32>} : memref<80x128xf32, #tpu.memory_space<vmem>>, vector<16xf32>,
          %mul3A_457 = arith.mulf %get3A_456, %get3A_456 : vector<16xf32>
          %add3A_458 = arith.addf %add3A_453, %mul3A_457 : vector<16xf32>
          %get3A_459 = arith.index_cast %add3A_429 : i32 to index
          %get3A_460 = arith.constant 96 : index
          %get3A_461 = tpu.vector_load %arg12[%get3A_459, %get3A_460] {strides = array<i32>} : memref<80x128xf32, #tpu.memory_space<vmem>>, vector<16xf32>,
          %mul3A_462 = arith.mulf %get3A_461, %get3A_461 : vector<16xf32>
          %add3A_463 = arith.addf %add3A_458, %mul3A_462 : vector<16xf32>
          %get3A_464 = arith.index_cast %add3A_429 : i32 to index
          %get3A_465 = arith.constant 112 : index
          %get3A_466 = tpu.vector_load %arg12[%get3A_464, %get3A_465] {strides = array<i32>} : memref<80x128xf32, #tpu.memory_space<vmem>>, vector<16xf32>,
          %mul3A_467 = arith.mulf %get3A_466, %get3A_466 : vector<16xf32>
          %add3A_468 = arith.addf %add3A_463, %mul3A_467 : vector<16xf32>
          %swap3A_469 = arith.constant 128 : index
          %swap3A_470 = tpu.vector_load %arg13[%swap3A_469] {strides = array<i32>} : memref<256xf32, #tpu.memory_space<vmem>>, vector<16xf32>,
          tpu.vector_store %arg13[%swap3A_469], %add3A_468 {strides = array<i32>} : memref<256xf32, #tpu.memory_space<vmem>>, vector<16xf32>,
          %add3A_471 = arith.constant 9 : i32
          %add3A_472 = arith.addi %mul3A_85, %add3A_471 : i32
          %get3A_473 = arith.index_cast %add3A_472 : i32 to index
          %get3A_474 = arith.constant 0 : index
          %get3A_475 = tpu.vector_load %arg12[%get3A_473, %get3A_474] {strides = array<i32>} : memref<80x128xf32, #tpu.memory_space<vmem>>, vector<16xf32>,
          %mul3A_476 = arith.mulf %get3A_475, %get3A_475 : vector<16xf32>
          %get3A_477 = arith.index_cast %add3A_472 : i32 to index
          %get3A_478 = arith.constant 16 : index
          %get3A_479 = tpu.vector_load %arg12[%get3A_477, %get3A_478] {strides = array<i32>} : memref<80x128xf32, #tpu.memory_space<vmem>>, vector<16xf32>,
          %mul3A_480 = arith.mulf %get3A_479, %get3A_479 : vector<16xf32>
          %add3A_481 = arith.addf %mul3A_476, %mul3A_480 : vector<16xf32>
          %get3A_482 = arith.index_cast %add3A_472 : i32 to index
          %get3A_483 = arith.constant 32 : index
          %get3A_484 = tpu.vector_load %arg12[%get3A_482, %get3A_483] {strides = array<i32>} : memref<80x128xf32, #tpu.memory_space<vmem>>, vector<16xf32>,
          %mul3A_485 = arith.mulf %get3A_484, %get3A_484 : vector<16xf32>
          %add3A_486 = arith.addf %add3A_481, %mul3A_485 : vector<16xf32>
          %get3A_487 = arith.index_cast %add3A_472 : i32 to index
          %get3A_488 = arith.constant 48 : index
          %get3A_489 = tpu.vector_load %arg12[%get3A_487, %get3A_488] {strides = array<i32>} : memref<80x128xf32, #tpu.memory_space<vmem>>, vector<16xf32>,
          %mul3A_490 = arith.mulf %get3A_489, %get3A_489 : vector<16xf32>
          %add3A_491 = arith.addf %add3A_486, %mul3A_490 : vector<16xf32>
          %get3A_492 = arith.index_cast %add3A_472 : i32 to index
          %get3A_493 = arith.constant 64 : index
          %get3A_494 = tpu.vector_load %arg12[%get3A_492, %get3A_493] {strides = array<i32>} : memref<80x128xf32, #tpu.memory_space<vmem>>, vector<16xf32>,
          %mul3A_495 = arith.mulf %get3A_494, %get3A_494 : vector<16xf32>
          %add3A_496 = arith.addf %add3A_491, %mul3A_495 : vector<16xf32>
          %get3A_497 = arith.index_cast %add3A_472 : i32 to index
          %get3A_498 = arith.constant 80 : index
          %get3A_499 = tpu.vector_load %arg12[%get3A_497, %get3A_498] {strides = array<i32>} : memref<80x128xf32, #tpu.memory_space<vmem>>, vector<16xf32>,
          %mul3A_500 = arith.mulf %get3A_499, %get3A_499 : vector<16xf32>
          %add3A_501 = arith.addf %add3A_496, %mul3A_500 : vector<16xf32>
          %get3A_502 = arith.index_cast %add3A_472 : i32 to index
          %get3A_503 = arith.constant 96 : index
          %get3A_504 = tpu.vector_load %arg12[%get3A_502, %get3A_503] {strides = array<i32>} : memref<80x128xf32, #tpu.memory_space<vmem>>, vector<16xf32>,
          %mul3A_505 = arith.mulf %get3A_504, %get3A_504 : vector<16xf32>
          %add3A_506 = arith.addf %add3A_501, %mul3A_505 : vector<16xf32>
          %get3A_507 = arith.index_cast %add3A_472 : i32 to index
          %get3A_508 = arith.constant 112 : index
          %get3A_509 = tpu.vector_load %arg12[%get3A_507, %get3A_508] {strides = array<i32>} : memref<80x128xf32, #tpu.memory_space<vmem>>, vector<16xf32>,
          %mul3A_510 = arith.mulf %get3A_509, %get3A_509 : vector<16xf32>
          %add3A_511 = arith.addf %add3A_506, %mul3A_510 : vector<16xf32>
          %swap3A_512 = arith.constant 144 : index
          %swap3A_513 = tpu.vector_load %arg13[%swap3A_512] {strides = array<i32>} : memref<256xf32, #tpu.memory_space<vmem>>, vector<16xf32>,
          tpu.vector_store %arg13[%swap3A_512], %add3A_511 {strides = array<i32>} : memref<256xf32, #tpu.memory_space<vmem>>, vector<16xf32>,
          %add3A_514 = arith.constant 10 : i32
          %add3A_515 = arith.addi %mul3A_85, %add3A_514 : i32
          %get3A_516 = arith.index_cast %add3A_515 : i32 to index
          %get3A_517 = arith.constant 0 : index
          %get3A_518 = tpu.vector_load %arg12[%get3A_516, %get3A_517] {strides = array<i32>} : memref<80x128xf32, #tpu.memory_space<vmem>>, vector<16xf32>,
          %mul3A_519 = arith.mulf %get3A_518, %get3A_518 : vector<16xf32>
          %get3A_520 = arith.index_cast %add3A_515 : i32 to index
          %get3A_521 = arith.constant 16 : index
          %get3A_522 = tpu.vector_load %arg12[%get3A_520, %get3A_521] {strides = array<i32>} : memref<80x128xf32, #tpu.memory_space<vmem>>, vector<16xf32>,
          %mul3A_523 = arith.mulf %get3A_522, %get3A_522 : vector<16xf32>
          %add3A_524 = arith.addf %mul3A_519, %mul3A_523 : vector<16xf32>
          %get3A_525 = arith.index_cast %add3A_515 : i32 to index
          %get3A_526 = arith.constant 32 : index
          %get3A_527 = tpu.vector_load %arg12[%get3A_525, %get3A_526] {strides = array<i32>} : memref<80x128xf32, #tpu.memory_space<vmem>>, vector<16xf32>,
          %mul3A_528 = arith.mulf %get3A_527, %get3A_527 : vector<16xf32>
          %add3A_529 = arith.addf %add3A_524, %mul3A_528 : vector<16xf32>
          %get3A_530 = arith.index_cast %add3A_515 : i32 to index
          %get3A_531 = arith.constant 48 : index
          %get3A_532 = tpu.vector_load %arg12[%get3A_530, %get3A_531] {strides = array<i32>} : memref<80x128xf32, #tpu.memory_space<vmem>>, vector<16xf32>,
          %mul3A_533 = arith.mulf %get3A_532, %get3A_532 : vector<16xf32>
          %add3A_534 = arith.addf %add3A_529, %mul3A_533 : vector<16xf32>
          %get3A_535 = arith.index_cast %add3A_515 : i32 to index
          %get3A_536 = arith.constant 64 : index
          %get3A_537 = tpu.vector_load %arg12[%get3A_535, %get3A_536] {strides = array<i32>} : memref<80x128xf32, #tpu.memory_space<vmem>>, vector<16xf32>,
          %mul3A_538 = arith.mulf %get3A_537, %get3A_537 : vector<16xf32>
          %add3A_539 = arith.addf %add3A_534, %mul3A_538 : vector<16xf32>
          %get3A_540 = arith.index_cast %add3A_515 : i32 to index
          %get3A_541 = arith.constant 80 : index
          %get3A_542 = tpu.vector_load %arg12[%get3A_540, %get3A_541] {strides = array<i32>} : memref<80x128xf32, #tpu.memory_space<vmem>>, vector<16xf32>,
          %mul3A_543 = arith.mulf %get3A_542, %get3A_542 : vector<16xf32>
          %add3A_544 = arith.addf %add3A_539, %mul3A_543 : vector<16xf32>
          %get3A_545 = arith.index_cast %add3A_515 : i32 to index
          %get3A_546 = arith.constant 96 : index
          %get3A_547 = tpu.vector_load %arg12[%get3A_545, %get3A_546] {strides = array<i32>} : memref<80x128xf32, #tpu.memory_space<vmem>>, vector<16xf32>,
          %mul3A_548 = arith.mulf %get3A_547, %get3A_547 : vector<16xf32>
          %add3A_549 = arith.addf %add3A_544, %mul3A_548 : vector<16xf32>
          %get3A_550 = arith.index_cast %add3A_515 : i32 to index
          %get3A_551 = arith.constant 112 : index
          %get3A_552 = tpu.vector_load %arg12[%get3A_550, %get3A_551] {strides = array<i32>} : memref<80x128xf32, #tpu.memory_space<vmem>>, vector<16xf32>,
          %mul3A_553 = arith.mulf %get3A_552, %get3A_552 : vector<16xf32>
          %add3A_554 = arith.addf %add3A_549, %mul3A_553 : vector<16xf32>
          %swap3A_555 = arith.constant 160 : index
          %swap3A_556 = tpu.vector_load %arg13[%swap3A_555] {strides = array<i32>} : memref<256xf32, #tpu.memory_space<vmem>>, vector<16xf32>,
          tpu.vector_store %arg13[%swap3A_555], %add3A_554 {strides = array<i32>} : memref<256xf32, #tpu.memory_space<vmem>>, vector<16xf32>,
          %add3A_557 = arith.constant 11 : i32
          %add3A_558 = arith.addi %mul3A_85, %add3A_557 : i32
          %get3A_559 = arith.index_cast %add3A_558 : i32 to index
          %get3A_560 = arith.constant 0 : index
          %get3A_561 = tpu.vector_load %arg12[%get3A_559, %get3A_560] {strides = array<i32>} : memref<80x128xf32, #tpu.memory_space<vmem>>, vector<16xf32>,
          %mul3A_562 = arith.mulf %get3A_561, %get3A_561 : vector<16xf32>
          %get3A_563 = arith.index_cast %add3A_558 : i32 to index
          %get3A_564 = arith.constant 16 : index
          %get3A_565 = tpu.vector_load %arg12[%get3A_563, %get3A_564] {strides = array<i32>} : memref<80x128xf32, #tpu.memory_space<vmem>>, vector<16xf32>,
          %mul3A_566 = arith.mulf %get3A_565, %get3A_565 : vector<16xf32>
          %add3A_567 = arith.addf %mul3A_562, %mul3A_566 : vector<16xf32>
          %get3A_568 = arith.index_cast %add3A_558 : i32 to index
          %get3A_569 = arith.constant 32 : index
          %get3A_570 = tpu.vector_load %arg12[%get3A_568, %get3A_569] {strides = array<i32>} : memref<80x128xf32, #tpu.memory_space<vmem>>, vector<16xf32>,
          %mul3A_571 = arith.mulf %get3A_570, %get3A_570 : vector<16xf32>
          %add3A_572 = arith.addf %add3A_567, %mul3A_571 : vector<16xf32>
          %get3A_573 = arith.index_cast %add3A_558 : i32 to index
          %get3A_574 = arith.constant 48 : index
          %get3A_575 = tpu.vector_load %arg12[%get3A_573, %get3A_574] {strides = array<i32>} : memref<80x128xf32, #tpu.memory_space<vmem>>, vector<16xf32>,
          %mul3A_576 = arith.mulf %get3A_575, %get3A_575 : vector<16xf32>
          %add3A_577 = arith.addf %add3A_572, %mul3A_576 : vector<16xf32>
          %get3A_578 = arith.index_cast %add3A_558 : i32 to index
          %get3A_579 = arith.constant 64 : index
          %get3A_580 = tpu.vector_load %arg12[%get3A_578, %get3A_579] {strides = array<i32>} : memref<80x128xf32, #tpu.memory_space<vmem>>, vector<16xf32>,
          %mul3A_581 = arith.mulf %get3A_580, %get3A_580 : vector<16xf32>
          %add3A_582 = arith.addf %add3A_577, %mul3A_581 : vector<16xf32>
          %get3A_583 = arith.index_cast %add3A_558 : i32 to index
          %get3A_584 = arith.constant 80 : index
          %get3A_585 = tpu.vector_load %arg12[%get3A_583, %get3A_584] {strides = array<i32>} : memref<80x128xf32, #tpu.memory_space<vmem>>, vector<16xf32>,
          %mul3A_586 = arith.mulf %get3A_585, %get3A_585 : vector<16xf32>
          %add3A_587 = arith.addf %add3A_582, %mul3A_586 : vector<16xf32>
          %get3A_588 = arith.index_cast %add3A_558 : i32 to index
          %get3A_589 = arith.constant 96 : index
          %get3A_590 = tpu.vector_load %arg12[%get3A_588, %get3A_589] {strides = array<i32>} : memref<80x128xf32, #tpu.memory_space<vmem>>, vector<16xf32>,
          %mul3A_591 = arith.mulf %get3A_590, %get3A_590 : vector<16xf32>
          %add3A_592 = arith.addf %add3A_587, %mul3A_591 : vector<16xf32>
          %get3A_593 = arith.index_cast %add3A_558 : i32 to index
          %get3A_594 = arith.constant 112 : index
          %get3A_595 = tpu.vector_load %arg12[%get3A_593, %get3A_594] {strides = array<i32>} : memref<80x128xf32, #tpu.memory_space<vmem>>, vector<16xf32>,
          %mul3A_596 = arith.mulf %get3A_595, %get3A_595 : vector<16xf32>
          %add3A_597 = arith.addf %add3A_592, %mul3A_596 : vector<16xf32>
          %swap3A_598 = arith.constant 176 : index
          %swap3A_599 = tpu.vector_load %arg13[%swap3A_598] {strides = array<i32>} : memref<256xf32, #tpu.memory_space<vmem>>, vector<16xf32>,
          tpu.vector_store %arg13[%swap3A_598], %add3A_597 {strides = array<i32>} : memref<256xf32, #tpu.memory_space<vmem>>, vector<16xf32>,
          %add3A_600 = arith.constant 12 : i32
          %add3A_601 = arith.addi %mul3A_85, %add3A_600 : i32
          %get3A_602 = arith.index_cast %add3A_601 : i32 to index
          %get3A_603 = arith.constant 0 : index
          %get3A_604 = tpu.vector_load %arg12[%get3A_602, %get3A_603] {strides = array<i32>} : memref<80x128xf32, #tpu.memory_space<vmem>>, vector<16xf32>,
          %mul3A_605 = arith.mulf %get3A_604, %get3A_604 : vector<16xf32>
          %get3A_606 = arith.index_cast %add3A_601 : i32 to index
          %get3A_607 = arith.constant 16 : index
          %get3A_608 = tpu.vector_load %arg12[%get3A_606, %get3A_607] {strides = array<i32>} : memref<80x128xf32, #tpu.memory_space<vmem>>, vector<16xf32>,
          %mul3A_609 = arith.mulf %get3A_608, %get3A_608 : vector<16xf32>
          %add3A_610 = arith.addf %mul3A_605, %mul3A_609 : vector<16xf32>
          %get3A_611 = arith.index_cast %add3A_601 : i32 to index
          %get3A_612 = arith.constant 32 : index
          %get3A_613 = tpu.vector_load %arg12[%get3A_611, %get3A_612] {strides = array<i32>} : memref<80x128xf32, #tpu.memory_space<vmem>>, vector<16xf32>,
          %mul3A_614 = arith.mulf %get3A_613, %get3A_613 : vector<16xf32>
          %add3A_615 = arith.addf %add3A_610, %mul3A_614 : vector<16xf32>
          %get3A_616 = arith.index_cast %add3A_601 : i32 to index
          %get3A_617 = arith.constant 48 : index
          %get3A_618 = tpu.vector_load %arg12[%get3A_616, %get3A_617] {strides = array<i32>} : memref<80x128xf32, #tpu.memory_space<vmem>>, vector<16xf32>,
          %mul3A_619 = arith.mulf %get3A_618, %get3A_618 : vector<16xf32>
          %add3A_620 = arith.addf %add3A_615, %mul3A_619 : vector<16xf32>
          %get3A_621 = arith.index_cast %add3A_601 : i32 to index
          %get3A_622 = arith.constant 64 : index
          %get3A_623 = tpu.vector_load %arg12[%get3A_621, %get3A_622] {strides = array<i32>} : memref<80x128xf32, #tpu.memory_space<vmem>>, vector<16xf32>,
          %mul3A_624 = arith.mulf %get3A_623, %get3A_623 : vector<16xf32>
          %add3A_625 = arith.addf %add3A_620, %mul3A_624 : vector<16xf32>
          %get3A_626 = arith.index_cast %add3A_601 : i32 to index
          %get3A_627 = arith.constant 80 : index
          %get3A_628 = tpu.vector_load %arg12[%get3A_626, %get3A_627] {strides = array<i32>} : memref<80x128xf32, #tpu.memory_space<vmem>>, vector<16xf32>,
          %mul3A_629 = arith.mulf %get3A_628, %get3A_628 : vector<16xf32>
          %add3A_630 = arith.addf %add3A_625, %mul3A_629 : vector<16xf32>
          %get3A_631 = arith.index_cast %add3A_601 : i32 to index
          %get3A_632 = arith.constant 96 : index
          %get3A_633 = tpu.vector_load %arg12[%get3A_631, %get3A_632] {strides = array<i32>} : memref<80x128xf32, #tpu.memory_space<vmem>>, vector<16xf32>,
          %mul3A_634 = arith.mulf %get3A_633, %get3A_633 : vector<16xf32>
          %add3A_635 = arith.addf %add3A_630, %mul3A_634 : vector<16xf32>
          %get3A_636 = arith.index_cast %add3A_601 : i32 to index
          %get3A_637 = arith.constant 112 : index
          %get3A_638 = tpu.vector_load %arg12[%get3A_636, %get3A_637] {strides = array<i32>} : memref<80x128xf32, #tpu.memory_space<vmem>>, vector<16xf32>,
          %mul3A_639 = arith.mulf %get3A_638, %get3A_638 : vector<16xf32>
          %add3A_640 = arith.addf %add3A_635, %mul3A_639 : vector<16xf32>
          %swap3A_641 = arith.constant 192 : index
          %swap3A_642 = tpu.vector_load %arg13[%swap3A_641] {strides = array<i32>} : memref<256xf32, #tpu.memory_space<vmem>>, vector<16xf32>,
          tpu.vector_store %arg13[%swap3A_641], %add3A_640 {strides = array<i32>} : memref<256xf32, #tpu.memory_space<vmem>>, vector<16xf32>,
          %add3A_643 = arith.constant 13 : i32
          %add3A_644 = arith.addi %mul3A_85, %add3A_643 : i32
          %get3A_645 = arith.index_cast %add3A_644 : i32 to index
          %get3A_646 = arith.constant 0 : index
          %get3A_647 = tpu.vector_load %arg12[%get3A_645, %get3A_646] {strides = array<i32>} : memref<80x128xf32, #tpu.memory_space<vmem>>, vector<16xf32>,
          %mul3A_648 = arith.mulf %get3A_647, %get3A_647 : vector<16xf32>
          %get3A_649 = arith.index_cast %add3A_644 : i32 to index
          %get3A_650 = arith.constant 16 : index
          %get3A_651 = tpu.vector_load %arg12[%get3A_649, %get3A_650] {strides = array<i32>} : memref<80x128xf32, #tpu.memory_space<vmem>>, vector<16xf32>,
          %mul3A_652 = arith.mulf %get3A_651, %get3A_651 : vector<16xf32>
          %add3A_653 = arith.addf %mul3A_648, %mul3A_652 : vector<16xf32>
          %get3A_654 = arith.index_cast %add3A_644 : i32 to index
          %get3A_655 = arith.constant 32 : index
          %get3A_656 = tpu.vector_load %arg12[%get3A_654, %get3A_655] {strides = array<i32>} : memref<80x128xf32, #tpu.memory_space<vmem>>, vector<16xf32>,
          %mul3A_657 = arith.mulf %get3A_656, %get3A_656 : vector<16xf32>
          %add3A_658 = arith.addf %add3A_653, %mul3A_657 : vector<16xf32>
          %get3A_659 = arith.index_cast %add3A_644 : i32 to index
          %get3A_660 = arith.constant 48 : index
          %get3A_661 = tpu.vector_load %arg12[%get3A_659, %get3A_660] {strides = array<i32>} : memref<80x128xf32, #tpu.memory_space<vmem>>, vector<16xf32>,
          %mul3A_662 = arith.mulf %get3A_661, %get3A_661 : vector<16xf32>
          %add3A_663 = arith.addf %add3A_658, %mul3A_662 : vector<16xf32>
          %get3A_664 = arith.index_cast %add3A_644 : i32 to index
          %get3A_665 = arith.constant 64 : index
          %get3A_666 = tpu.vector_load %arg12[%get3A_664, %get3A_665] {strides = array<i32>} : memref<80x128xf32, #tpu.memory_space<vmem>>, vector<16xf32>,
          %mul3A_667 = arith.mulf %get3A_666, %get3A_666 : vector<16xf32>
          %add3A_668 = arith.addf %add3A_663, %mul3A_667 : vector<16xf32>
          %get3A_669 = arith.index_cast %add3A_644 : i32 to index
          %get3A_670 = arith.constant 80 : index
          %get3A_671 = tpu.vector_load %arg12[%get3A_669, %get3A_670] {strides = array<i32>} : memref<80x128xf32, #tpu.memory_space<vmem>>, vector<16xf32>,
          %mul3A_672 = arith.mulf %get3A_671, %get3A_671 : vector<16xf32>
          %add3A_673 = arith.addf %add3A_668, %mul3A_672 : vector<16xf32>
          %get3A_674 = arith.index_cast %add3A_644 : i32 to index
          %get3A_675 = arith.constant 96 : index
          %get3A_676 = tpu.vector_load %arg12[%get3A_674, %get3A_675] {strides = array<i32>} : memref<80x128xf32, #tpu.memory_space<vmem>>, vector<16xf32>,
          %mul3A_677 = arith.mulf %get3A_676, %get3A_676 : vector<16xf32>
          %add3A_678 = arith.addf %add3A_673, %mul3A_677 : vector<16xf32>
          %get3A_679 = arith.index_cast %add3A_644 : i32 to index
          %get3A_680 = arith.constant 112 : index
          %get3A_681 = tpu.vector_load %arg12[%get3A_679, %get3A_680] {strides = array<i32>} : memref<80x128xf32, #tpu.memory_space<vmem>>, vector<16xf32>,
          %mul3A_682 = arith.mulf %get3A_681, %get3A_681 : vector<16xf32>
          %add3A_683 = arith.addf %add3A_678, %mul3A_682 : vector<16xf32>
          %swap3A_684 = arith.constant 208 : index
          %swap3A_685 = tpu.vector_load %arg13[%swap3A_684] {strides = array<i32>} : memref<256xf32, #tpu.memory_space<vmem>>, vector<16xf32>,
          tpu.vector_store %arg13[%swap3A_684], %add3A_683 {strides = array<i32>} : memref<256xf32, #tpu.memory_space<vmem>>, vector<16xf32>,
          %add3A_686 = arith.constant 14 : i32
          %add3A_687 = arith.addi %mul3A_85, %add3A_686 : i32
          %get3A_688 = arith.index_cast %add3A_687 : i32 to index
          %get3A_689 = arith.constant 0 : index
          %get3A_690 = tpu.vector_load %arg12[%get3A_688, %get3A_689] {strides = array<i32>} : memref<80x128xf32, #tpu.memory_space<vmem>>, vector<16xf32>,
          %mul3A_691 = arith.mulf %get3A_690, %get3A_690 : vector<16xf32>
          %get3A_692 = arith.index_cast %add3A_687 : i32 to index
          %get3A_693 = arith.constant 16 : index
          %get3A_694 = tpu.vector_load %arg12[%get3A_692, %get3A_693] {strides = array<i32>} : memref<80x128xf32, #tpu.memory_space<vmem>>, vector<16xf32>,
          %mul3A_695 = arith.mulf %get3A_694, %get3A_694 : vector<16xf32>
          %add3A_696 = arith.addf %mul3A_691, %mul3A_695 : vector<16xf32>
          %get3A_697 = arith.index_cast %add3A_687 : i32 to index
          %get3A_698 = arith.constant 32 : index
          %get3A_699 = tpu.vector_load %arg12[%get3A_697, %get3A_698] {strides = array<i32>} : memref<80x128xf32, #tpu.memory_space<vmem>>, vector<16xf32>,
          %mul3A_700 = arith.mulf %get3A_699, %get3A_699 : vector<16xf32>
          %add3A_701 = arith.addf %add3A_696, %mul3A_700 : vector<16xf32>
          %get3A_702 = arith.index_cast %add3A_687 : i32 to index
          %get3A_703 = arith.constant 48 : index
          %get3A_704 = tpu.vector_load %arg12[%get3A_702, %get3A_703] {strides = array<i32>} : memref<80x128xf32, #tpu.memory_space<vmem>>, vector<16xf32>,
          %mul3A_705 = arith.mulf %get3A_704, %get3A_704 : vector<16xf32>
          %add3A_706 = arith.addf %add3A_701, %mul3A_705 : vector<16xf32>
          %get3A_707 = arith.index_cast %add3A_687 : i32 to index
          %get3A_708 = arith.constant 64 : index
          %get3A_709 = tpu.vector_load %arg12[%get3A_707, %get3A_708] {strides = array<i32>} : memref<80x128xf32, #tpu.memory_space<vmem>>, vector<16xf32>,
          %mul3A_710 = arith.mulf %get3A_709, %get3A_709 : vector<16xf32>
          %add3A_711 = arith.addf %add3A_706, %mul3A_710 : vector<16xf32>
          %get3A_712 = arith.index_cast %add3A_687 : i32 to index
          %get3A_713 = arith.constant 80 : index
          %get3A_714 = tpu.vector_load %arg12[%get3A_712, %get3A_713] {strides = array<i32>} : memref<80x128xf32, #tpu.memory_space<vmem>>, vector<16xf32>,
          %mul3A_715 = arith.mulf %get3A_714, %get3A_714 : vector<16xf32>
          %add3A_716 = arith.addf %add3A_711, %mul3A_715 : vector<16xf32>
          %get3A_717 = arith.index_cast %add3A_687 : i32 to index
          %get3A_718 = arith.constant 96 : index
          %get3A_719 = tpu.vector_load %arg12[%get3A_717, %get3A_718] {strides = array<i32>} : memref<80x128xf32, #tpu.memory_space<vmem>>, vector<16xf32>,
          %mul3A_720 = arith.mulf %get3A_719, %get3A_719 : vector<16xf32>
          %add3A_721 = arith.addf %add3A_716, %mul3A_720 : vector<16xf32>
          %get3A_722 = arith.index_cast %add3A_687 : i32 to index
          %get3A_723 = arith.constant 112 : index
          %get3A_724 = tpu.vector_load %arg12[%get3A_722, %get3A_723] {strides = array<i32>} : memref<80x128xf32, #tpu.memory_space<vmem>>, vector<16xf32>,
          %mul3A_725 = arith.mulf %get3A_724, %get3A_724 : vector<16xf32>
          %add3A_726 = arith.addf %add3A_721, %mul3A_725 : vector<16xf32>
          %swap3A_727 = arith.constant 224 : index
          %swap3A_728 = tpu.vector_load %arg13[%swap3A_727] {strides = array<i32>} : memref<256xf32, #tpu.memory_space<vmem>>, vector<16xf32>,
          tpu.vector_store %arg13[%swap3A_727], %add3A_726 {strides = array<i32>} : memref<256xf32, #tpu.memory_space<vmem>>, vector<16xf32>,
          %add3A_729 = arith.constant 15 : i32
          %add3A_730 = arith.addi %mul3A_85, %add3A_729 : i32
          %get3A_731 = arith.index_cast %add3A_730 : i32 to index
          %get3A_732 = arith.constant 0 : index
          %get3A_733 = tpu.vector_load %arg12[%get3A_731, %get3A_732] {strides = array<i32>} : memref<80x128xf32, #tpu.memory_space<vmem>>, vector<16xf32>,
          %mul3A_734 = arith.mulf %get3A_733, %get3A_733 : vector<16xf32>
          %get3A_735 = arith.index_cast %add3A_730 : i32 to index
          %get3A_736 = arith.constant 16 : index
          %get3A_737 = tpu.vector_load %arg12[%get3A_735, %get3A_736] {strides = array<i32>} : memref<80x128xf32, #tpu.memory_space<vmem>>, vector<16xf32>,
          %mul3A_738 = arith.mulf %get3A_737, %get3A_737 : vector<16xf32>
          %add3A_739 = arith.addf %mul3A_734, %mul3A_738 : vector<16xf32>
          %get3A_740 = arith.index_cast %add3A_730 : i32 to index
          %get3A_741 = arith.constant 32 : index
          %get3A_742 = tpu.vector_load %arg12[%get3A_740, %get3A_741] {strides = array<i32>} : memref<80x128xf32, #tpu.memory_space<vmem>>, vector<16xf32>,
          %mul3A_743 = arith.mulf %get3A_742, %get3A_742 : vector<16xf32>
          %add3A_744 = arith.addf %add3A_739, %mul3A_743 : vector<16xf32>
          %get3A_745 = arith.index_cast %add3A_730 : i32 to index
          %get3A_746 = arith.constant 48 : index
          %get3A_747 = tpu.vector_load %arg12[%get3A_745, %get3A_746] {strides = array<i32>} : memref<80x128xf32, #tpu.memory_space<vmem>>, vector<16xf32>,
          %mul3A_748 = arith.mulf %get3A_747, %get3A_747 : vector<16xf32>
          %add3A_749 = arith.addf %add3A_744, %mul3A_748 : vector<16xf32>
          %get3A_750 = arith.index_cast %add3A_730 : i32 to index
          %get3A_751 = arith.constant 64 : index
          %get3A_752 = tpu.vector_load %arg12[%get3A_750, %get3A_751] {strides = array<i32>} : memref<80x128xf32, #tpu.memory_space<vmem>>, vector<16xf32>,
          %mul3A_753 = arith.mulf %get3A_752, %get3A_752 : vector<16xf32>
          %add3A_754 = arith.addf %add3A_749, %mul3A_753 : vector<16xf32>
          %get3A_755 = arith.index_cast %add3A_730 : i32 to index
          %get3A_756 = arith.constant 80 : index
          %get3A_757 = tpu.vector_load %arg12[%get3A_755, %get3A_756] {strides = array<i32>} : memref<80x128xf32, #tpu.memory_space<vmem>>, vector<16xf32>,
          %mul3A_758 = arith.mulf %get3A_757, %get3A_757 : vector<16xf32>
          %add3A_759 = arith.addf %add3A_754, %mul3A_758 : vector<16xf32>
          %get3A_760 = arith.index_cast %add3A_730 : i32 to index
          %get3A_761 = arith.constant 96 : index
          %get3A_762 = tpu.vector_load %arg12[%get3A_760, %get3A_761] {strides = array<i32>} : memref<80x128xf32, #tpu.memory_space<vmem>>, vector<16xf32>,
          %mul3A_763 = arith.mulf %get3A_762, %get3A_762 : vector<16xf32>
          %add3A_764 = arith.addf %add3A_759, %mul3A_763 : vector<16xf32>
          %get3A_765 = arith.index_cast %add3A_730 : i32 to index
          %get3A_766 = arith.constant 112 : index
          %get3A_767 = tpu.vector_load %arg12[%get3A_765, %get3A_766] {strides = array<i32>} : memref<80x128xf32, #tpu.memory_space<vmem>>, vector<16xf32>,
          %mul3A_768 = arith.mulf %get3A_767, %get3A_767 : vector<16xf32>
          %add3A_769 = arith.addf %add3A_764, %mul3A_768 : vector<16xf32>
          %swap3A_770 = arith.constant 240 : index
          %swap3A_771 = tpu.vector_load %arg13[%swap3A_770] {strides = array<i32>} : memref<256xf32, #tpu.memory_space<vmem>>, vector<16xf32>,
          tpu.vector_store %arg13[%swap3A_770], %add3A_769 {strides = array<i32>} : memref<256xf32, #tpu.memory_space<vmem>>, vector<16xf32>,
          %iota3A = tpu.iota {dimensions = array<i32: 0>} : vector<16xi32>
          %mul3A_772 = arith.constant 16 : i32
          %mul3A_773 = vector.broadcast %mul3A_772 : i32 to vector<16xi32>
          %mul3A_774 = arith.muli %iota3A, %mul3A_773 : vector<16xi32>
          %gather3A = tpu.vector_load_idx %arg13[%mul3A_774] : memref<256xf32, #tpu.memory_space<vmem>>[vector<16xi32>], vector<16xf32>,
          %add3A_775 = arith.constant 1 : i32
          %add3A_776 = vector.broadcast %add3A_775 : i32 to vector<16xi32>
          %add3A_777 = arith.addi %mul3A_774, %add3A_776 : vector<16xi32>
          %gather3A_778 = tpu.vector_load_idx %arg13[%add3A_777] : memref<256xf32, #tpu.memory_space<vmem>>[vector<16xi32>], vector<16xf32>,
          %add3A_779 = arith.addf %gather3A, %gather3A_778 : vector<16xf32>
          %add3A_780 = arith.constant 2 : i32
          %add3A_781 = vector.broadcast %add3A_780 : i32 to vector<16xi32>
          %add3A_782 = arith.addi %mul3A_774, %add3A_781 : vector<16xi32>
          %gather3A_783 = tpu.vector_load_idx %arg13[%add3A_782] : memref<256xf32, #tpu.memory_space<vmem>>[vector<16xi32>], vector<16xf32>,
          %add3A_784 = arith.addf %add3A_779, %gather3A_783 : vector<16xf32>
          %add3A_785 = arith.constant 3 : i32
          %add3A_786 = vector.broadcast %add3A_785 : i32 to vector<16xi32>
          %add3A_787 = arith.addi %mul3A_774, %add3A_786 : vector<16xi32>
          %gather3A_788 = tpu.vector_load_idx %arg13[%add3A_787] : memref<256xf32, #tpu.memory_space<vmem>>[vector<16xi32>], vector<16xf32>,
          %add3A_789 = arith.addf %add3A_784, %gather3A_788 : vector<16xf32>
          %add3A_790 = arith.constant 4 : i32
          %add3A_791 = vector.broadcast %add3A_790 : i32 to vector<16xi32>
          %add3A_792 = arith.addi %mul3A_774, %add3A_791 : vector<16xi32>
          %gather3A_793 = tpu.vector_load_idx %arg13[%add3A_792] : memref<256xf32, #tpu.memory_space<vmem>>[vector<16xi32>], vector<16xf32>,
          %add3A_794 = arith.addf %add3A_789, %gather3A_793 : vector<16xf32>
          %add3A_795 = arith.constant 5 : i32
          %add3A_796 = vector.broadcast %add3A_795 : i32 to vector<16xi32>
          %add3A_797 = arith.addi %mul3A_774, %add3A_796 : vector<16xi32>
          %gather3A_798 = tpu.vector_load_idx %arg13[%add3A_797] : memref<256xf32, #tpu.memory_space<vmem>>[vector<16xi32>], vector<16xf32>,
          %add3A_799 = arith.addf %add3A_794, %gather3A_798 : vector<16xf32>
          %add3A_800 = arith.constant 6 : i32
          %add3A_801 = vector.broadcast %add3A_800 : i32 to vector<16xi32>
          %add3A_802 = arith.addi %mul3A_774, %add3A_801 : vector<16xi32>
          %gather3A_803 = tpu.vector_load_idx %arg13[%add3A_802] : memref<256xf32, #tpu.memory_space<vmem>>[vector<16xi32>], vector<16xf32>,
          %add3A_804 = arith.addf %add3A_799, %gather3A_803 : vector<16xf32>
          %add3A_805 = arith.constant 7 : i32
          %add3A_806 = vector.broadcast %add3A_805 : i32 to vector<16xi32>
          %add3A_807 = arith.addi %mul3A_774, %add3A_806 : vector<16xi32>
          %gather3A_808 = tpu.vector_load_idx %arg13[%add3A_807] : memref<256xf32, #tpu.memory_space<vmem>>[vector<16xi32>], vector<16xf32>,
          %add3A_809 = arith.addf %add3A_804, %gather3A_808 : vector<16xf32>
          %add3A_810 = arith.constant 8 : i32
          %add3A_811 = vector.broadcast %add3A_810 : i32 to vector<16xi32>
          %add3A_812 = arith.addi %mul3A_774, %add3A_811 : vector<16xi32>
          %gather3A_813 = tpu.vector_load_idx %arg13[%add3A_812] : memref<256xf32, #tpu.memory_space<vmem>>[vector<16xi32>], vector<16xf32>,
          %add3A_814 = arith.addf %add3A_809, %gather3A_813 : vector<16xf32>
          %add3A_815 = arith.constant 9 : i32
          %add3A_816 = vector.broadcast %add3A_815 : i32 to vector<16xi32>
          %add3A_817 = arith.addi %mul3A_774, %add3A_816 : vector<16xi32>
          %gather3A_818 = tpu.vector_load_idx %arg13[%add3A_817] : memref<256xf32, #tpu.memory_space<vmem>>[vector<16xi32>], vector<16xf32>,
          %add3A_819 = arith.addf %add3A_814, %gather3A_818 : vector<16xf32>
          %add3A_820 = arith.constant 10 : i32
          %add3A_821 = vector.broadcast %add3A_820 : i32 to vector<16xi32>
          %add3A_822 = arith.addi %mul3A_774, %add3A_821 : vector<16xi32>
          %gather3A_823 = tpu.vector_load_idx %arg13[%add3A_822] : memref<256xf32, #tpu.memory_space<vmem>>[vector<16xi32>], vector<16xf32>,
          %add3A_824 = arith.addf %add3A_819, %gather3A_823 : vector<16xf32>
          %add3A_825 = arith.constant 11 : i32
          %add3A_826 = vector.broadcast %add3A_825 : i32 to vector<16xi32>
          %add3A_827 = arith.addi %mul3A_774, %add3A_826 : vector<16xi32>
          %gather3A_828 = tpu.vector_load_idx %arg13[%add3A_827] : memref<256xf32, #tpu.memory_space<vmem>>[vector<16xi32>], vector<16xf32>,
          %add3A_829 = arith.addf %add3A_824, %gather3A_828 : vector<16xf32>
          %add3A_830 = arith.constant 12 : i32
          %add3A_831 = vector.broadcast %add3A_830 : i32 to vector<16xi32>
          %add3A_832 = arith.addi %mul3A_774, %add3A_831 : vector<16xi32>
          %gather3A_833 = tpu.vector_load_idx %arg13[%add3A_832] : memref<256xf32, #tpu.memory_space<vmem>>[vector<16xi32>], vector<16xf32>,
          %add3A_834 = arith.addf %add3A_829, %gather3A_833 : vector<16xf32>
          %add3A_835 = arith.constant 13 : i32
          %add3A_836 = vector.broadcast %add3A_835 : i32 to vector<16xi32>
          %add3A_837 = arith.addi %mul3A_774, %add3A_836 : vector<16xi32>
          %gather3A_838 = tpu.vector_load_idx %arg13[%add3A_837] : memref<256xf32, #tpu.memory_space<vmem>>[vector<16xi32>], vector<16xf32>,
          %add3A_839 = arith.addf %add3A_834, %gather3A_838 : vector<16xf32>
          %add3A_840 = arith.constant 14 : i32
          %add3A_841 = vector.broadcast %add3A_840 : i32 to vector<16xi32>
          %add3A_842 = arith.addi %mul3A_774, %add3A_841 : vector<16xi32>
          %gather3A_843 = tpu.vector_load_idx %arg13[%add3A_842] : memref<256xf32, #tpu.memory_space<vmem>>[vector<16xi32>], vector<16xf32>,
          %add3A_844 = arith.addf %add3A_839, %gather3A_843 : vector<16xf32>
          %add3A_845 = arith.constant 15 : i32
          %add3A_846 = vector.broadcast %add3A_845 : i32 to vector<16xi32>
          %add3A_847 = arith.addi %mul3A_774, %add3A_846 : vector<16xi32>
          %gather3A_848 = tpu.vector_load_idx %arg13[%add3A_847] : memref<256xf32, #tpu.memory_space<vmem>>[vector<16xi32>], vector<16xf32>,
          %add3A_849 = arith.addf %add3A_844, %gather3A_848 : vector<16xf32>
          %mul3A_850 = arith.constant 80 : i32
          %mul3A_851 = arith.muli %add3A_50, %mul3A_850 : i32
          %add3A_852 = arith.addi %mul3A_851, %mul3A_85 : i32
          %get3A_853 = arith.index_cast %add3A_852 : i32 to index
          %get3A_854 = tpu.vector_load %arg7[%get3A_853] {strides = array<i32>} : memref<20000xi32, #tpu.memory_space<vmem>>, vector<16xi32>,
          %gather3A_855 = tpu.vector_load_idx %arg9[%get3A_854] : memref<10000xf32, #tpu.memory_space<vmem>>[vector<16xi32>], vector<16xf32>,
          %get3A_856 = arith.index_cast %add3A_852 : i32 to index
          %get3A_857 = tpu.vector_load %arg8[%get3A_856] {strides = array<i32>} : memref<20000xi32, #tpu.memory_space<vmem>>, vector<16xi32>,
          %gather3A_858 = tpu.vector_load_idx %arg9[%get3A_857] : memref<10000xf32, #tpu.memory_space<vmem>>[vector<16xi32>], vector<16xf32>,
          %sub3A = arith.subf %add3A_849, %gather3A_855 : vector<16xf32>
          %sub3A_859 = arith.subf %sub3A, %gather3A_858 : vector<16xf32>
          %mul3A_860 = arith.constant 5.000000e-01 : f32
          %mul3A_861 = vector.broadcast %mul3A_860 : f32 to vector<16xf32>
          %mul3A_862 = arith.mulf %mul3A_861, %sub3A_859 : vector<16xf32>
          %neg3A = arith.constant 0.000000e+00 : f32
          %neg3A_863 = vector.broadcast %neg3A : f32 to vector<16xf32>
          %neg3A_864 = arith.subf %neg3A_863, %mul3A_862 : vector<16xf32>
          %exp3A = math.exp %neg3A_864 : vector<16xf32>
          %add3A_865 = arith.constant 1.000000e+00 : f32
          %add3A_866 = vector.broadcast %add3A_865 : f32 to vector<16xf32>
          %add3A_867 = arith.addf %add3A_866, %exp3A : vector<16xf32>
          %div3A = arith.constant 1.000000e+00 : f32
          %div3A_868 = vector.broadcast %div3A : f32 to vector<16xf32>
          %div3A_869 = arith.divf %div3A_868, %add3A_867 : vector<16xf32>
          %swap3A_870 = arith.index_cast %add3A_852 : i32 to index
          %swap3A_871 = tpu.vector_load %arg14[%swap3A_870] {strides = array<i32>} : memref<20000xf32, #tpu.memory_space<vmem>>, vector<16xf32>,
          tpu.vector_store %arg14[%swap3A_870], %div3A_869 {strides = array<i32>} : memref<20000xf32, #tpu.memory_space<vmem>>, vector<16xf32>,
        }
        %scan3A_82 = arith.constant 5 : i32
      } else {
      }
    }
    %scan3A_28 = arith.constant 84 : i32
    %mul3A_29 = arith.constant 20000 : i32
    %mul3A_30 = arith.muli %add3A, %mul3A_29 : i32
    "tpu.region"() ({
      %run_scoped3A = tpu.sem_alloc : memref<!tpu.dma_semaphore, #tpu.memory_space<semaphore_mem>>
      %dma_start3A_31 = tpu.memref_slice %arg6[%mul3A_30] : memref<640000xf32, #tpu.memory_space<hbm>> -> memref<20000xf32, #tpu.memory_space<hbm>>
      %dma_start3A_32 = tpu.memref_slice %arg6[%mul3A_30] : memref<640000xf32, #tpu.memory_space<hbm>> -> memref<20000xf32, #tpu.memory_space<hbm>>
      tpu.enqueue_dma source(%arg14 : memref<20000xf32, #tpu.memory_space<vmem>>) target(%dma_start3A_32 : memref<20000xf32, #tpu.memory_space<hbm>>) target_semaphore(%run_scoped3A : memref<!tpu.dma_semaphore, #tpu.memory_space<semaphore_mem>>)
      %dma_wait3A_33 = tpu.memref_slice %arg6[%mul3A_30] : memref<640000xf32, #tpu.memory_space<hbm>> -> memref<20000xf32, #tpu.memory_space<hbm>>
      %dma_wait3A_34 = tpu.memref_slice %arg6[%mul3A_30] : memref<640000xf32, #tpu.memory_space<hbm>> -> memref<20000xf32, #tpu.memory_space<hbm>>
      tpu.wait_dma2 semaphore(%run_scoped3A : memref<!tpu.dma_semaphore, #tpu.memory_space<semaphore_mem>>) src(%arg14 : memref<20000xf32, #tpu.memory_space<vmem>>) dst(%dma_wait3A_34 : memref<20000xf32, #tpu.memory_space<hbm>>)
      tpu.yield
    }) : () -> ()
    return
  }
}

module attributes {stable_mosaic.version = 14 : i64} {
  func.func @_norms_tc_body(%arg0: memref<10000x128xf32, #tpu.memory_space<vmem>>, %arg1: memref<10000xf32, #tpu.memory_space<vmem>>) attributes {dimension_semantics = [], scalar_prefetch = 0 : i64, scratch_operands = 0 : i64, tpu.core_type = #tpu.core_type<tc>} {
    %get3A = arith.constant 0 : index
    %get3A_0 = arith.constant 0 : index
    %get3A_1 = vector.load %arg0[%get3A, %get3A_0] : memref<10000x128xf32, #tpu.memory_space<vmem>>, vector<10000x128xf32>
    %mul3A = arith.mulf %get3A_1, %get3A_1 : vector<10000x128xf32>
    %reduce_sum3A = arith.constant dense<0.000000e+00> : vector<10000xf32>
    %reduce_sum3A_2 = vector.multi_reduction <add>, %mul3A, %reduce_sum3A [1] : vector<10000x128xf32> to vector<10000xf32>
    %swap3A = arith.constant 0 : index
    %swap3A_3 = vector.load %arg1[%swap3A] : memref<10000xf32, #tpu.memory_space<vmem>>, vector<10000xf32>
    tpu.vector_store %arg1[%swap3A], %reduce_sum3A_2 {strides = array<i32>} : memref<10000xf32, #tpu.memory_space<vmem>>, vector<10000xf32>,
    return
  }
}

</mosaic_0001>

<sc_bundles>
// kernel: kernel.4.cloned.1.call-start
scs
__scs_entry_jumppad:
0x0: {  	(pc) =	sbr.rel $0x88, $3  }
0x1: {  	(tag) =	ssettag $0x0;
	lr =	simm.s32 $0x1  }
0x2: {  	[smem:$0x3F9E] =	sst lr;
	_ =	strace $0xD0000000  }
0x3: {  	_ = 	snop  }
0x4: {  	_ = 	snop  }
0x5: {  	_ = 	snop  }
0x6: {  	_ = 	snop  }
0x7: {  	_ = 	snop  }
__scs_overlays_trampoline_lowered:
0x8: {  	[smem:$0x3FAD] =	sst s0  }
0x9: {  	[smem:$0x3FAE] =	sst s1  }
0xa: {  	[smem:$0x3FAF] =	sst s2  }
0xb: {  	[smem:$0x3FB0] =	sst s3  }
0xc: {  	[smem:$0x3FB1] =	sst s4  }
0xd: {  	[smem:$0x3FB2] =	sst s5  }
0xe: {  	[smem:$0x3FB3] =	sst s6  }
0xf: {  	[smem:$0x3FB4] =	sst s7  }
0x10: {  	[smem:$0x3FB5] =	sst s8  }
0x11: {  	[smem:$0x3FB6] =	sst s9;
	s0 =	simm.s32 @!p0 $0x0  }
0x12: {  	s1 =	sld [smem:$0x3F9C];
	s0 =	simm.s32 @p0 $0x1  }
0x13: {  	[smem:$0x3FB7] =	sst s0;
	s0 =	simm.s32 @!p1 $0x0  }
0x14: {  	s2 =	sld [smem:$0x3F9B];
	s0 =	simm.s32 @p1 $0x1  }
0x15: {  	[smem:$0x3FB8] =	sst s0;
	s0 =	simm.s32 @!p2 $0x0  }
0x16: {  	s3 =	sld [smem:$0x3FDB];
	s0 =	simm.s32 @p2 $0x1  }
0x17: {  	s4 =	simm.s32 $0x1BF5;
	[smem:$0x3FBA] =	sst s0  }
0x18: {  	s0 =	sld [smem:$0x3F9D];
	_ =	swait.ge [sflag:s4], $0x0  }
0x19: {  	s7 =	sld [smem:$0x3F9E]  }
0x1a: {  	s8 =	sadd.s32 $0xFFFFE003, lr  }
0x1b: {  	s9 =	sadd.s32 $0xFFFFFEF7, lr;
	s5 =	simm.s32 $0xFFFFFFFF;
	p2 =	slt.u32 s8, $0xFFFFF086  }
0x1c: {  	p1 =	slt.u32 s9, $0xF7A;
	s5 =	simm.s32 @!p2 $0x0  }
0x1d: {  	s5 =	simm.s32 @p1 $0x1;
	p0 =	seq.s32 s7, s2  }
0x1e: {  	s7 =	smul.u32 @!p0 $0xF7A, s2;
	p2 =	seq.s32 @!p0 s5, $0x0  }
0x1f: {  	s9 =	smul.u32 $0xF7A, s1;
	s8 =	simm.s32 @!p0 $0x1BF5;
	p2 =	por !p2, p0  }
0x20: {  	[sflag:s8] =	ssyncset.s32 @!p0 $0xFFFFF086;
	s6 =	sadd.s32 @!p0 s3, s7;
	s7 =	simm.s32 @!p0 $0x108  }
0x21: {  	s3 =	sadd.s32 s3, s9;
	s6 =	sadd.s32 @!p0 $0x88, s6;
	s7 =	simm.s32 @p2 $0x1082  }
0x22: {  	[simem:s7], [sflag:s8] =	dma.local @!p0 [hbm:s6], $0xF7A  }
0x23: {  	s9 =	sor.u32 $0xD0000000, s2;
	s6 =	simm.s32 $0x108;
	_ =	swait.ge @!p0 [sflag:s8], $0x0  }
0x24: {  	s3 =	sadd.s32 $0x88, s3;
	s6 =	simm.s32 @!p1 $0x1082;
	[sflag:s4] =	ssyncset.s32 $0xFFFFF086  }
0x25: {  	[simem:s6], [sflag:s4] =	dma.local [hbm:s3], $0xF7A  }
0x26: {  	[smem:$0x3F9E] =	sst s1;
	(tag) =	ssettag s2;
	_ =	strace s9  }
0x27: {  	s1 =	sld [smem:$0x3FAE]  }
0x28: {  	s2 =	sld [smem:$0x3FAF]  }
0x29: {  	s4 =	sld [smem:$0x3FB1]  }
0x2a: {  	p0 =	seq.s32 s5, $0x0;
	s5 =	sld [smem:$0x3FB2]  }
0x2b: {  	s6 =	sld [smem:$0x3FB3]  }
0x2c: {  	s7 =	sld [smem:$0x3FB4]  }
0x2d: {  	s3 =	simm.s32 $0x108;
	s8 =	sld [smem:$0x3FB5]  }
0x2e: {  	s3 =	simm.s32 @!p0 $0x1082;
	s9 =	sld [smem:$0x3FB6]  }
0x2f: {  	lr =	sadd.s32 s0, s3;
	s0 =	sld [smem:$0x3FAD]  }
0x30: {  	s3 =	sld [smem:$0x3FB0]  }
0x31: {  	[smem:$0x3FB9] =	sst s10  }
0x32: {  	s10 =	sld [smem:$0x3FB7];
	_ =	sdelay $0x3  }
0x33: {  	p0 =	seq.s32 s10, $0x1;
	s10 =	sld [smem:$0x3FB9];
	_ =	sdelay $0x3  }
0x34: {  	[smem:$0x3FB9] =	sst s10  }
0x35: {  	s10 =	sld [smem:$0x3FB8];
	_ =	sdelay $0x3  }
0x36: {  	p1 =	seq.s32 s10, $0x1;
	s10 =	sld [smem:$0x3FB9];
	_ =	sdelay $0x3  }
0x37: {  	[smem:$0x3FB9] =	sst s10  }
0x38: {  	s10 =	sld [smem:$0x3FBA]  }
0x39: {  	_ = 	snop;
	(pc) =	sbr.ind lr, $3  }
0x3a: {  	_ = 	snop  }
0x3b: {  	_ = 	snop  }
0x3c: {  	p2 =	seq.s32 s10, $0x1;
	s10 =	sld [smem:$0x3FB9]  }
0x3d: {  	_ =	shalt  }
0x3e: {  	_ =	shalt  }
0x3f: {  	_ =	shalt  }
0x40: {  	_ =	shalt  }
0x41: {  	_ =	shalt  }
0x42: {  	_ =	shalt  }
0x43: {  	_ =	shalt  }
0x44: {  	_ =	shalt  }
0x45: {  	_ =	shalt  }
0x46: {  	_ =	shalt  }
0x47: {  	_ =	shalt  }
0x48: {  	_ =	shalt  }
0x49: {  	_ =	shalt  }
0x4a: {  	_ =	shalt  }
0x4b: {  	_ =	shalt  }
0x4c: {  	_ =	shalt  }
0x4d: {  	_ =	shalt  }
0x4e: {  	_ =	shalt  }
0x4f: {  	_ =	shalt  }
0x50: {  	_ =	shalt  }
0x51: {  	_ =	shalt  }
0x52: {  	_ =	shalt  }
0x53: {  	_ =	shalt  }
0x54: {  	_ =	shalt  }
0x55: {  	_ =	shalt  }
0x56: {  	_ =	shalt  }
0x57: {  	_ =	shalt  }
0x58: {  	_ =	shalt  }
0x59: {  	_ =	shalt  }
0x5a: {  	_ =	shalt  }
0x5b: {  	_ =	shalt  }
0x5c: {  	_ =	shalt  }
0x5d: {  	_ =	shalt  }
0x5e: {  	_ =	shalt  }
0x5f: {  	_ =	shalt  }
0x60: {  	_ =	shalt  }
0x61: {  	_ =	shalt  }
0x62: {  	_ =	shalt  }
0x63: {  	_ =	shalt  }
0x64: {  	_ =	shalt  }
0x65: {  	_ =	shalt  }
0x66: {  	_ =	shalt  }
0x67: {  	_ =	shalt  }
0x68: {  	_ =	shalt  }
0x69: {  	_ =	shalt  }
0x6a: {  	_ =	shalt  }
0x6b: {  	_ =	shalt  }
0x6c: {  	_ =	shalt  }
0x6d: {  	_ =	shalt  }
0x6e: {  	_ =	shalt  }
0x6f: {  	_ =	shalt  }
0x70: {  	_ =	shalt  }
0x71: {  	_ =	shalt  }
0x72: {  	_ =	shalt  }
0x73: {  	_ =	shalt  }
0x74: {  	_ =	shalt  }
0x75: {  	_ =	shalt  }
0x76: {  	_ =	shalt  }
0x77: {  	_ =	shalt  }
0x78: {  	_ =	shalt  }
0x79: {  	_ =	shalt  }
0x7a: {  	_ =	shalt  }
0x7b: {  	_ =	shalt  }
0x7c: {  	_ =	shalt  }
0x7d: {  	_ =	shalt  }
0x7e: {  	_ =	shalt  }
0x7f: {  	_ =	shalt  }
0x80: {  	_ =	shalt  }
0x81: {  	_ =	shalt  }
0x82: {  	_ =	shalt  }
0x83: {  	_ =	shalt  }
0x84: {  	_ =	shalt  }
0x85: {  	_ =	shalt  }
0x86: {  	_ =	shalt  }
0x87: {  	_ =	shalt  }
.Lfunc_end0:
.L_simem_size_0:
called_computation_lowered:
.L_overlay_start_0:
0x88: {  	s2 =	sld [smem:$0x3FD9]  }
0x89: {  	s3 =	sld [smem:$0x3FFE];
	_ =	sdelay $0x1  }
0x8a: {  	s1 =	srdreg.scid  }
0x8b: {  	s0 =	sand.u32 $0x1, s1  }
0x8c: {  	s17 =	sshll.u32 s0, $0xA;
	s2 =	sadd.s32 s3, s2  }
0x8d: {  	s2 =	sadd.s32 s2, s17  }
0x8e: {  	[smem:$0x3FC5] =	sst s2  }
0x8f: {  	_ = 	snop  }
0x90: {  	s2 =	sld [smem:$0x3FC9]  }
0x91: {  	s18 =	sld [smem:$0x3FD0];
	(tm) =	ssettm $0x1  }
0x92: {  	s4 =	sld [smem:$0x3FFB];
	_ =	sdelay $0x3  }
0x93: {  	_ =	strace s4  }
0x94: {  	s4 =	sld [smem:$0x3FFC];
	_ =	sdelay $0x3  }
0x95: {  	_ =	strace s4  }
0x96: {  	s4 =	sld [smem:$0x3FFD];
	_ =	sdelay $0x3  }
0x97: {  	_ =	strace s4  }
0x98: {  	_ =	strace $0x8FFFFFFF  }
0x99: {  	s19 =	sld [smem:$0x3FDB];
	_ =	sdelay $0x1  }
0x9a: {  	s5 =	simm.s32 $_scs_section_size  }
0x9b: {  	s6 =	simm.s32 $_size__tile_overlayer_lowered;
	s7 =	simm.s32 $_tile_overlayer_lowered  }
0x9c: {  	s22 =	simm.s32 $0x1BFF;
	s21 =	sshll.u32 s7, $0x1;
	s4 =	sadd.s32 s5, s19  }
0x9d: {  	s8 =	simm.s32 $0x0;
	s20 =	sshll.u32 s6, $0x1;
	s6 =	sadd.s32 s21, s4  }
0x9e: {  	[timem:s8], [sflag:s22] =	dma.local [hbm:s6], s20  }
0x9f: {  	_ =	swait.ge [sflag:s22], s20  }
0xa0: {  	s5 =	ssub.s32 $0x0, s20;
	[sflag:s22] =	ssyncset.done $0x0  }
0xa1: {  	[sflag:s22] =	ssyncadd.s32 s5;
	_ =	sdelay $0x1  }
0xa2: {  	s23 =	simm.s32 $0x1B8B  }
0xa3: {  	_ =	swait.ge [sflag:s23], $0x1  }
0xa4: {  	[sflag:s23] =	ssyncset.done $0x0  }
0xa5: {  	s25 =	simm.s32 $0x1B8E;
	s24 =	sld [smem:$0x3FFE];
	[sflag:s23] =	ssyncadd.s32 $0xFFFFFFFF  }
0xa6: {  	s26 =	simm.s32 $execute0_lowered;
	[smem:$0x3FD2] =	sst s25  }
0xa7: {  	s6 =	sshll.u32 s26, $0x1;
	_ =	strace $0x80000046;
	[dreg:$0x1] =	wrdreg $0xFFFFFFFF  }
0xa8: {  	s28 =	simm.s32 $_size_execute0_lowered;
	s4 =	sadd.s32 s4, s6;
	[dreg:$0x0] =	wrdreg $0x0  }
0xa9: {  	s6 =	sshll.u32 s28, $0x1;
	[dreg:$0x2] =	wrdreg s4  }
0xaa: {  	[dreg:$0x3] =	wrdreg s6  }
0xab: {  	[dreg:$0x4] =	wrdreg $0xC0  }
0xac: {  	_ =	task [dreg:s8], $0x5FFFF  }
0xad: {  	[dreg:$0x1] =	wrdreg $0xFFFFFFFF  }
0xae: {  	[dreg:$0x0] =	wrdreg $0x60  }
0xaf: {  	[dreg:$0x2] =	wrdreg s2  }
0xb0: {  	[dreg:$0x3] =	wrdreg s24  }
0xb1: {  	[dreg:$0x4] =	wrdreg s18  }
0xb2: {  	[dreg:$0x5] =	wrdreg $0x9  }
0xb3: {  	_ =	task.clear_ibuf [dreg:s8], $0x6FFFF;
	_ =	strace $0x90000046  }
0xb4: {  	s29 =	simm.s32 $0x9;
	_ =	strace $0x80000048  }
0xb5: {  	_ =	swait.ge [sflag:s29], $0x1  }
0xb6: {  	[sflag:s29] =	ssyncadd.s32 $0xFFFFFFFF  }
0xb7: {  	_ =	strace $0x90000048  }
0xb8: {  	_ =	sfence  }
0xb9: {  	s30 =	sld [smem:$0x0];
	_ =	sdelay $0x2  }
0xba: {  	s31 =	sshll.u32 s1, $0xD;
	s1 =	sshrl.u32 s1, $0x2  }
0xbb: {  	s3 =	sand.u32 $0x4000, s31;
	s1 =	sadd.s32 s1, s30  }
0xbc: {  	s0 =	sor.u32 s3, s0;
	s1 =	sshll.u32 s1, $0x11  }
0xbd: {  	s0 =	sor.u32 s1, s0  }
0xbe: {  	s0 =	sadd.s32 $0x8F2B, s0  }
0xbf: {  	[sflag:s0] =	ssyncadd.remote.s32 $0x1  }
0xc0: {  	_ =	sfence.sel $0xFFFF  }
0xc1: {  	[dreg:$0x0] =	wrdreg $0xFFFFFFFF;
	(pc) =	sbr.abs _section_cstart, $3  }
0xc2: {  	[dreg:$0x1] =	wrdreg $0xFFFFFFFF  }
0xc3: {  	_ =	task.clear_ibuf [dreg:s8], $0x2FFFF;
	_ =	strace $0x9FFFFFFF  }
0xc4: {  	(tm) =	ssettm $0x7FFFFFFF  }
0xc5: {  	_ =	shalt  }
tec
execute0_lowered:
.L_overlay_start_1:
0x0: {  	(tag) =	ssettag $0x1  }
0x1: {  	s1 =	rddreg [dreg:$0x0]  }
0x2: {  	s6 =	rddreg [dreg:$0x1]  }
0x3: {  	s0 =	srdreg.scid;
	s3 =	stileid.u32  }
0x4: {  	s2 =	rddreg [dreg:$0x2];
	s4 =	simm.s32 $0x0;
	s9 =	simm.s32 $0x7  }
0x5: {  	s10 =	simm.s32 $0x9D00;
	s11 =	simm.s32 $0xC480;
	s13 =	simm.s32 $0x1  }
0x6: {  	v0 =	vlaneseq.u32;
	s14 =	simm.s32 $0x4;
	s0 =	sand.u32 $0x1, s0;
	s3 =	sshll.u32 s3, $0x1  }
0x7: {  	s15 =	simm.s32 $0x13C80;
	s17 =	simm.s32 $0x3;
	v0 =	vmul.u32 $0x10, v0;
	s3 =	sor.u32 s0, s3  }
0x8: {  	s18 =	simm.s32 $0x50;
	s19 =	simm.s32 $0x11480;
	s3 =	smul.u32 $0x9C4, s3  }
.Ltmp0:
0x9: {  	s20 =	simm.s32 $0x5;
	s21 =	simm.s32 $0x6;
	v1 =	vor.u32 $0x1, v0;
	v2 =	vor.u32 $0x2, v0;
	v3 =	vor.u32 $0x3, v0;
	(pc) =	sbr.rel .LBB2_1-.Ltmp0, $4  }
0xa: {  	s22 =	simm.s32 $0x0;
	[smem:$0x7FF] =	sst s4;
	s0 =	ssub.s32 $0x2, s0;
	v4 =	vor.u32 $0x4, v0;
	v5 =	vor.u32 $0x5, v0;
	v6 =	vor.u32 $0x6, v0  }
0xb: {  	_ =	strace $0x80000047;
	s5 =	sshrl.u32 s0, $0x1;
	v7 =	vor.u32 $0x7, v0;
	v8 =	vor.u32 $0x8, v0;
	v9 =	vor.u32 $0x9, v0;
	s6 =	sadd.s32 s3, s6  }
0xc: {  	v10 =	vor.u32 $0xA, v0;
	v11 =	vor.u32 $0xB, v0;
	v12 =	vor.u32 $0xC, v0;
	s0 =	ssub.s32 s0, s5;
	s7 =	sadd.s32 s2, s3;
	s31 =	sadd.s32 $0x600, s6  }
0xd: {  	v13 =	vor.u32 $0xD, v0;
	v14 =	vor.u32 $0xE, v0;
	v15 =	vor.u32 $0xF, v0;
	s8 =	smax.u32 s0, $0x1;
	s6 =	sadd.s32 $0x14000, s6;
	[dreg:$0x4] =	wrdreg s31  }
.LBB2_10:
0xe: {  	s22 =	sadd.s32 $0x1, s22  }
0xf: {  	p0 =	sne.s32 s22, s8  }
.Ltmp1:
0x10: {  	s0 =	simm.s32 $0x13D80;
	(pc) =	sbr.rel @!p0 .LBB2_11-.Ltmp1, $4  }
0x11: {  	[hbm4b:s7+s4] =	stream.linear.scatter [tilespmem:s0], [sflag:$0x7], $0x4E20, $0x38;
	[tilespmem:$0x18C00] =	vst v63  }
0x12: {  	_ =	swait.ge [sflag:s9], $0x4E20  }
0x13: {  	[sflag:s9] =	ssyncset.done $0x0  }
0x14: {  	[sflag:s9] =	ssyncadd.s32 $0xFFFFB1E0  }
.LBB2_1:
0x15: {  	s0 =	rddreg [dreg:$0x4]  }
0x16: {  	[tilespmem:s4], [sflag:$0x7] =	stream.linear.gather [hbm4b:s0+s4], $0x4E20, $0x38;
	[tilespmem:$0x18C00] =	vst v63  }
0x17: {  	_ =	swait.ge [sflag:s9], $0x4E20  }
0x18: {  	[sflag:s9] =	ssyncset.done $0x0  }
0x19: {  	s23 =	simm.s32 $0x4E80;
	[sflag:s9] =	ssyncadd.s32 $0xFFFFB1E0  }
0x1a: {  	[tilespmem:s23], [sflag:$0x7] =	stream.linear.gather [hbm4b:s6+s4], $0x4E20, $0x38;
	[tilespmem:$0x18C00] =	vst v63  }
0x1b: {  	_ =	swait.ge [sflag:s9], $0x4E20  }
0x1c: {  	[sflag:s9] =	ssyncset.done $0x0  }
0x1d: {  	[sflag:s9] =	ssyncadd.s32 $0xFFFFB1E0  }
0x1e: {  	s25 =	rddreg [dreg:$0x1]  }
0x1f: {  	[tilespmem:s10], [sflag:$0x7] =	stream.linear.gather [hbm4b:s25+s4], $0x2780, $0x38;
	[tilespmem:$0x18C00] =	vst v63  }
0x20: {  	_ =	swait.ge [sflag:s9], $0x2780  }
0x21: {  	[sflag:s9] =	ssyncset.done $0x0  }
0x22: {  	s26 =	simm.s32 $0xEC80;
	[sflag:s9] =	ssyncadd.s32 $0xFFFFD880  }
0x23: {  	[tilespmem:s11], [sflag:$0x1] =	stream.indirect.gather [hbm4b:s1+s18], $0x80, s4, s18, $0xb8;
	[tilespmem:$0x18C00] =	vst v63  }
0x24: {  	s24 =	simm.s32 $0x4ED0;
	s28 =	simm.s32 $0x4F20;
	s29 =	simm.s32 $0x13E20  }
0x25: {  	[tilespmem:s26], [sflag:$0x2] =	stream.indirect.gather [hbm4b:s1+s18], $0x80, s18, s18, $0xb8;
	[tilespmem:$0x18C00] =	vst v63  }
0x26: {  	s30 =	simm.s32 $0x50;
	s31 =	simm.s32 $0x13D80;
	_ =	swait.ge [sflag:s13], $0x2800  }
0x27: {  	s2 =	simm.s32 $0x0;
	s0 =	simm.s32 $0x0;
	[sflag:s13] =	ssyncset.done $0x0  }
0x28: {  	s25 =	simm.s32 $0x13DD0;
	s26 =	simm.s32 $0xA0;
	[sflag:s13] =	ssyncadd.s32 $0xFFFFD800  }
0x29: {  	[tilespmem:s11], [sflag:$0x4] =	stream.indirect.gather.add.f32 [hbm:s1], $0x80, s23, s18, $0xb8;
	[tilespmem:$0x18C00] =	vst v63  }
.LBB2_2:
0x2a: {  	p0 =	seq.s32 s0, $0x53  }
0x2b: {  	s3 =	simm.s32 @!p0 $0x2  }
0x2c: {  	s12 =	smul.u32 @!p0 $0x3C0, s0;
	_ =	swait.ge @!p0 [sflag:s3], $0x2800  }
0x2d: {  	[sflag:s3] =	ssyncset.done @!p0 $0x0  }
0x2e: {  	[sflag:s3] =	ssyncadd.s32 @!p0 $0xFFFFD800;
	s3 =	sshra.s32 @!p0 s12, $0x2  }
0x2f: {  	s16 =	simm.s32 @!p0 $0x50;
	s5 =	simm.s32 @!p0 $0xEC80;
	s12 =	sadd.s32 @!p0 $0x4ED0, s3  }
0x30: {  	[tilespmem:s5], [sflag:$0x5] =	stream.indirect.gather.add.f32 @!p0 [hbm:s1], $0x80, s12, s16, $0xb8;
	[tilespmem:$0x18C00] =	vst v63  }
0x31: {  	s3 =	sadd.s32 @!p0 $0xA0, s3;
	s5 =	simm.s32 @!p0 $0x11480  }
0x32: {  	[tilespmem:s5], [sflag:$0x3] =	stream.indirect.gather @!p0 [hbm4b:s1+s16], $0x80, s3, s16, $0xb8;
	[tilespmem:$0x18C00] =	vst v63  }
0x33: {  	_ =	swait.ge [sflag:s14], $0x2800  }
0x34: {  	[sflag:s14] =	ssyncset.done $0x0  }
0x35: {  	v16 =	vmov s2;
	v17 =	vmov s23;
	v18 =	vmov s31;
	s12 =	simm.s32 $0x0;
	s16 =	simm.s32 $0xC880;
	[sflag:s14] =	ssyncadd.s32 $0xFFFFD800  }
.LBB2_3:
0x36: {  	v19 =	vld [tilespmem:s16+$0xFFFFFC00]  }
0x37: {  	v20 =	vld [tilespmem:s16+$0xFFFFFC10];
	_ =	sdelay $0x1  }
0x38: {  	v21 =	vld [tilespmem:s16+$0xFFFFFC20];
	_ =	sdelay $0x1  }
0x39: {  	v22 =	vld [tilespmem:s16+$0xFFFFFC30]  }
0x3a: {  	v19 =	vmul.f32 v19, v19;
	v20 =	vmul.f32 v20, v20  }
0x3b: {  	v23 =	vld [tilespmem:s16+$0xFFFFFC40]  }
0x3c: {  	v19 =	vadd.f32 v20, v19;
	v20 =	vmul.f32 v21, v21  }
0x3d: {  	v39 =	vld [tilespmem:s16+$0xFFFFFC50]  }
0x3e: {  	v19 =	vadd.f32 v20, v19;
	v20 =	vmul.f32 v22, v22  }
0x3f: {  	v40 =	vld [tilespmem:s16+$0xFFFFFC60]  }
0x40: {  	v19 =	vadd.f32 v20, v19;
	v20 =	vmul.f32 v23, v23  }
0x41: {  	v41 =	vld [tilespmem:s16+$0xFFFFFC70]  }
0x42: {  	v19 =	vadd.f32 v20, v19;
	v20 =	vmul.f32 v39, v39;
	_ =	sdelay $0x1  }
0x43: {  	v19 =	vadd.f32 v20, v19;
	v20 =	vmul.f32 v40, v40;
	_ =	sdelay $0x1  }
0x44: {  	v19 =	vadd.f32 v20, v19;
	v20 =	vmul.f32 v41, v41;
	_ =	sdelay $0x1  }
0x45: {  	v19 =	vadd.f32 v20, v19;
	_ =	sdelay $0x1  }
0x46: {  	[tilespmem:$0x13C80] =	vst v19  }
0x47: {  	v19 =	vld [tilespmem:s16+$0xFFFFFC80]  }
0x48: {  	v20 =	vld [tilespmem:s16+$0xFFFFFC90];
	_ =	sdelay $0x1  }
0x49: {  	v42 =	vld [tilespmem:s16+$0xFFFFFCA0];
	_ =	sdelay $0x1  }
0x4a: {  	v43 =	vld [tilespmem:s16+$0xFFFFFCB0]  }
0x4b: {  	v19 =	vmul.f32 v19, v19;
	v20 =	vmul.f32 v20, v20  }
0x4c: {  	v44 =	vld [tilespmem:s16+$0xFFFFFCC0]  }
0x4d: {  	v19 =	vadd.f32 v20, v19;
	v20 =	vmul.f32 v42, v42  }
0x4e: {  	v45 =	vld [tilespmem:s16+$0xFFFFFCD0]  }
0x4f: {  	v19 =	vadd.f32 v20, v19;
	v20 =	vmul.f32 v43, v43  }
0x50: {  	v46 =	vld [tilespmem:s16+$0xFFFFFCE0]  }
0x51: {  	v19 =	vadd.f32 v20, v19;
	v20 =	vmul.f32 v44, v44  }
0x52: {  	v47 =	vld [tilespmem:s16+$0xFFFFFCF0]  }
0x53: {  	v19 =	vadd.f32 v20, v19;
	v20 =	vmul.f32 v45, v45;
	_ =	sdelay $0x1  }
0x54: {  	v19 =	vadd.f32 v20, v19;
	v20 =	vmul.f32 v46, v46;
	_ =	sdelay $0x1  }
0x55: {  	v19 =	vadd.f32 v20, v19;
	v20 =	vmul.f32 v47, v47;
	_ =	sdelay $0x1  }
0x56: {  	v19 =	vadd.f32 v20, v19;
	_ =	sdelay $0x1  }
0x57: {  	[tilespmem:$0x13C90] =	vst v19  }
0x58: {  	v19 =	vld [tilespmem:s16+$0xFFFFFD00]  }
0x59: {  	v20 =	vld [tilespmem:s16+$0xFFFFFD10];
	_ =	sdelay $0x1  }
0x5a: {  	v48 =	vld [tilespmem:s16+$0xFFFFFD20];
	_ =	sdelay $0x1  }
0x5b: {  	v49 =	vld [tilespmem:s16+$0xFFFFFD30]  }
0x5c: {  	v19 =	vmul.f32 v19, v19;
	v20 =	vmul.f32 v20, v20  }
0x5d: {  	v50 =	vld [tilespmem:s16+$0xFFFFFD40]  }
0x5e: {  	v19 =	vadd.f32 v20, v19;
	v20 =	vmul.f32 v48, v48  }
0x5f: {  	v51 =	vld [tilespmem:s16+$0xFFFFFD50]  }
0x60: {  	v19 =	vadd.f32 v20, v19;
	v20 =	vmul.f32 v49, v49  }
0x61: {  	v52 =	vld [tilespmem:s16+$0xFFFFFD60]  }
0x62: {  	v19 =	vadd.f32 v20, v19;
	v20 =	vmul.f32 v50, v50  }
0x63: {  	v53 =	vld [tilespmem:s16+$0xFFFFFD70]  }
0x64: {  	v19 =	vadd.f32 v20, v19;
	v20 =	vmul.f32 v51, v51;
	_ =	sdelay $0x1  }
0x65: {  	v19 =	vadd.f32 v20, v19;
	v20 =	vmul.f32 v52, v52;
	_ =	sdelay $0x1  }
0x66: {  	v19 =	vadd.f32 v20, v19;
	v20 =	vmul.f32 v53, v53;
	_ =	sdelay $0x1  }
0x67: {  	v19 =	vadd.f32 v20, v19;
	_ =	sdelay $0x1  }
0x68: {  	[tilespmem:$0x13CA0] =	vst v19  }
0x69: {  	v19 =	vld [tilespmem:s16+$0xFFFFFD80]  }
0x6a: {  	v20 =	vld [tilespmem:s16+$0xFFFFFD90];
	_ =	sdelay $0x1  }
0x6b: {  	v54 =	vld [tilespmem:s16+$0xFFFFFDA0];
	_ =	sdelay $0x1  }
0x6c: {  	v55 =	vld [tilespmem:s16+$0xFFFFFDB0]  }
0x6d: {  	v19 =	vmul.f32 v19, v19;
	v20 =	vmul.f32 v20, v20  }
0x6e: {  	v56 =	vld [tilespmem:s16+$0xFFFFFDC0]  }
0x6f: {  	v19 =	vadd.f32 v20, v19;
	v20 =	vmul.f32 v54, v54  }
0x70: {  	v57 =	vld [tilespmem:s16+$0xFFFFFDD0]  }
0x71: {  	v19 =	vadd.f32 v20, v19;
	v20 =	vmul.f32 v55, v55  }
0x72: {  	v58 =	vld [tilespmem:s16+$0xFFFFFDE0]  }
0x73: {  	v19 =	vadd.f32 v20, v19;
	v20 =	vmul.f32 v56, v56  }
0x74: {  	v59 =	vld [tilespmem:s16+$0xFFFFFDF0]  }
0x75: {  	v19 =	vadd.f32 v20, v19;
	v20 =	vmul.f32 v57, v57;
	_ =	sdelay $0x1  }
0x76: {  	v19 =	vadd.f32 v20, v19;
	v20 =	vmul.f32 v58, v58;
	_ =	sdelay $0x1  }
0x77: {  	v19 =	vadd.f32 v20, v19;
	v20 =	vmul.f32 v59, v59;
	_ =	sdelay $0x1  }
0x78: {  	v19 =	vadd.f32 v20, v19;
	_ =	sdelay $0x1  }
0x79: {  	[tilespmem:$0x13CB0] =	vst v19  }
0x7a: {  	v19 =	vld [tilespmem:s16+$0xFFFFFE00]  }
0x7b: {  	v20 =	vld [tilespmem:s16+$0xFFFFFE10];
	_ =	sdelay $0x1  }
0x7c: {  	v60 =	vld [tilespmem:s16+$0xFFFFFE20];
	_ =	sdelay $0x1  }
0x7d: {  	v61 =	vld [tilespmem:s16+$0xFFFFFE30]  }
0x7e: {  	v19 =	vmul.f32 v19, v19;
	v20 =	vmul.f32 v20, v20  }
0x7f: {  	v62 =	vld [tilespmem:s16+$0xFFFFFE40]  }
0x80: {  	v19 =	vadd.f32 v20, v19;
	v20 =	vmul.f32 v60, v60  }
0x81: {  	v63 =	vld [tilespmem:s16+$0xFFFFFE50]  }
0x82: {  	v19 =	vadd.f32 v20, v19;
	v20 =	vmul.f32 v61, v61  }
0x83: {  	v24 =	vld [tilespmem:s16+$0xFFFFFE60]  }
0x84: {  	v19 =	vadd.f32 v20, v19;
	v20 =	vmul.f32 v62, v62  }
0x85: {  	v25 =	vld [tilespmem:s16+$0xFFFFFE70]  }
0x86: {  	v19 =	vadd.f32 v20, v19;
	v20 =	vmul.f32 v63, v63;
	_ =	sdelay $0x1  }
0x87: {  	v19 =	vadd.f32 v20, v19;
	v20 =	vmul.f32 v24, v24;
	_ =	sdelay $0x1  }
0x88: {  	v19 =	vadd.f32 v20, v19;
	v20 =	vmul.f32 v25, v25;
	_ =	sdelay $0x1  }
0x89: {  	v19 =	vadd.f32 v20, v19;
	_ =	sdelay $0x1  }
0x8a: {  	[tilespmem:$0x13CC0] =	vst v19  }
0x8b: {  	v19 =	vld [tilespmem:s16+$0xFFFFFE80]  }
0x8c: {  	v20 =	vld [tilespmem:s16+$0xFFFFFE90];
	_ =	sdelay $0x1  }
0x8d: {  	v26 =	vld [tilespmem:s16+$0xFFFFFEA0];
	_ =	sdelay $0x1  }
0x8e: {  	v27 =	vld [tilespmem:s16+$0xFFFFFEB0]  }
0x8f: {  	v19 =	vmul.f32 v19, v19;
	v20 =	vmul.f32 v20, v20  }
0x90: {  	v28 =	vld [tilespmem:s16+$0xFFFFFEC0]  }
0x91: {  	v19 =	vadd.f32 v20, v19;
	v20 =	vmul.f32 v26, v26  }
0x92: {  	v29 =	vld [tilespmem:s16+$0xFFFFFED0]  }
0x93: {  	v19 =	vadd.f32 v20, v19;
	v20 =	vmul.f32 v27, v27  }
0x94: {  	v30 =	vld [tilespmem:s16+$0xFFFFFEE0]  }
0x95: {  	v19 =	vadd.f32 v20, v19;
	v20 =	vmul.f32 v28, v28  }
0x96: {  	v31 =	vld [tilespmem:s16+$0xFFFFFEF0]  }
0x97: {  	v19 =	vadd.f32 v20, v19;
	v20 =	vmul.f32 v29, v29;
	_ =	sdelay $0x1  }
0x98: {  	v19 =	vadd.f32 v20, v19;
	v20 =	vmul.f32 v30, v30;
	_ =	sdelay $0x1  }
0x99: {  	v19 =	vadd.f32 v20, v19;
	v20 =	vmul.f32 v31, v31;
	_ =	sdelay $0x1  }
0x9a: {  	v19 =	vadd.f32 v20, v19;
	_ =	sdelay $0x1  }
0x9b: {  	[tilespmem:$0x13CD0] =	vst v19  }
0x9c: {  	v19 =	vld [tilespmem:s16+$0xFFFFFF00]  }
0x9d: {  	v20 =	vld [tilespmem:s16+$0xFFFFFF10];
	_ =	sdelay $0x1  }
0x9e: {  	v32 =	vld [tilespmem:s16+$0xFFFFFF20];
	_ =	sdelay $0x1  }
0x9f: {  	v33 =	vld [tilespmem:s16+$0xFFFFFF30]  }
0xa0: {  	v19 =	vmul.f32 v19, v19;
	v20 =	vmul.f32 v20, v20  }
0xa1: {  	v34 =	vld [tilespmem:s16+$0xFFFFFF40]  }
0xa2: {  	v19 =	vadd.f32 v20, v19;
	v20 =	vmul.f32 v32, v32  }
0xa3: {  	v35 =	vld [tilespmem:s16+$0xFFFFFF50]  }
0xa4: {  	v19 =	vadd.f32 v20, v19;
	v20 =	vmul.f32 v33, v33  }
0xa5: {  	v36 =	vld [tilespmem:s16+$0xFFFFFF60]  }
0xa6: {  	v19 =	vadd.f32 v20, v19;
	v20 =	vmul.f32 v34, v34  }
0xa7: {  	v37 =	vld [tilespmem:s16+$0xFFFFFF70]  }
0xa8: {  	v19 =	vadd.f32 v20, v19;
	v20 =	vmul.f32 v35, v35;
	_ =	sdelay $0x1  }
0xa9: {  	v19 =	vadd.f32 v20, v19;
	v20 =	vmul.f32 v36, v36;
	_ =	sdelay $0x1  }
0xaa: {  	v19 =	vadd.f32 v20, v19;
	v20 =	vmul.f32 v37, v37;
	_ =	sdelay $0x1  }
0xab: {  	v19 =	vadd.f32 v20, v19;
	_ =	sdelay $0x1  }
0xac: {  	[tilespmem:$0x13CE0] =	vst v19  }
0xad: {  	v19 =	vld [tilespmem:s16+$0xFFFFFF80]  }
0xae: {  	v20 =	vld [tilespmem:s16+$0xFFFFFF90];
	_ =	sdelay $0x1  }
0xaf: {  	v38 =	vld [tilespmem:s16+$0xFFFFFFA0];
	_ =	sdelay $0x1  }
0xb0: {  	v39 =	vld [tilespmem:s16+$0xFFFFFFB0]  }
0xb1: {  	v19 =	vmul.f32 v19, v19;
	v20 =	vmul.f32 v20, v20  }
0xb2: {  	v40 =	vld [tilespmem:s16+$0xFFFFFFC0]  }
0xb3: {  	v19 =	vadd.f32 v20, v19;
	v20 =	vmul.f32 v38, v38  }
0xb4: {  	v41 =	vld [tilespmem:s16+$0xFFFFFFD0]  }
0xb5: {  	v19 =	vadd.f32 v20, v19;
	v20 =	vmul.f32 v39, v39  }
0xb6: {  	v42 =	vld [tilespmem:s16+$0xFFFFFFE0]  }
0xb7: {  	v19 =	vadd.f32 v20, v19;
	v20 =	vmul.f32 v40, v40  }
0xb8: {  	v43 =	vld [tilespmem:s16+$0xFFFFFFF0]  }
0xb9: {  	v19 =	vadd.f32 v20, v19;
	v20 =	vmul.f32 v41, v41;
	_ =	sdelay $0x1  }
0xba: {  	v19 =	vadd.f32 v20, v19;
	v20 =	vmul.f32 v42, v42;
	_ =	sdelay $0x1  }
0xbb: {  	v19 =	vadd.f32 v20, v19;
	v20 =	vmul.f32 v43, v43;
	_ =	sdelay $0x1  }
0xbc: {  	v19 =	vadd.f32 v20, v19;
	_ =	sdelay $0x1  }
0xbd: {  	[tilespmem:$0x13CF0] =	vst v19  }
0xbe: {  	v19 =	vld [tilespmem:s16+$0x0]  }
0xbf: {  	v20 =	vld [tilespmem:s16+$0x10];
	_ =	sdelay $0x1  }
0xc0: {  	v44 =	vld [tilespmem:s16+$0x20];
	_ =	sdelay $0x1  }
0xc1: {  	v45 =	vld [tilespmem:s16+$0x30]  }
0xc2: {  	v19 =	vmul.f32 v19, v19;
	v20 =	vmul.f32 v20, v20  }
0xc3: {  	v46 =	vld [tilespmem:s16+$0x40]  }
0xc4: {  	v19 =	vadd.f32 v20, v19;
	v20 =	vmul.f32 v44, v44  }
0xc5: {  	v47 =	vld [tilespmem:s16+$0x50]  }
0xc6: {  	v19 =	vadd.f32 v20, v19;
	v20 =	vmul.f32 v45, v45  }
0xc7: {  	v48 =	vld [tilespmem:s16+$0x60]  }
0xc8: {  	v19 =	vadd.f32 v20, v19;
	v20 =	vmul.f32 v46, v46  }
0xc9: {  	v49 =	vld [tilespmem:s16+$0x70]  }
0xca: {  	v19 =	vadd.f32 v20, v19;
	v20 =	vmul.f32 v47, v47;
	_ =	sdelay $0x1  }
0xcb: {  	v19 =	vadd.f32 v20, v19;
	v20 =	vmul.f32 v48, v48;
	_ =	sdelay $0x1  }
0xcc: {  	v19 =	vadd.f32 v20, v19;
	v20 =	vmul.f32 v49, v49;
	_ =	sdelay $0x1  }
0xcd: {  	v19 =	vadd.f32 v20, v19;
	_ =	sdelay $0x1  }
0xce: {  	[tilespmem:$0x13D00] =	vst v19  }
0xcf: {  	v19 =	vld [tilespmem:s16+$0x80]  }
0xd0: {  	v20 =	vld [tilespmem:s16+$0x90];
	_ =	sdelay $0x1  }
0xd1: {  	v50 =	vld [tilespmem:s16+$0xA0];
	_ =	sdelay $0x1  }
0xd2: {  	v51 =	vld [tilespmem:s16+$0xB0]  }
0xd3: {  	v19 =	vmul.f32 v19, v19;
	v20 =	vmul.f32 v20, v20  }
0xd4: {  	v52 =	vld [tilespmem:s16+$0xC0]  }
0xd5: {  	v19 =	vadd.f32 v20, v19;
	v20 =	vmul.f32 v50, v50  }
0xd6: {  	v53 =	vld [tilespmem:s16+$0xD0]  }
0xd7: {  	v19 =	vadd.f32 v20, v19;
	v20 =	vmul.f32 v51, v51  }
0xd8: {  	v54 =	vld [tilespmem:s16+$0xE0]  }
0xd9: {  	v19 =	vadd.f32 v20, v19;
	v20 =	vmul.f32 v52, v52  }
0xda: {  	v55 =	vld [tilespmem:s16+$0xF0]  }
0xdb: {  	v19 =	vadd.f32 v20, v19;
	v20 =	vmul.f32 v53, v53;
	_ =	sdelay $0x1  }
0xdc: {  	v19 =	vadd.f32 v20, v19;
	v20 =	vmul.f32 v54, v54;
	_ =	sdelay $0x1  }
0xdd: {  	v19 =	vadd.f32 v20, v19;
	v20 =	vmul.f32 v55, v55;
	_ =	sdelay $0x1  }
0xde: {  	v19 =	vadd.f32 v20, v19;
	_ =	sdelay $0x1  }
0xdf: {  	[tilespmem:$0x13D10] =	vst v19  }
0xe0: {  	v19 =	vld [tilespmem:s16+$0x100]  }
0xe1: {  	v20 =	vld [tilespmem:s16+$0x110];
	_ =	sdelay $0x1  }
0xe2: {  	v56 =	vld [tilespmem:s16+$0x120];
	_ =	sdelay $0x1  }
0xe3: {  	v57 =	vld [tilespmem:s16+$0x130]  }
0xe4: {  	v19 =	vmul.f32 v19, v19;
	v20 =	vmul.f32 v20, v20  }
0xe5: {  	v58 =	vld [tilespmem:s16+$0x140]  }
0xe6: {  	v19 =	vadd.f32 v20, v19;
	v20 =	vmul.f32 v56, v56  }
0xe7: {  	v59 =	vld [tilespmem:s16+$0x150]  }
0xe8: {  	v19 =	vadd.f32 v20, v19;
	v20 =	vmul.f32 v57, v57  }
0xe9: {  	v60 =	vld [tilespmem:s16+$0x160]  }
0xea: {  	v19 =	vadd.f32 v20, v19;
	v20 =	vmul.f32 v58, v58  }
0xeb: {  	v61 =	vld [tilespmem:s16+$0x170]  }
0xec: {  	v19 =	vadd.f32 v20, v19;
	v20 =	vmul.f32 v59, v59;
	_ =	sdelay $0x1  }
0xed: {  	v19 =	vadd.f32 v20, v19;
	v20 =	vmul.f32 v60, v60;
	_ =	sdelay $0x1  }
0xee: {  	v19 =	vadd.f32 v20, v19;
	v20 =	vmul.f32 v61, v61;
	_ =	sdelay $0x1  }
0xef: {  	v19 =	vadd.f32 v20, v19;
	_ =	sdelay $0x1  }
0xf0: {  	[tilespmem:$0x13D20] =	vst v19  }
0xf1: {  	v19 =	vld [tilespmem:s16+$0x180]  }
0xf2: {  	v20 =	vld [tilespmem:s16+$0x190];
	_ =	sdelay $0x1  }
0xf3: {  	v62 =	vld [tilespmem:s16+$0x1A0];
	_ =	sdelay $0x1  }
0xf4: {  	v63 =	vld [tilespmem:s16+$0x1B0]  }
0xf5: {  	v19 =	vmul.f32 v19, v19;
	v20 =	vmul.f32 v20, v20  }
0xf6: {  	v24 =	vld [tilespmem:s16+$0x1C0]  }
0xf7: {  	v19 =	vadd.f32 v20, v19;
	v20 =	vmul.f32 v62, v62  }
0xf8: {  	v25 =	vld [tilespmem:s16+$0x1D0]  }
0xf9: {  	v19 =	vadd.f32 v20, v19;
	v20 =	vmul.f32 v63, v63  }
0xfa: {  	v26 =	vld [tilespmem:s16+$0x1E0]  }
0xfb: {  	v19 =	vadd.f32 v20, v19;
	v20 =	vmul.f32 v24, v24  }
0xfc: {  	v27 =	vld [tilespmem:s16+$0x1F0]  }
0xfd: {  	v19 =	vadd.f32 v20, v19;
	v20 =	vmul.f32 v25, v25;
	_ =	sdelay $0x1  }
0xfe: {  	v19 =	vadd.f32 v20, v19;
	v20 =	vmul.f32 v26, v26;
	_ =	sdelay $0x1  }
0xff: {  	v19 =	vadd.f32 v20, v19;
	v20 =	vmul.f32 v27, v27;
	_ =	sdelay $0x1  }
0x100: {  	v19 =	vadd.f32 v20, v19;
	_ =	sdelay $0x1  }
0x101: {  	[tilespmem:$0x13D30] =	vst v19  }
0x102: {  	v19 =	vld [tilespmem:s16+$0x200]  }
0x103: {  	v20 =	vld [tilespmem:s16+$0x210];
	_ =	sdelay $0x1  }
0x104: {  	v28 =	vld [tilespmem:s16+$0x220];
	_ =	sdelay $0x1  }
0x105: {  	v29 =	vld [tilespmem:s16+$0x230]  }
0x106: {  	v19 =	vmul.f32 v19, v19;
	v20 =	vmul.f32 v20, v20  }
0x107: {  	v30 =	vld [tilespmem:s16+$0x240]  }
0x108: {  	v19 =	vadd.f32 v20, v19;
	v20 =	vmul.f32 v28, v28  }
0x109: {  	v31 =	vld [tilespmem:s16+$0x250]  }
0x10a: {  	v19 =	vadd.f32 v20, v19;
	v20 =	vmul.f32 v29, v29  }
0x10b: {  	v32 =	vld [tilespmem:s16+$0x260]  }
0x10c: {  	v19 =	vadd.f32 v20, v19;
	v20 =	vmul.f32 v30, v30  }
0x10d: {  	v33 =	vld [tilespmem:s16+$0x270]  }
0x10e: {  	v19 =	vadd.f32 v20, v19;
	v20 =	vmul.f32 v31, v31;
	_ =	sdelay $0x1  }
0x10f: {  	v19 =	vadd.f32 v20, v19;
	v20 =	vmul.f32 v32, v32;
	_ =	sdelay $0x1  }
0x110: {  	v19 =	vadd.f32 v20, v19;
	v20 =	vmul.f32 v33, v33;
	_ =	sdelay $0x1  }
0x111: {  	v19 =	vadd.f32 v20, v19;
	_ =	sdelay $0x1  }
0x112: {  	[tilespmem:$0x13D40] =	vst v19  }
0x113: {  	v19 =	vld [tilespmem:s16+$0x280]  }
0x114: {  	v20 =	vld [tilespmem:s16+$0x290];
	_ =	sdelay $0x1  }
0x115: {  	v34 =	vld [tilespmem:s16+$0x2A0];
	_ =	sdelay $0x1  }
0x116: {  	v35 =	vld [tilespmem:s16+$0x2B0]  }
0x117: {  	v19 =	vmul.f32 v19, v19;
	v20 =	vmul.f32 v20, v20  }
0x118: {  	v36 =	vld [tilespmem:s16+$0x2C0]  }
0x119: {  	v19 =	vadd.f32 v20, v19;
	v20 =	vmul.f32 v34, v34  }
0x11a: {  	v37 =	vld [tilespmem:s16+$0x2D0]  }
0x11b: {  	v19 =	vadd.f32 v20, v19;
	v20 =	vmul.f32 v35, v35  }
0x11c: {  	v38 =	vld [tilespmem:s16+$0x2E0]  }
0x11d: {  	v19 =	vadd.f32 v20, v19;
	v20 =	vmul.f32 v36, v36  }
0x11e: {  	v39 =	vld [tilespmem:s16+$0x2F0]  }
0x11f: {  	v19 =	vadd.f32 v20, v19;
	v20 =	vmul.f32 v37, v37;
	_ =	sdelay $0x1  }
0x120: {  	v19 =	vadd.f32 v20, v19;
	v20 =	vmul.f32 v38, v38;
	_ =	sdelay $0x1  }
0x121: {  	v19 =	vadd.f32 v20, v19;
	v20 =	vmul.f32 v39, v39;
	_ =	sdelay $0x1  }
0x122: {  	v19 =	vadd.f32 v20, v19;
	_ =	sdelay $0x1  }
0x123: {  	[tilespmem:$0x13D50] =	vst v19  }
0x124: {  	v19 =	vld [tilespmem:s16+$0x300]  }
0x125: {  	v20 =	vld [tilespmem:s16+$0x310];
	_ =	sdelay $0x1  }
0x126: {  	v40 =	vld [tilespmem:s16+$0x320];
	_ =	sdelay $0x1  }
0x127: {  	v41 =	vld [tilespmem:s16+$0x330]  }
0x128: {  	v19 =	vmul.f32 v19, v19;
	v20 =	vmul.f32 v20, v20  }
0x129: {  	v42 =	vld [tilespmem:s16+$0x340]  }
0x12a: {  	v19 =	vadd.f32 v20, v19;
	v20 =	vmul.f32 v40, v40  }
0x12b: {  	v43 =	vld [tilespmem:s16+$0x350]  }
0x12c: {  	v19 =	vadd.f32 v20, v19;
	v20 =	vmul.f32 v41, v41  }
0x12d: {  	v44 =	vld [tilespmem:s16+$0x360]  }
0x12e: {  	v19 =	vadd.f32 v20, v19;
	v20 =	vmul.f32 v42, v42  }
0x12f: {  	v45 =	vld [tilespmem:s16+$0x370]  }
0x130: {  	v19 =	vadd.f32 v20, v19;
	v20 =	vmul.f32 v43, v43;
	_ =	sdelay $0x1  }
0x131: {  	v19 =	vadd.f32 v20, v19;
	v20 =	vmul.f32 v44, v44;
	_ =	sdelay $0x1  }
0x132: {  	v19 =	vadd.f32 v20, v19;
	v20 =	vmul.f32 v45, v45;
	_ =	sdelay $0x1  }
0x133: {  	v19 =	vadd.f32 v20, v19;
	_ =	sdelay $0x1  }
0x134: {  	[tilespmem:$0x13D60] =	vst v19  }
0x135: {  	v19 =	vld [tilespmem:s16+$0x380]  }
0x136: {  	v20 =	vld [tilespmem:s16+$0x390];
	_ =	sdelay $0x1  }
0x137: {  	v46 =	vld [tilespmem:s16+$0x3A0];
	_ =	sdelay $0x1  }
0x138: {  	v47 =	vld [tilespmem:s16+$0x3B0]  }
0x139: {  	v19 =	vmul.f32 v19, v19;
	v20 =	vmul.f32 v20, v20  }
0x13a: {  	v48 =	vld [tilespmem:s16+$0x3C0]  }
0x13b: {  	v19 =	vadd.f32 v20, v19;
	v20 =	vmul.f32 v46, v46  }
0x13c: {  	v49 =	vld [tilespmem:s16+$0x3D0]  }
0x13d: {  	v19 =	vadd.f32 v20, v19;
	v20 =	vmul.f32 v47, v47  }
0x13e: {  	v50 =	vld [tilespmem:s16+$0x3E0]  }
0x13f: {  	v19 =	vadd.f32 v20, v19;
	v20 =	vmul.f32 v48, v48  }
0x140: {  	v51 =	vld [tilespmem:s16+$0x3F0]  }
0x141: {  	v19 =	vadd.f32 v20, v19;
	v20 =	vmul.f32 v49, v49;
	_ =	sdelay $0x1  }
0x142: {  	v19 =	vadd.f32 v20, v19;
	v20 =	vmul.f32 v50, v50;
	_ =	sdelay $0x1  }
0x143: {  	v19 =	vadd.f32 v20, v19;
	v20 =	vmul.f32 v51, v51;
	_ =	sdelay $0x1  }
0x144: {  	v19 =	vadd.f32 v20, v19;
	_ =	sdelay $0x1  }
0x145: {  	[tilespmem:$0x13D70] =	vst v19  }
0x146: {  	v19 =	vld.idx.msk [tilespmem:v0+s15+$0x0], $0xffff  }
0x147: {  	v20 =	vld.idx.msk [tilespmem:v1+s15+$0x0], $0xffff;
	_ =	sdelay $0x1  }
0x148: {  	v52 =	vld.idx.msk [tilespmem:v2+s15+$0x0], $0xffff;
	_ =	sdelay $0x1  }
0x149: {  	v53 =	vld.idx.msk [tilespmem:v3+s15+$0x0], $0xffff  }
0x14a: {  	v19 =	vadd.f32 v20, v19  }
0x14b: {  	v20 =	vld.idx.msk [tilespmem:v4+s15+$0x0], $0xffff  }
0x14c: {  	v19 =	vadd.f32 v52, v19  }
0x14d: {  	v54 =	vld.idx.msk [tilespmem:v5+s15+$0x0], $0xffff  }
0x14e: {  	v19 =	vadd.f32 v53, v19  }
0x14f: {  	v55 =	vld.idx.msk [tilespmem:v6+s15+$0x0], $0xffff  }
0x150: {  	v19 =	vadd.f32 v20, v19  }
0x151: {  	v20 =	vld.idx.msk [tilespmem:v7+s15+$0x0], $0xffff  }
0x152: {  	v19 =	vadd.f32 v54, v19  }
0x153: {  	v56 =	vld.idx.msk [tilespmem:v8+s15+$0x0], $0xffff  }
0x154: {  	v19 =	vadd.f32 v55, v19  }
0x155: {  	v57 =	vld.idx.msk [tilespmem:v9+s15+$0x0], $0xffff  }
0x156: {  	v19 =	vadd.f32 v20, v19  }
0x157: {  	v20 =	vld.idx.msk [tilespmem:v10+s15+$0x0], $0xffff  }
0x158: {  	v19 =	vadd.f32 v56, v19  }
0x159: {  	v58 =	vld.idx.msk [tilespmem:v11+s15+$0x0], $0xffff  }
0x15a: {  	s3 =	sshra.s32 s12, $0x2;
	v59 =	vld.idx.msk [tilespmem:v12+s15+$0x0], $0xffff;
	v19 =	vadd.f32 v57, v19  }
0x15b: {  	v60 =	vld.idx.msk [tilespmem:v16+s3+$0x0 ss:$0x1], $0xffff  }
0x15c: {  	v24 =	vld.idx.msk [tilespmem:v17+s3+$0x0 ss:$0x1], $0xffff;
	v19 =	vadd.f32 v20, v19  }
0x15d: {  	v20 =	vld.idx.msk [tilespmem:v13+s15+$0x0], $0xffff  }
0x15e: {  	v19 =	vadd.f32 v58, v19  }
0x15f: {  	v61 =	vld.idx.msk [tilespmem:v14+s15+$0x0], $0xffff  }
0x160: {  	v19 =	vadd.f32 v59, v19  }
0x161: {  	v62 =	vld.idx.msk [tilespmem:v15+s15+$0x0], $0xffff  }
0x162: {  	v19 =	vadd.f32 v20, v19  }
0x163: {  	v20 =	vld.idx.msk [tilespmem:v60+s10+$0x0], $0xffff  }
0x164: {  	v19 =	vadd.f32 v61, v19  }
0x165: {  	v63 =	vld.idx.msk [tilespmem:v24+s10+$0x0], $0xffff  }
0x166: {  	v19 =	vadd.f32 v62, v19;
	_ =	sdelay $0x1  }
0x167: {  	v19 =	vsub.f32 v19, v20;
	_ =	sdelay $0x1  }
0x168: {  	v19 =	vsub.f32 v19, v63;
	_ =	sdelay $0x1  }
0x169: {  	v19 =	vmul.f32 $-5.000000000e-01, v19;
	_ =	sdelay $0x1  }
0x16a: {  	v19 =	vadd.f32 $0.0e+00, v19;
	_ =	sdelay $0x1  }
0x16b: {  	v19 =	vmul.f32 $1.442695020e+00, v19;
	_ =	sdelay $0x1  }
0x16c: {  	(erf) = vpow2.f32 v19;
	_ =	sdelay $0x8  }
0x16d: {  	v19 =	vpop (erf)  }
0x16e: {  	v19 =	vadd.f32 $1.000000000e+00, v19;
	_ =	sdelay $0x1  }
0x16f: {  	(erf) = vrcp.f32 v19;
	_ =	sdelay $0x4  }
0x170: {  	p1 =	sne.s32 s12, $0x100  }
.Ltmp2:
0x171: {  	_ = 	snop;
	(pc) =	sbr.rel @p1 .LBB2_3-.Ltmp2, $3  }
0x172: {  	_ =	sdelay $0x1  }
0x173: {  	v19 =	vpop (erf)  }
0x174: {  	s12 =	sadd.s32 $0x40, s12;
	s16 =	sadd.s32 $0x800, s16;
	[tilespmem:v18+s3+$0x0 ss:$0x1] =	vst.idx.msk $0xffff, v19  }
.Ltmp3:
0x175: {  	(pc) =	sbr.rel @p0 .LBB2_10-.Ltmp3, $1  }
0x176: {  	_ =	sdelay $0x3  }
0x177: {  	s3 =	smul.u32 $0x3C0, s0  }
0x178: {  	_ =	swait.ge [sflag:s17], $0x2800  }
0x179: {  	[sflag:s17] =	ssyncset.done $0x0;
	s12 =	sshra.s32 s3, $0x2  }
0x17a: {  	[sflag:s17] =	ssyncadd.s32 $0xFFFFD800;
	s3 =	sadd.s32 $0x4F20, s12  }
0x17b: {  	[tilespmem:s19], [sflag:$0x6] =	stream.indirect.gather.add.f32 [hbm:s1], $0x80, s3, s18, $0xb8;
	[tilespmem:$0x18C00] =	vst v63  }
0x17c: {  	s16 =	sadd.s32 $0xF0, s12  }
0x17d: {  	[tilespmem:s11], [sflag:$0x1] =	stream.indirect.gather [hbm4b:s1+s18], $0x80, s16, s18, $0xb8;
	[tilespmem:$0x18C00] =	vst v63  }
0x17e: {  	_ =	swait.ge [sflag:s20], $0x2800  }
0x17f: {  	[sflag:s20] =	ssyncset.done $0x0  }
0x180: {  	v16 =	vmov s30;
	v17 =	vmov s24;
	v18 =	vmov s25;
	s3 =	simm.s32 $0xF080;
	s16 =	simm.s32 $0x0;
	[sflag:s20] =	ssyncadd.s32 $0xFFFFD800  }
.LBB2_6:
0x181: {  	v19 =	vld [tilespmem:s3+$0xFFFFFC00]  }
0x182: {  	v20 =	vld [tilespmem:s3+$0xFFFFFC10];
	_ =	sdelay $0x1  }
0x183: {  	v21 =	vld [tilespmem:s3+$0xFFFFFC20];
	_ =	sdelay $0x1  }
0x184: {  	v22 =	vld [tilespmem:s3+$0xFFFFFC30]  }
0x185: {  	v19 =	vmul.f32 v19, v19;
	v20 =	vmul.f32 v20, v20  }
0x186: {  	v23 =	vld [tilespmem:s3+$0xFFFFFC40]  }
0x187: {  	v19 =	vadd.f32 v20, v19;
	v20 =	vmul.f32 v21, v21  }
0x188: {  	v39 =	vld [tilespmem:s3+$0xFFFFFC50]  }
0x189: {  	v19 =	vadd.f32 v20, v19;
	v20 =	vmul.f32 v22, v22  }
0x18a: {  	v40 =	vld [tilespmem:s3+$0xFFFFFC60]  }
0x18b: {  	v19 =	vadd.f32 v20, v19;
	v20 =	vmul.f32 v23, v23  }
0x18c: {  	v41 =	vld [tilespmem:s3+$0xFFFFFC70]  }
0x18d: {  	v19 =	vadd.f32 v20, v19;
	v20 =	vmul.f32 v39, v39;
	_ =	sdelay $0x1  }
0x18e: {  	v19 =	vadd.f32 v20, v19;
	v20 =	vmul.f32 v40, v40;
	_ =	sdelay $0x1  }
0x18f: {  	v19 =	vadd.f32 v20, v19;
	v20 =	vmul.f32 v41, v41;
	_ =	sdelay $0x1  }
0x190: {  	v19 =	vadd.f32 v20, v19;
	_ =	sdelay $0x1  }
0x191: {  	[tilespmem:$0x13C80] =	vst v19  }
0x192: {  	v19 =	vld [tilespmem:s3+$0xFFFFFC80]  }
0x193: {  	v20 =	vld [tilespmem:s3+$0xFFFFFC90];
	_ =	sdelay $0x1  }
0x194: {  	v42 =	vld [tilespmem:s3+$0xFFFFFCA0];
	_ =	sdelay $0x1  }
0x195: {  	v43 =	vld [tilespmem:s3+$0xFFFFFCB0]  }
0x196: {  	v19 =	vmul.f32 v19, v19;
	v20 =	vmul.f32 v20, v20  }
0x197: {  	v44 =	vld [tilespmem:s3+$0xFFFFFCC0]  }
0x198: {  	v19 =	vadd.f32 v20, v19;
	v20 =	vmul.f32 v42, v42  }
0x199: {  	v45 =	vld [tilespmem:s3+$0xFFFFFCD0]  }
0x19a: {  	v19 =	vadd.f32 v20, v19;
	v20 =	vmul.f32 v43, v43  }
0x19b: {  	v46 =	vld [tilespmem:s3+$0xFFFFFCE0]  }
0x19c: {  	v19 =	vadd.f32 v20, v19;
	v20 =	vmul.f32 v44, v44  }
0x19d: {  	v47 =	vld [tilespmem:s3+$0xFFFFFCF0]  }
0x19e: {  	v19 =	vadd.f32 v20, v19;
	v20 =	vmul.f32 v45, v45;
	_ =	sdelay $0x1  }
0x19f: {  	v19 =	vadd.f32 v20, v19;
	v20 =	vmul.f32 v46, v46;
	_ =	sdelay $0x1  }
0x1a0: {  	v19 =	vadd.f32 v20, v19;
	v20 =	vmul.f32 v47, v47;
	_ =	sdelay $0x1  }
0x1a1: {  	v19 =	vadd.f32 v20, v19;
	_ =	sdelay $0x1  }
0x1a2: {  	[tilespmem:$0x13C90] =	vst v19  }
0x1a3: {  	v19 =	vld [tilespmem:s3+$0xFFFFFD00]  }
0x1a4: {  	v20 =	vld [tilespmem:s3+$0xFFFFFD10];
	_ =	sdelay $0x1  }
0x1a5: {  	v48 =	vld [tilespmem:s3+$0xFFFFFD20];
	_ =	sdelay $0x1  }
0x1a6: {  	v49 =	vld [tilespmem:s3+$0xFFFFFD30]  }
0x1a7: {  	v19 =	vmul.f32 v19, v19;
	v20 =	vmul.f32 v20, v20  }
0x1a8: {  	v50 =	vld [tilespmem:s3+$0xFFFFFD40]  }
0x1a9: {  	v19 =	vadd.f32 v20, v19;
	v20 =	vmul.f32 v48, v48  }
0x1aa: {  	v51 =	vld [tilespmem:s3+$0xFFFFFD50]  }
0x1ab: {  	v19 =	vadd.f32 v20, v19;
	v20 =	vmul.f32 v49, v49  }
0x1ac: {  	v52 =	vld [tilespmem:s3+$0xFFFFFD60]  }
0x1ad: {  	v19 =	vadd.f32 v20, v19;
	v20 =	vmul.f32 v50, v50  }
0x1ae: {  	v53 =	vld [tilespmem:s3+$0xFFFFFD70]  }
0x1af: {  	v19 =	vadd.f32 v20, v19;
	v20 =	vmul.f32 v51, v51;
	_ =	sdelay $0x1  }
0x1b0: {  	v19 =	vadd.f32 v20, v19;
	v20 =	vmul.f32 v52, v52;
	_ =	sdelay $0x1  }
0x1b1: {  	v19 =	vadd.f32 v20, v19;
	v20 =	vmul.f32 v53, v53;
	_ =	sdelay $0x1  }
0x1b2: {  	v19 =	vadd.f32 v20, v19;
	_ =	sdelay $0x1  }
0x1b3: {  	[tilespmem:$0x13CA0] =	vst v19  }
0x1b4: {  	v19 =	vld [tilespmem:s3+$0xFFFFFD80]  }
0x1b5: {  	v20 =	vld [tilespmem:s3+$0xFFFFFD90];
	_ =	sdelay $0x1  }
0x1b6: {  	v54 =	vld [tilespmem:s3+$0xFFFFFDA0];
	_ =	sdelay $0x1  }
0x1b7: {  	v55 =	vld [tilespmem:s3+$0xFFFFFDB0]  }
0x1b8: {  	v19 =	vmul.f32 v19, v19;
	v20 =	vmul.f32 v20, v20  }
0x1b9: {  	v56 =	vld [tilespmem:s3+$0xFFFFFDC0]  }
0x1ba: {  	v19 =	vadd.f32 v20, v19;
	v20 =	vmul.f32 v54, v54  }
0x1bb: {  	v57 =	vld [tilespmem:s3+$0xFFFFFDD0]  }
0x1bc: {  	v19 =	vadd.f32 v20, v19;
	v20 =	vmul.f32 v55, v55  }
0x1bd: {  	v58 =	vld [tilespmem:s3+$0xFFFFFDE0]  }
0x1be: {  	v19 =	vadd.f32 v20, v19;
	v20 =	vmul.f32 v56, v56  }
0x1bf: {  	v59 =	vld [tilespmem:s3+$0xFFFFFDF0]  }
0x1c0: {  	v19 =	vadd.f32 v20, v19;
	v20 =	vmul.f32 v57, v57;
	_ =	sdelay $0x1  }
0x1c1: {  	v19 =	vadd.f32 v20, v19;
	v20 =	vmul.f32 v58, v58;
	_ =	sdelay $0x1  }
0x1c2: {  	v19 =	vadd.f32 v20, v19;
	v20 =	vmul.f32 v59, v59;
	_ =	sdelay $0x1  }
0x1c3: {  	v19 =	vadd.f32 v20, v19;
	_ =	sdelay $0x1  }
0x1c4: {  	[tilespmem:$0x13CB0] =	vst v19  }
0x1c5: {  	v19 =	vld [tilespmem:s3+$0xFFFFFE00]  }
0x1c6: {  	v20 =	vld [tilespmem:s3+$0xFFFFFE10];
	_ =	sdelay $0x1  }
0x1c7: {  	v60 =	vld [tilespmem:s3+$0xFFFFFE20];
	_ =	sdelay $0x1  }
0x1c8: {  	v61 =	vld [tilespmem:s3+$0xFFFFFE30]  }
0x1c9: {  	v19 =	vmul.f32 v19, v19;
	v20 =	vmul.f32 v20, v20  }
0x1ca: {  	v62 =	vld [tilespmem:s3+$0xFFFFFE40]  }
0x1cb: {  	v19 =	vadd.f32 v20, v19;
	v20 =	vmul.f32 v60, v60  }
0x1cc: {  	v63 =	vld [tilespmem:s3+$0xFFFFFE50]  }
0x1cd: {  	v19 =	vadd.f32 v20, v19;
	v20 =	vmul.f32 v61, v61  }
0x1ce: {  	v24 =	vld [tilespmem:s3+$0xFFFFFE60]  }
0x1cf: {  	v19 =	vadd.f32 v20, v19;
	v20 =	vmul.f32 v62, v62  }
0x1d0: {  	v25 =	vld [tilespmem:s3+$0xFFFFFE70]  }
0x1d1: {  	v19 =	vadd.f32 v20, v19;
	v20 =	vmul.f32 v63, v63;
	_ =	sdelay $0x1  }
0x1d2: {  	v19 =	vadd.f32 v20, v19;
	v20 =	vmul.f32 v24, v24;
	_ =	sdelay $0x1  }
0x1d3: {  	v19 =	vadd.f32 v20, v19;
	v20 =	vmul.f32 v25, v25;
	_ =	sdelay $0x1  }
0x1d4: {  	v19 =	vadd.f32 v20, v19;
	_ =	sdelay $0x1  }
0x1d5: {  	[tilespmem:$0x13CC0] =	vst v19  }
0x1d6: {  	v19 =	vld [tilespmem:s3+$0xFFFFFE80]  }
0x1d7: {  	v20 =	vld [tilespmem:s3+$0xFFFFFE90];
	_ =	sdelay $0x1  }
0x1d8: {  	v26 =	vld [tilespmem:s3+$0xFFFFFEA0];
	_ =	sdelay $0x1  }
0x1d9: {  	v27 =	vld [tilespmem:s3+$0xFFFFFEB0]  }
0x1da: {  	v19 =	vmul.f32 v19, v19;
	v20 =	vmul.f32 v20, v20  }
0x1db: {  	v28 =	vld [tilespmem:s3+$0xFFFFFEC0]  }
0x1dc: {  	v19 =	vadd.f32 v20, v19;
	v20 =	vmul.f32 v26, v26  }
0x1dd: {  	v29 =	vld [tilespmem:s3+$0xFFFFFED0]  }
0x1de: {  	v19 =	vadd.f32 v20, v19;
	v20 =	vmul.f32 v27, v27  }
0x1df: {  	v30 =	vld [tilespmem:s3+$0xFFFFFEE0]  }
0x1e0: {  	v19 =	vadd.f32 v20, v19;
	v20 =	vmul.f32 v28, v28  }
0x1e1: {  	v31 =	vld [tilespmem:s3+$0xFFFFFEF0]  }
0x1e2: {  	v19 =	vadd.f32 v20, v19;
	v20 =	vmul.f32 v29, v29;
	_ =	sdelay $0x1  }
0x1e3: {  	v19 =	vadd.f32 v20, v19;
	v20 =	vmul.f32 v30, v30;
	_ =	sdelay $0x1  }
0x1e4: {  	v19 =	vadd.f32 v20, v19;
	v20 =	vmul.f32 v31, v31;
	_ =	sdelay $0x1  }
0x1e5: {  	v19 =	vadd.f32 v20, v19;
	_ =	sdelay $0x1  }
0x1e6: {  	[tilespmem:$0x13CD0] =	vst v19  }
0x1e7: {  	v19 =	vld [tilespmem:s3+$0xFFFFFF00]  }
0x1e8: {  	v20 =	vld [tilespmem:s3+$0xFFFFFF10];
	_ =	sdelay $0x1  }
0x1e9: {  	v32 =	vld [tilespmem:s3+$0xFFFFFF20];
	_ =	sdelay $0x1  }
0x1ea: {  	v33 =	vld [tilespmem:s3+$0xFFFFFF30]  }
0x1eb: {  	v19 =	vmul.f32 v19, v19;
	v20 =	vmul.f32 v20, v20  }
0x1ec: {  	v34 =	vld [tilespmem:s3+$0xFFFFFF40]  }
0x1ed: {  	v19 =	vadd.f32 v20, v19;
	v20 =	vmul.f32 v32, v32  }
0x1ee: {  	v35 =	vld [tilespmem:s3+$0xFFFFFF50]  }
0x1ef: {  	v19 =	vadd.f32 v20, v19;
	v20 =	vmul.f32 v33, v33  }
0x1f0: {  	v36 =	vld [tilespmem:s3+$0xFFFFFF60]  }
0x1f1: {  	v19 =	vadd.f32 v20, v19;
	v20 =	vmul.f32 v34, v34  }
0x1f2: {  	v37 =	vld [tilespmem:s3+$0xFFFFFF70]  }
0x1f3: {  	v19 =	vadd.f32 v20, v19;
	v20 =	vmul.f32 v35, v35;
	_ =	sdelay $0x1  }
0x1f4: {  	v19 =	vadd.f32 v20, v19;
	v20 =	vmul.f32 v36, v36;
	_ =	sdelay $0x1  }
0x1f5: {  	v19 =	vadd.f32 v20, v19;
	v20 =	vmul.f32 v37, v37;
	_ =	sdelay $0x1  }
0x1f6: {  	v19 =	vadd.f32 v20, v19;
	_ =	sdelay $0x1  }
0x1f7: {  	[tilespmem:$0x13CE0] =	vst v19  }
0x1f8: {  	v19 =	vld [tilespmem:s3+$0xFFFFFF80]  }
0x1f9: {  	v20 =	vld [tilespmem:s3+$0xFFFFFF90];
	_ =	sdelay $0x1  }
0x1fa: {  	v38 =	vld [tilespmem:s3+$0xFFFFFFA0];
	_ =	sdelay $0x1  }
0x1fb: {  	v39 =	vld [tilespmem:s3+$0xFFFFFFB0]  }
0x1fc: {  	v19 =	vmul.f32 v19, v19;
	v20 =	vmul.f32 v20, v20  }
0x1fd: {  	v40 =	vld [tilespmem:s3+$0xFFFFFFC0]  }
0x1fe: {  	v19 =	vadd.f32 v20, v19;
	v20 =	vmul.f32 v38, v38  }
0x1ff: {  	v41 =	vld [tilespmem:s3+$0xFFFFFFD0]  }
0x200: {  	v19 =	vadd.f32 v20, v19;
	v20 =	vmul.f32 v39, v39  }
0x201: {  	v42 =	vld [tilespmem:s3+$0xFFFFFFE0]  }
0x202: {  	v19 =	vadd.f32 v20, v19;
	v20 =	vmul.f32 v40, v40  }
0x203: {  	v43 =	vld [tilespmem:s3+$0xFFFFFFF0]  }
0x204: {  	v19 =	vadd.f32 v20, v19;
	v20 =	vmul.f32 v41, v41;
	_ =	sdelay $0x1  }
0x205: {  	v19 =	vadd.f32 v20, v19;
	v20 =	vmul.f32 v42, v42;
	_ =	sdelay $0x1  }
0x206: {  	v19 =	vadd.f32 v20, v19;
	v20 =	vmul.f32 v43, v43;
	_ =	sdelay $0x1  }
0x207: {  	v19 =	vadd.f32 v20, v19;
	_ =	sdelay $0x1  }
0x208: {  	[tilespmem:$0x13CF0] =	vst v19  }
0x209: {  	v19 =	vld [tilespmem:s3+$0x0]  }
0x20a: {  	v20 =	vld [tilespmem:s3+$0x10];
	_ =	sdelay $0x1  }
0x20b: {  	v44 =	vld [tilespmem:s3+$0x20];
	_ =	sdelay $0x1  }
0x20c: {  	v45 =	vld [tilespmem:s3+$0x30]  }
0x20d: {  	v19 =	vmul.f32 v19, v19;
	v20 =	vmul.f32 v20, v20  }
0x20e: {  	v46 =	vld [tilespmem:s3+$0x40]  }
0x20f: {  	v19 =	vadd.f32 v20, v19;
	v20 =	vmul.f32 v44, v44  }
0x210: {  	v47 =	vld [tilespmem:s3+$0x50]  }
0x211: {  	v19 =	vadd.f32 v20, v19;
	v20 =	vmul.f32 v45, v45  }
0x212: {  	v48 =	vld [tilespmem:s3+$0x60]  }
0x213: {  	v19 =	vadd.f32 v20, v19;
	v20 =	vmul.f32 v46, v46  }
0x214: {  	v49 =	vld [tilespmem:s3+$0x70]  }
0x215: {  	v19 =	vadd.f32 v20, v19;
	v20 =	vmul.f32 v47, v47;
	_ =	sdelay $0x1  }
0x216: {  	v19 =	vadd.f32 v20, v19;
	v20 =	vmul.f32 v48, v48;
	_ =	sdelay $0x1  }
0x217: {  	v19 =	vadd.f32 v20, v19;
	v20 =	vmul.f32 v49, v49;
	_ =	sdelay $0x1  }
0x218: {  	v19 =	vadd.f32 v20, v19;
	_ =	sdelay $0x1  }
0x219: {  	[tilespmem:$0x13D00] =	vst v19  }
0x21a: {  	v19 =	vld [tilespmem:s3+$0x80]  }
0x21b: {  	v20 =	vld [tilespmem:s3+$0x90];
	_ =	sdelay $0x1  }
0x21c: {  	v50 =	vld [tilespmem:s3+$0xA0];
	_ =	sdelay $0x1  }
0x21d: {  	v51 =	vld [tilespmem:s3+$0xB0]  }
0x21e: {  	v19 =	vmul.f32 v19, v19;
	v20 =	vmul.f32 v20, v20  }
0x21f: {  	v52 =	vld [tilespmem:s3+$0xC0]  }
0x220: {  	v19 =	vadd.f32 v20, v19;
	v20 =	vmul.f32 v50, v50  }
0x221: {  	v53 =	vld [tilespmem:s3+$0xD0]  }
0x222: {  	v19 =	vadd.f32 v20, v19;
	v20 =	vmul.f32 v51, v51  }
0x223: {  	v54 =	vld [tilespmem:s3+$0xE0]  }
0x224: {  	v19 =	vadd.f32 v20, v19;
	v20 =	vmul.f32 v52, v52  }
0x225: {  	v55 =	vld [tilespmem:s3+$0xF0]  }
0x226: {  	v19 =	vadd.f32 v20, v19;
	v20 =	vmul.f32 v53, v53;
	_ =	sdelay $0x1  }
0x227: {  	v19 =	vadd.f32 v20, v19;
	v20 =	vmul.f32 v54, v54;
	_ =	sdelay $0x1  }
0x228: {  	v19 =	vadd.f32 v20, v19;
	v20 =	vmul.f32 v55, v55;
	_ =	sdelay $0x1  }
0x229: {  	v19 =	vadd.f32 v20, v19;
	_ =	sdelay $0x1  }
0x22a: {  	[tilespmem:$0x13D10] =	vst v19  }
0x22b: {  	v19 =	vld [tilespmem:s3+$0x100]  }
0x22c: {  	v20 =	vld [tilespmem:s3+$0x110];
	_ =	sdelay $0x1  }
0x22d: {  	v56 =	vld [tilespmem:s3+$0x120];
	_ =	sdelay $0x1  }
0x22e: {  	v57 =	vld [tilespmem:s3+$0x130]  }
0x22f: {  	v19 =	vmul.f32 v19, v19;
	v20 =	vmul.f32 v20, v20  }
0x230: {  	v58 =	vld [tilespmem:s3+$0x140]  }
0x231: {  	v19 =	vadd.f32 v20, v19;
	v20 =	vmul.f32 v56, v56  }
0x232: {  	v59 =	vld [tilespmem:s3+$0x150]  }
0x233: {  	v19 =	vadd.f32 v20, v19;
	v20 =	vmul.f32 v57, v57  }
0x234: {  	v60 =	vld [tilespmem:s3+$0x160]  }
0x235: {  	v19 =	vadd.f32 v20, v19;
	v20 =	vmul.f32 v58, v58  }
0x236: {  	v61 =	vld [tilespmem:s3+$0x170]  }
0x237: {  	v19 =	vadd.f32 v20, v19;
	v20 =	vmul.f32 v59, v59;
	_ =	sdelay $0x1  }
0x238: {  	v19 =	vadd.f32 v20, v19;
	v20 =	vmul.f32 v60, v60;
	_ =	sdelay $0x1  }
0x239: {  	v19 =	vadd.f32 v20, v19;
	v20 =	vmul.f32 v61, v61;
	_ =	sdelay $0x1  }
0x23a: {  	v19 =	vadd.f32 v20, v19;
	_ =	sdelay $0x1  }
0x23b: {  	[tilespmem:$0x13D20] =	vst v19  }
0x23c: {  	v19 =	vld [tilespmem:s3+$0x180]  }
0x23d: {  	v20 =	vld [tilespmem:s3+$0x190];
	_ =	sdelay $0x1  }
0x23e: {  	v62 =	vld [tilespmem:s3+$0x1A0];
	_ =	sdelay $0x1  }
0x23f: {  	v63 =	vld [tilespmem:s3+$0x1B0]  }
0x240: {  	v19 =	vmul.f32 v19, v19;
	v20 =	vmul.f32 v20, v20  }
0x241: {  	v24 =	vld [tilespmem:s3+$0x1C0]  }
0x242: {  	v19 =	vadd.f32 v20, v19;
	v20 =	vmul.f32 v62, v62  }
0x243: {  	v25 =	vld [tilespmem:s3+$0x1D0]  }
0x244: {  	v19 =	vadd.f32 v20, v19;
	v20 =	vmul.f32 v63, v63  }
0x245: {  	v26 =	vld [tilespmem:s3+$0x1E0]  }
0x246: {  	v19 =	vadd.f32 v20, v19;
	v20 =	vmul.f32 v24, v24  }
0x247: {  	v27 =	vld [tilespmem:s3+$0x1F0]  }
0x248: {  	v19 =	vadd.f32 v20, v19;
	v20 =	vmul.f32 v25, v25;
	_ =	sdelay $0x1  }
0x249: {  	v19 =	vadd.f32 v20, v19;
	v20 =	vmul.f32 v26, v26;
	_ =	sdelay $0x1  }
0x24a: {  	v19 =	vadd.f32 v20, v19;
	v20 =	vmul.f32 v27, v27;
	_ =	sdelay $0x1  }
0x24b: {  	v19 =	vadd.f32 v20, v19;
	_ =	sdelay $0x1  }
0x24c: {  	[tilespmem:$0x13D30] =	vst v19  }
0x24d: {  	v19 =	vld [tilespmem:s3+$0x200]  }
0x24e: {  	v20 =	vld [tilespmem:s3+$0x210];
	_ =	sdelay $0x1  }
0x24f: {  	v28 =	vld [tilespmem:s3+$0x220];
	_ =	sdelay $0x1  }
0x250: {  	v29 =	vld [tilespmem:s3+$0x230]  }
0x251: {  	v19 =	vmul.f32 v19, v19;
	v20 =	vmul.f32 v20, v20  }
0x252: {  	v30 =	vld [tilespmem:s3+$0x240]  }
0x253: {  	v19 =	vadd.f32 v20, v19;
	v20 =	vmul.f32 v28, v28  }
0x254: {  	v31 =	vld [tilespmem:s3+$0x250]  }
0x255: {  	v19 =	vadd.f32 v20, v19;
	v20 =	vmul.f32 v29, v29  }
0x256: {  	v32 =	vld [tilespmem:s3+$0x260]  }
0x257: {  	v19 =	vadd.f32 v20, v19;
	v20 =	vmul.f32 v30, v30  }
0x258: {  	v33 =	vld [tilespmem:s3+$0x270]  }
0x259: {  	v19 =	vadd.f32 v20, v19;
	v20 =	vmul.f32 v31, v31;
	_ =	sdelay $0x1  }
0x25a: {  	v19 =	vadd.f32 v20, v19;
	v20 =	vmul.f32 v32, v32;
	_ =	sdelay $0x1  }
0x25b: {  	v19 =	vadd.f32 v20, v19;
	v20 =	vmul.f32 v33, v33;
	_ =	sdelay $0x1  }
0x25c: {  	v19 =	vadd.f32 v20, v19;
	_ =	sdelay $0x1  }
0x25d: {  	[tilespmem:$0x13D40] =	vst v19  }
0x25e: {  	v19 =	vld [tilespmem:s3+$0x280]  }
0x25f: {  	v20 =	vld [tilespmem:s3+$0x290];
	_ =	sdelay $0x1  }
0x260: {  	v34 =	vld [tilespmem:s3+$0x2A0];
	_ =	sdelay $0x1  }
0x261: {  	v35 =	vld [tilespmem:s3+$0x2B0]  }
0x262: {  	v19 =	vmul.f32 v19, v19;
	v20 =	vmul.f32 v20, v20  }
0x263: {  	v36 =	vld [tilespmem:s3+$0x2C0]  }
0x264: {  	v19 =	vadd.f32 v20, v19;
	v20 =	vmul.f32 v34, v34  }
0x265: {  	v37 =	vld [tilespmem:s3+$0x2D0]  }
0x266: {  	v19 =	vadd.f32 v20, v19;
	v20 =	vmul.f32 v35, v35  }
0x267: {  	v38 =	vld [tilespmem:s3+$0x2E0]  }
0x268: {  	v19 =	vadd.f32 v20, v19;
	v20 =	vmul.f32 v36, v36  }
0x269: {  	v39 =	vld [tilespmem:s3+$0x2F0]  }
0x26a: {  	v19 =	vadd.f32 v20, v19;
	v20 =	vmul.f32 v37, v37;
	_ =	sdelay $0x1  }
0x26b: {  	v19 =	vadd.f32 v20, v19;
	v20 =	vmul.f32 v38, v38;
	_ =	sdelay $0x1  }
0x26c: {  	v19 =	vadd.f32 v20, v19;
	v20 =	vmul.f32 v39, v39;
	_ =	sdelay $0x1  }
0x26d: {  	v19 =	vadd.f32 v20, v19;
	_ =	sdelay $0x1  }
0x26e: {  	[tilespmem:$0x13D50] =	vst v19  }
0x26f: {  	v19 =	vld [tilespmem:s3+$0x300]  }
0x270: {  	v20 =	vld [tilespmem:s3+$0x310];
	_ =	sdelay $0x1  }
0x271: {  	v40 =	vld [tilespmem:s3+$0x320];
	_ =	sdelay $0x1  }
0x272: {  	v41 =	vld [tilespmem:s3+$0x330]  }
0x273: {  	v19 =	vmul.f32 v19, v19;
	v20 =	vmul.f32 v20, v20  }
0x274: {  	v42 =	vld [tilespmem:s3+$0x340]  }
0x275: {  	v19 =	vadd.f32 v20, v19;
	v20 =	vmul.f32 v40, v40  }
0x276: {  	v43 =	vld [tilespmem:s3+$0x350]  }
0x277: {  	v19 =	vadd.f32 v20, v19;
	v20 =	vmul.f32 v41, v41  }
0x278: {  	v44 =	vld [tilespmem:s3+$0x360]  }
0x279: {  	v19 =	vadd.f32 v20, v19;
	v20 =	vmul.f32 v42, v42  }
0x27a: {  	v45 =	vld [tilespmem:s3+$0x370]  }
0x27b: {  	v19 =	vadd.f32 v20, v19;
	v20 =	vmul.f32 v43, v43;
	_ =	sdelay $0x1  }
0x27c: {  	v19 =	vadd.f32 v20, v19;
	v20 =	vmul.f32 v44, v44;
	_ =	sdelay $0x1  }
0x27d: {  	v19 =	vadd.f32 v20, v19;
	v20 =	vmul.f32 v45, v45;
	_ =	sdelay $0x1  }
0x27e: {  	v19 =	vadd.f32 v20, v19;
	_ =	sdelay $0x1  }
0x27f: {  	[tilespmem:$0x13D60] =	vst v19  }
0x280: {  	v19 =	vld [tilespmem:s3+$0x380]  }
0x281: {  	v20 =	vld [tilespmem:s3+$0x390];
	_ =	sdelay $0x1  }
0x282: {  	v46 =	vld [tilespmem:s3+$0x3A0];
	_ =	sdelay $0x1  }
0x283: {  	v47 =	vld [tilespmem:s3+$0x3B0]  }
0x284: {  	v19 =	vmul.f32 v19, v19;
	v20 =	vmul.f32 v20, v20  }
0x285: {  	v48 =	vld [tilespmem:s3+$0x3C0]  }
0x286: {  	v19 =	vadd.f32 v20, v19;
	v20 =	vmul.f32 v46, v46  }
0x287: {  	v49 =	vld [tilespmem:s3+$0x3D0]  }
0x288: {  	v19 =	vadd.f32 v20, v19;
	v20 =	vmul.f32 v47, v47  }
0x289: {  	v50 =	vld [tilespmem:s3+$0x3E0]  }
0x28a: {  	v19 =	vadd.f32 v20, v19;
	v20 =	vmul.f32 v48, v48  }
0x28b: {  	v51 =	vld [tilespmem:s3+$0x3F0]  }
0x28c: {  	v19 =	vadd.f32 v20, v19;
	v20 =	vmul.f32 v49, v49;
	_ =	sdelay $0x1  }
0x28d: {  	v19 =	vadd.f32 v20, v19;
	v20 =	vmul.f32 v50, v50;
	_ =	sdelay $0x1  }
0x28e: {  	v19 =	vadd.f32 v20, v19;
	v20 =	vmul.f32 v51, v51;
	_ =	sdelay $0x1  }
0x28f: {  	v19 =	vadd.f32 v20, v19;
	_ =	sdelay $0x1  }
0x290: {  	[tilespmem:$0x13D70] =	vst v19  }
0x291: {  	v19 =	vld.idx.msk [tilespmem:v0+s15+$0x0], $0xffff  }
0x292: {  	v20 =	vld.idx.msk [tilespmem:v1+s15+$0x0], $0xffff;
	_ =	sdelay $0x1  }
0x293: {  	v52 =	vld.idx.msk [tilespmem:v2+s15+$0x0], $0xffff;
	_ =	sdelay $0x1  }
0x294: {  	v53 =	vld.idx.msk [tilespmem:v3+s15+$0x0], $0xffff  }
0x295: {  	v19 =	vadd.f32 v20, v19  }
0x296: {  	v20 =	vld.idx.msk [tilespmem:v4+s15+$0x0], $0xffff  }
0x297: {  	v19 =	vadd.f32 v52, v19  }
0x298: {  	v54 =	vld.idx.msk [tilespmem:v5+s15+$0x0], $0xffff  }
0x299: {  	v19 =	vadd.f32 v53, v19  }
0x29a: {  	v55 =	vld.idx.msk [tilespmem:v6+s15+$0x0], $0xffff  }
0x29b: {  	v19 =	vadd.f32 v20, v19  }
0x29c: {  	v20 =	vld.idx.msk [tilespmem:v7+s15+$0x0], $0xffff  }
0x29d: {  	v19 =	vadd.f32 v54, v19  }
0x29e: {  	v56 =	vld.idx.msk [tilespmem:v8+s15+$0x0], $0xffff  }
0x29f: {  	v19 =	vadd.f32 v55, v19  }
0x2a0: {  	v57 =	vld.idx.msk [tilespmem:v9+s15+$0x0], $0xffff  }
0x2a1: {  	v19 =	vadd.f32 v20, v19  }
0x2a2: {  	v20 =	vld.idx.msk [tilespmem:v10+s15+$0x0], $0xffff  }
0x2a3: {  	v19 =	vadd.f32 v56, v19  }
0x2a4: {  	v58 =	vld.idx.msk [tilespmem:v11+s15+$0x0], $0xffff  }
0x2a5: {  	s5 =	sshra.s32 s16, $0x2;
	v59 =	vld.idx.msk [tilespmem:v12+s15+$0x0], $0xffff;
	v19 =	vadd.f32 v57, v19  }
0x2a6: {  	v60 =	vld.idx.msk [tilespmem:v16+s5+$0x0 ss:$0x1], $0xffff  }
0x2a7: {  	v24 =	vld.idx.msk [tilespmem:v17+s5+$0x0 ss:$0x1], $0xffff;
	v19 =	vadd.f32 v20, v19  }
0x2a8: {  	v20 =	vld.idx.msk [tilespmem:v13+s15+$0x0], $0xffff  }
0x2a9: {  	v19 =	vadd.f32 v58, v19  }
0x2aa: {  	v61 =	vld.idx.msk [tilespmem:v14+s15+$0x0], $0xffff  }
0x2ab: {  	v19 =	vadd.f32 v59, v19  }
0x2ac: {  	v62 =	vld.idx.msk [tilespmem:v15+s15+$0x0], $0xffff  }
0x2ad: {  	v19 =	vadd.f32 v20, v19  }
0x2ae: {  	v20 =	vld.idx.msk [tilespmem:v60+s10+$0x0], $0xffff  }
0x2af: {  	v19 =	vadd.f32 v61, v19  }
0x2b0: {  	v63 =	vld.idx.msk [tilespmem:v24+s10+$0x0], $0xffff  }
0x2b1: {  	v19 =	vadd.f32 v62, v19;
	_ =	sdelay $0x1  }
0x2b2: {  	v19 =	vsub.f32 v19, v20;
	_ =	sdelay $0x1  }
0x2b3: {  	v19 =	vsub.f32 v19, v63;
	_ =	sdelay $0x1  }
0x2b4: {  	v19 =	vmul.f32 $-5.000000000e-01, v19;
	_ =	sdelay $0x1  }
0x2b5: {  	v19 =	vadd.f32 $0.0e+00, v19;
	_ =	sdelay $0x1  }
0x2b6: {  	v19 =	vmul.f32 $1.442695020e+00, v19;
	_ =	sdelay $0x1  }
0x2b7: {  	(erf) = vpow2.f32 v19;
	_ =	sdelay $0x8  }
0x2b8: {  	v19 =	vpop (erf)  }
0x2b9: {  	v19 =	vadd.f32 $1.000000000e+00, v19;
	_ =	sdelay $0x1  }
0x2ba: {  	(erf) = vrcp.f32 v19;
	_ =	sdelay $0x4  }
0x2bb: {  	p0 =	sne.s32 s16, $0x100  }
.Ltmp4:
0x2bc: {  	_ = 	snop;
	(pc) =	sbr.rel @p0 .LBB2_6-.Ltmp4, $3  }
0x2bd: {  	_ =	sdelay $0x1  }
0x2be: {  	v19 =	vpop (erf)  }
0x2bf: {  	s16 =	sadd.s32 $0x40, s16;
	s3 =	sadd.s32 $0x800, s3;
	[tilespmem:v18+s5+$0x0 ss:$0x1] =	vst.idx.msk $0xffff, v19  }
0x2c0: {  	_ =	swait.ge [sflag:s13], $0x2800  }
0x2c1: {  	[sflag:s13] =	ssyncset.done $0x0  }
0x2c2: {  	s3 =	sadd.s32 $0x4F70, s12;
	p0 =	sgt.u32 s0, $0x51;
	[sflag:s13] =	ssyncadd.s32 $0xFFFFD800  }
0x2c3: {  	[tilespmem:s11], [sflag:$0x4] =	stream.indirect.gather.add.f32 [hbm:s1], $0x80, s3, s18, $0xb8;
	[tilespmem:$0x18C00] =	vst v63  }
0x2c4: {  	s5 =	simm.s32 @!p0 $0x50;
	s3 =	sadd.s32 @!p0 $0x140, s12;
	s12 =	simm.s32 @!p0 $0xEC80  }
0x2c5: {  	[tilespmem:s12], [sflag:$0x2] =	stream.indirect.gather @!p0 [hbm4b:s1+s5], $0x80, s3, s5, $0xb8;
	[tilespmem:$0x18C00] =	vst v63  }
0x2c6: {  	_ =	swait.ge [sflag:s21], $0x2800  }
0x2c7: {  	[sflag:s21] =	ssyncset.done $0x0  }
0x2c8: {  	v16 =	vmov s26;
	v17 =	vmov s28;
	v18 =	vmov s29;
	s12 =	simm.s32 $0x0;
	s3 =	simm.s32 $0x11880;
	[sflag:s21] =	ssyncadd.s32 $0xFFFFD800  }
.LBB2_8:
0x2c9: {  	v19 =	vld [tilespmem:s3+$0xFFFFFC00]  }
0x2ca: {  	v20 =	vld [tilespmem:s3+$0xFFFFFC10];
	_ =	sdelay $0x1  }
0x2cb: {  	v21 =	vld [tilespmem:s3+$0xFFFFFC20];
	_ =	sdelay $0x1  }
0x2cc: {  	v22 =	vld [tilespmem:s3+$0xFFFFFC30]  }
0x2cd: {  	v19 =	vmul.f32 v19, v19;
	v20 =	vmul.f32 v20, v20  }
0x2ce: {  	v23 =	vld [tilespmem:s3+$0xFFFFFC40]  }
0x2cf: {  	v19 =	vadd.f32 v20, v19;
	v20 =	vmul.f32 v21, v21  }
0x2d0: {  	v39 =	vld [tilespmem:s3+$0xFFFFFC50]  }
0x2d1: {  	v19 =	vadd.f32 v20, v19;
	v20 =	vmul.f32 v22, v22  }
0x2d2: {  	v40 =	vld [tilespmem:s3+$0xFFFFFC60]  }
0x2d3: {  	v19 =	vadd.f32 v20, v19;
	v20 =	vmul.f32 v23, v23  }
0x2d4: {  	v41 =	vld [tilespmem:s3+$0xFFFFFC70]  }
0x2d5: {  	v19 =	vadd.f32 v20, v19;
	v20 =	vmul.f32 v39, v39;
	_ =	sdelay $0x1  }
0x2d6: {  	v19 =	vadd.f32 v20, v19;
	v20 =	vmul.f32 v40, v40;
	_ =	sdelay $0x1  }
0x2d7: {  	v19 =	vadd.f32 v20, v19;
	v20 =	vmul.f32 v41, v41;
	_ =	sdelay $0x1  }
0x2d8: {  	v19 =	vadd.f32 v20, v19;
	_ =	sdelay $0x1  }
0x2d9: {  	[tilespmem:$0x13C80] =	vst v19  }
0x2da: {  	v19 =	vld [tilespmem:s3+$0xFFFFFC80]  }
0x2db: {  	v20 =	vld [tilespmem:s3+$0xFFFFFC90];
	_ =	sdelay $0x1  }
0x2dc: {  	v42 =	vld [tilespmem:s3+$0xFFFFFCA0];
	_ =	sdelay $0x1  }
0x2dd: {  	v43 =	vld [tilespmem:s3+$0xFFFFFCB0]  }
0x2de: {  	v19 =	vmul.f32 v19, v19;
	v20 =	vmul.f32 v20, v20  }
0x2df: {  	v44 =	vld [tilespmem:s3+$0xFFFFFCC0]  }
0x2e0: {  	v19 =	vadd.f32 v20, v19;
	v20 =	vmul.f32 v42, v42  }
0x2e1: {  	v45 =	vld [tilespmem:s3+$0xFFFFFCD0]  }
0x2e2: {  	v19 =	vadd.f32 v20, v19;
	v20 =	vmul.f32 v43, v43  }
0x2e3: {  	v46 =	vld [tilespmem:s3+$0xFFFFFCE0]  }
0x2e4: {  	v19 =	vadd.f32 v20, v19;
	v20 =	vmul.f32 v44, v44  }
0x2e5: {  	v47 =	vld [tilespmem:s3+$0xFFFFFCF0]  }
0x2e6: {  	v19 =	vadd.f32 v20, v19;
	v20 =	vmul.f32 v45, v45;
	_ =	sdelay $0x1  }
0x2e7: {  	v19 =	vadd.f32 v20, v19;
	v20 =	vmul.f32 v46, v46;
	_ =	sdelay $0x1  }
0x2e8: {  	v19 =	vadd.f32 v20, v19;
	v20 =	vmul.f32 v47, v47;
	_ =	sdelay $0x1  }
0x2e9: {  	v19 =	vadd.f32 v20, v19;
	_ =	sdelay $0x1  }
0x2ea: {  	[tilespmem:$0x13C90] =	vst v19  }
0x2eb: {  	v19 =	vld [tilespmem:s3+$0xFFFFFD00]  }
0x2ec: {  	v20 =	vld [tilespmem:s3+$0xFFFFFD10];
	_ =	sdelay $0x1  }
0x2ed: {  	v48 =	vld [tilespmem:s3+$0xFFFFFD20];
	_ =	sdelay $0x1  }
0x2ee: {  	v49 =	vld [tilespmem:s3+$0xFFFFFD30]  }
0x2ef: {  	v19 =	vmul.f32 v19, v19;
	v20 =	vmul.f32 v20, v20  }
0x2f0: {  	v50 =	vld [tilespmem:s3+$0xFFFFFD40]  }
0x2f1: {  	v19 =	vadd.f32 v20, v19;
	v20 =	vmul.f32 v48, v48  }
0x2f2: {  	v51 =	vld [tilespmem:s3+$0xFFFFFD50]  }
0x2f3: {  	v19 =	vadd.f32 v20, v19;
	v20 =	vmul.f32 v49, v49  }
0x2f4: {  	v52 =	vld [tilespmem:s3+$0xFFFFFD60]  }
0x2f5: {  	v19 =	vadd.f32 v20, v19;
	v20 =	vmul.f32 v50, v50  }
0x2f6: {  	v53 =	vld [tilespmem:s3+$0xFFFFFD70]  }
0x2f7: {  	v19 =	vadd.f32 v20, v19;
	v20 =	vmul.f32 v51, v51;
	_ =	sdelay $0x1  }
0x2f8: {  	v19 =	vadd.f32 v20, v19;
	v20 =	vmul.f32 v52, v52;
	_ =	sdelay $0x1  }
0x2f9: {  	v19 =	vadd.f32 v20, v19;
	v20 =	vmul.f32 v53, v53;
	_ =	sdelay $0x1  }
0x2fa: {  	v19 =	vadd.f32 v20, v19;
	_ =	sdelay $0x1  }
0x2fb: {  	[tilespmem:$0x13CA0] =	vst v19  }
0x2fc: {  	v19 =	vld [tilespmem:s3+$0xFFFFFD80]  }
0x2fd: {  	v20 =	vld [tilespmem:s3+$0xFFFFFD90];
	_ =	sdelay $0x1  }
0x2fe: {  	v54 =	vld [tilespmem:s3+$0xFFFFFDA0];
	_ =	sdelay $0x1  }
0x2ff: {  	v55 =	vld [tilespmem:s3+$0xFFFFFDB0]  }
0x300: {  	v19 =	vmul.f32 v19, v19;
	v20 =	vmul.f32 v20, v20  }
0x301: {  	v56 =	vld [tilespmem:s3+$0xFFFFFDC0]  }
0x302: {  	v19 =	vadd.f32 v20, v19;
	v20 =	vmul.f32 v54, v54  }
0x303: {  	v57 =	vld [tilespmem:s3+$0xFFFFFDD0]  }
0x304: {  	v19 =	vadd.f32 v20, v19;
	v20 =	vmul.f32 v55, v55  }
0x305: {  	v58 =	vld [tilespmem:s3+$0xFFFFFDE0]  }
0x306: {  	v19 =	vadd.f32 v20, v19;
	v20 =	vmul.f32 v56, v56  }
0x307: {  	v59 =	vld [tilespmem:s3+$0xFFFFFDF0]  }
0x308: {  	v19 =	vadd.f32 v20, v19;
	v20 =	vmul.f32 v57, v57;
	_ =	sdelay $0x1  }
0x309: {  	v19 =	vadd.f32 v20, v19;
	v20 =	vmul.f32 v58, v58;
	_ =	sdelay $0x1  }
0x30a: {  	v19 =	vadd.f32 v20, v19;
	v20 =	vmul.f32 v59, v59;
	_ =	sdelay $0x1  }
0x30b: {  	v19 =	vadd.f32 v20, v19;
	_ =	sdelay $0x1  }
0x30c: {  	[tilespmem:$0x13CB0] =	vst v19  }
0x30d: {  	v19 =	vld [tilespmem:s3+$0xFFFFFE00]  }
0x30e: {  	v20 =	vld [tilespmem:s3+$0xFFFFFE10];
	_ =	sdelay $0x1  }
0x30f: {  	v60 =	vld [tilespmem:s3+$0xFFFFFE20];
	_ =	sdelay $0x1  }
0x310: {  	v61 =	vld [tilespmem:s3+$0xFFFFFE30]  }
0x311: {  	v19 =	vmul.f32 v19, v19;
	v20 =	vmul.f32 v20, v20  }
0x312: {  	v62 =	vld [tilespmem:s3+$0xFFFFFE40]  }
0x313: {  	v19 =	vadd.f32 v20, v19;
	v20 =	vmul.f32 v60, v60  }
0x314: {  	v63 =	vld [tilespmem:s3+$0xFFFFFE50]  }
0x315: {  	v19 =	vadd.f32 v20, v19;
	v20 =	vmul.f32 v61, v61  }
0x316: {  	v24 =	vld [tilespmem:s3+$0xFFFFFE60]  }
0x317: {  	v19 =	vadd.f32 v20, v19;
	v20 =	vmul.f32 v62, v62  }
0x318: {  	v25 =	vld [tilespmem:s3+$0xFFFFFE70]  }
0x319: {  	v19 =	vadd.f32 v20, v19;
	v20 =	vmul.f32 v63, v63;
	_ =	sdelay $0x1  }
0x31a: {  	v19 =	vadd.f32 v20, v19;
	v20 =	vmul.f32 v24, v24;
	_ =	sdelay $0x1  }
0x31b: {  	v19 =	vadd.f32 v20, v19;
	v20 =	vmul.f32 v25, v25;
	_ =	sdelay $0x1  }
0x31c: {  	v19 =	vadd.f32 v20, v19;
	_ =	sdelay $0x1  }
0x31d: {  	[tilespmem:$0x13CC0] =	vst v19  }
0x31e: {  	v19 =	vld [tilespmem:s3+$0xFFFFFE80]  }
0x31f: {  	v20 =	vld [tilespmem:s3+$0xFFFFFE90];
	_ =	sdelay $0x1  }
0x320: {  	v26 =	vld [tilespmem:s3+$0xFFFFFEA0];
	_ =	sdelay $0x1  }
0x321: {  	v27 =	vld [tilespmem:s3+$0xFFFFFEB0]  }
0x322: {  	v19 =	vmul.f32 v19, v19;
	v20 =	vmul.f32 v20, v20  }
0x323: {  	v28 =	vld [tilespmem:s3+$0xFFFFFEC0]  }
0x324: {  	v19 =	vadd.f32 v20, v19;
	v20 =	vmul.f32 v26, v26  }
0x325: {  	v29 =	vld [tilespmem:s3+$0xFFFFFED0]  }
0x326: {  	v19 =	vadd.f32 v20, v19;
	v20 =	vmul.f32 v27, v27  }
0x327: {  	v30 =	vld [tilespmem:s3+$0xFFFFFEE0]  }
0x328: {  	v19 =	vadd.f32 v20, v19;
	v20 =	vmul.f32 v28, v28  }
0x329: {  	v31 =	vld [tilespmem:s3+$0xFFFFFEF0]  }
0x32a: {  	v19 =	vadd.f32 v20, v19;
	v20 =	vmul.f32 v29, v29;
	_ =	sdelay $0x1  }
0x32b: {  	v19 =	vadd.f32 v20, v19;
	v20 =	vmul.f32 v30, v30;
	_ =	sdelay $0x1  }
0x32c: {  	v19 =	vadd.f32 v20, v19;
	v20 =	vmul.f32 v31, v31;
	_ =	sdelay $0x1  }
0x32d: {  	v19 =	vadd.f32 v20, v19;
	_ =	sdelay $0x1  }
0x32e: {  	[tilespmem:$0x13CD0] =	vst v19  }
0x32f: {  	v19 =	vld [tilespmem:s3+$0xFFFFFF00]  }
0x330: {  	v20 =	vld [tilespmem:s3+$0xFFFFFF10];
	_ =	sdelay $0x1  }
0x331: {  	v32 =	vld [tilespmem:s3+$0xFFFFFF20];
	_ =	sdelay $0x1  }
0x332: {  	v33 =	vld [tilespmem:s3+$0xFFFFFF30]  }
0x333: {  	v19 =	vmul.f32 v19, v19;
	v20 =	vmul.f32 v20, v20  }
0x334: {  	v34 =	vld [tilespmem:s3+$0xFFFFFF40]  }
0x335: {  	v19 =	vadd.f32 v20, v19;
	v20 =	vmul.f32 v32, v32  }
0x336: {  	v35 =	vld [tilespmem:s3+$0xFFFFFF50]  }
0x337: {  	v19 =	vadd.f32 v20, v19;
	v20 =	vmul.f32 v33, v33  }
0x338: {  	v36 =	vld [tilespmem:s3+$0xFFFFFF60]  }
0x339: {  	v19 =	vadd.f32 v20, v19;
	v20 =	vmul.f32 v34, v34  }
0x33a: {  	v37 =	vld [tilespmem:s3+$0xFFFFFF70]  }
0x33b: {  	v19 =	vadd.f32 v20, v19;
	v20 =	vmul.f32 v35, v35;
	_ =	sdelay $0x1  }
0x33c: {  	v19 =	vadd.f32 v20, v19;
	v20 =	vmul.f32 v36, v36;
	_ =	sdelay $0x1  }
0x33d: {  	v19 =	vadd.f32 v20, v19;
	v20 =	vmul.f32 v37, v37;
	_ =	sdelay $0x1  }
0x33e: {  	v19 =	vadd.f32 v20, v19;
	_ =	sdelay $0x1  }
0x33f: {  	[tilespmem:$0x13CE0] =	vst v19  }
0x340: {  	v19 =	vld [tilespmem:s3+$0xFFFFFF80]  }
0x341: {  	v20 =	vld [tilespmem:s3+$0xFFFFFF90];
	_ =	sdelay $0x1  }
0x342: {  	v38 =	vld [tilespmem:s3+$0xFFFFFFA0];
	_ =	sdelay $0x1  }
0x343: {  	v39 =	vld [tilespmem:s3+$0xFFFFFFB0]  }
0x344: {  	v19 =	vmul.f32 v19, v19;
	v20 =	vmul.f32 v20, v20  }
0x345: {  	v40 =	vld [tilespmem:s3+$0xFFFFFFC0]  }
0x346: {  	v19 =	vadd.f32 v20, v19;
	v20 =	vmul.f32 v38, v38  }
0x347: {  	v41 =	vld [tilespmem:s3+$0xFFFFFFD0]  }
0x348: {  	v19 =	vadd.f32 v20, v19;
	v20 =	vmul.f32 v39, v39  }
0x349: {  	v42 =	vld [tilespmem:s3+$0xFFFFFFE0]  }
0x34a: {  	v19 =	vadd.f32 v20, v19;
	v20 =	vmul.f32 v40, v40  }
0x34b: {  	v43 =	vld [tilespmem:s3+$0xFFFFFFF0]  }
0x34c: {  	v19 =	vadd.f32 v20, v19;
	v20 =	vmul.f32 v41, v41;
	_ =	sdelay $0x1  }
0x34d: {  	v19 =	vadd.f32 v20, v19;
	v20 =	vmul.f32 v42, v42;
	_ =	sdelay $0x1  }
0x34e: {  	v19 =	vadd.f32 v20, v19;
	v20 =	vmul.f32 v43, v43;
	_ =	sdelay $0x1  }
0x34f: {  	v19 =	vadd.f32 v20, v19;
	_ =	sdelay $0x1  }
0x350: {  	[tilespmem:$0x13CF0] =	vst v19  }
0x351: {  	v19 =	vld [tilespmem:s3+$0x0]  }
0x352: {  	v20 =	vld [tilespmem:s3+$0x10];
	_ =	sdelay $0x1  }
0x353: {  	v44 =	vld [tilespmem:s3+$0x20];
	_ =	sdelay $0x1  }
0x354: {  	v45 =	vld [tilespmem:s3+$0x30]  }
0x355: {  	v19 =	vmul.f32 v19, v19;
	v20 =	vmul.f32 v20, v20  }
0x356: {  	v46 =	vld [tilespmem:s3+$0x40]  }
0x357: {  	v19 =	vadd.f32 v20, v19;
	v20 =	vmul.f32 v44, v44  }
0x358: {  	v47 =	vld [tilespmem:s3+$0x50]  }
0x359: {  	v19 =	vadd.f32 v20, v19;
	v20 =	vmul.f32 v45, v45  }
0x35a: {  	v48 =	vld [tilespmem:s3+$0x60]  }
0x35b: {  	v19 =	vadd.f32 v20, v19;
	v20 =	vmul.f32 v46, v46  }
0x35c: {  	v49 =	vld [tilespmem:s3+$0x70]  }
0x35d: {  	v19 =	vadd.f32 v20, v19;
	v20 =	vmul.f32 v47, v47;
	_ =	sdelay $0x1  }
0x35e: {  	v19 =	vadd.f32 v20, v19;
	v20 =	vmul.f32 v48, v48;
	_ =	sdelay $0x1  }
0x35f: {  	v19 =	vadd.f32 v20, v19;
	v20 =	vmul.f32 v49, v49;
	_ =	sdelay $0x1  }
0x360: {  	v19 =	vadd.f32 v20, v19;
	_ =	sdelay $0x1  }
0x361: {  	[tilespmem:$0x13D00] =	vst v19  }
0x362: {  	v19 =	vld [tilespmem:s3+$0x80]  }
0x363: {  	v20 =	vld [tilespmem:s3+$0x90];
	_ =	sdelay $0x1  }
0x364: {  	v50 =	vld [tilespmem:s3+$0xA0];
	_ =	sdelay $0x1  }
0x365: {  	v51 =	vld [tilespmem:s3+$0xB0]  }
0x366: {  	v19 =	vmul.f32 v19, v19;
	v20 =	vmul.f32 v20, v20  }
0x367: {  	v52 =	vld [tilespmem:s3+$0xC0]  }
0x368: {  	v19 =	vadd.f32 v20, v19;
	v20 =	vmul.f32 v50, v50  }
0x369: {  	v53 =	vld [tilespmem:s3+$0xD0]  }
0x36a: {  	v19 =	vadd.f32 v20, v19;
	v20 =	vmul.f32 v51, v51  }
0x36b: {  	v54 =	vld [tilespmem:s3+$0xE0]  }
0x36c: {  	v19 =	vadd.f32 v20, v19;
	v20 =	vmul.f32 v52, v52  }
0x36d: {  	v55 =	vld [tilespmem:s3+$0xF0]  }
0x36e: {  	v19 =	vadd.f32 v20, v19;
	v20 =	vmul.f32 v53, v53;
	_ =	sdelay $0x1  }
0x36f: {  	v19 =	vadd.f32 v20, v19;
	v20 =	vmul.f32 v54, v54;
	_ =	sdelay $0x1  }
0x370: {  	v19 =	vadd.f32 v20, v19;
	v20 =	vmul.f32 v55, v55;
	_ =	sdelay $0x1  }
0x371: {  	v19 =	vadd.f32 v20, v19;
	_ =	sdelay $0x1  }
0x372: {  	[tilespmem:$0x13D10] =	vst v19  }
0x373: {  	v19 =	vld [tilespmem:s3+$0x100]  }
0x374: {  	v20 =	vld [tilespmem:s3+$0x110];
	_ =	sdelay $0x1  }
0x375: {  	v56 =	vld [tilespmem:s3+$0x120];
	_ =	sdelay $0x1  }
0x376: {  	v57 =	vld [tilespmem:s3+$0x130]  }
0x377: {  	v19 =	vmul.f32 v19, v19;
	v20 =	vmul.f32 v20, v20  }
0x378: {  	v58 =	vld [tilespmem:s3+$0x140]  }
0x379: {  	v19 =	vadd.f32 v20, v19;
	v20 =	vmul.f32 v56, v56  }
0x37a: {  	v59 =	vld [tilespmem:s3+$0x150]  }
0x37b: {  	v19 =	vadd.f32 v20, v19;
	v20 =	vmul.f32 v57, v57  }
0x37c: {  	v60 =	vld [tilespmem:s3+$0x160]  }
0x37d: {  	v19 =	vadd.f32 v20, v19;
	v20 =	vmul.f32 v58, v58  }
0x37e: {  	v61 =	vld [tilespmem:s3+$0x170]  }
0x37f: {  	v19 =	vadd.f32 v20, v19;
	v20 =	vmul.f32 v59, v59;
	_ =	sdelay $0x1  }
0x380: {  	v19 =	vadd.f32 v20, v19;
	v20 =	vmul.f32 v60, v60;
	_ =	sdelay $0x1  }
0x381: {  	v19 =	vadd.f32 v20, v19;
	v20 =	vmul.f32 v61, v61;
	_ =	sdelay $0x1  }
0x382: {  	v19 =	vadd.f32 v20, v19;
	_ =	sdelay $0x1  }
0x383: {  	[tilespmem:$0x13D20] =	vst v19  }
0x384: {  	v19 =	vld [tilespmem:s3+$0x180]  }
0x385: {  	v20 =	vld [tilespmem:s3+$0x190];
	_ =	sdelay $0x1  }
0x386: {  	v62 =	vld [tilespmem:s3+$0x1A0];
	_ =	sdelay $0x1  }
0x387: {  	v63 =	vld [tilespmem:s3+$0x1B0]  }
0x388: {  	v19 =	vmul.f32 v19, v19;
	v20 =	vmul.f32 v20, v20  }
0x389: {  	v24 =	vld [tilespmem:s3+$0x1C0]  }
0x38a: {  	v19 =	vadd.f32 v20, v19;
	v20 =	vmul.f32 v62, v62  }
0x38b: {  	v25 =	vld [tilespmem:s3+$0x1D0]  }
0x38c: {  	v19 =	vadd.f32 v20, v19;
	v20 =	vmul.f32 v63, v63  }
0x38d: {  	v26 =	vld [tilespmem:s3+$0x1E0]  }
0x38e: {  	v19 =	vadd.f32 v20, v19;
	v20 =	vmul.f32 v24, v24  }
0x38f: {  	v27 =	vld [tilespmem:s3+$0x1F0]  }
0x390: {  	v19 =	vadd.f32 v20, v19;
	v20 =	vmul.f32 v25, v25;
	_ =	sdelay $0x1  }
0x391: {  	v19 =	vadd.f32 v20, v19;
	v20 =	vmul.f32 v26, v26;
	_ =	sdelay $0x1  }
0x392: {  	v19 =	vadd.f32 v20, v19;
	v20 =	vmul.f32 v27, v27;
	_ =	sdelay $0x1  }
0x393: {  	v19 =	vadd.f32 v20, v19;
	_ =	sdelay $0x1  }
0x394: {  	[tilespmem:$0x13D30] =	vst v19  }
0x395: {  	v19 =	vld [tilespmem:s3+$0x200]  }
0x396: {  	v20 =	vld [tilespmem:s3+$0x210];
	_ =	sdelay $0x1  }
0x397: {  	v28 =	vld [tilespmem:s3+$0x220];
	_ =	sdelay $0x1  }
0x398: {  	v29 =	vld [tilespmem:s3+$0x230]  }
0x399: {  	v19 =	vmul.f32 v19, v19;
	v20 =	vmul.f32 v20, v20  }
0x39a: {  	v30 =	vld [tilespmem:s3+$0x240]  }
0x39b: {  	v19 =	vadd.f32 v20, v19;
	v20 =	vmul.f32 v28, v28  }
0x39c: {  	v31 =	vld [tilespmem:s3+$0x250]  }
0x39d: {  	v19 =	vadd.f32 v20, v19;
	v20 =	vmul.f32 v29, v29  }
0x39e: {  	v32 =	vld [tilespmem:s3+$0x260]  }
0x39f: {  	v19 =	vadd.f32 v20, v19;
	v20 =	vmul.f32 v30, v30  }
0x3a0: {  	v33 =	vld [tilespmem:s3+$0x270]  }
0x3a1: {  	v19 =	vadd.f32 v20, v19;
	v20 =	vmul.f32 v31, v31;
	_ =	sdelay $0x1  }
0x3a2: {  	v19 =	vadd.f32 v20, v19;
	v20 =	vmul.f32 v32, v32;
	_ =	sdelay $0x1  }
0x3a3: {  	v19 =	vadd.f32 v20, v19;
	v20 =	vmul.f32 v33, v33;
	_ =	sdelay $0x1  }
0x3a4: {  	v19 =	vadd.f32 v20, v19;
	_ =	sdelay $0x1  }
0x3a5: {  	[tilespmem:$0x13D40] =	vst v19  }
0x3a6: {  	v19 =	vld [tilespmem:s3+$0x280]  }
0x3a7: {  	v20 =	vld [tilespmem:s3+$0x290];
	_ =	sdelay $0x1  }
0x3a8: {  	v34 =	vld [tilespmem:s3+$0x2A0];
	_ =	sdelay $0x1  }
0x3a9: {  	v35 =	vld [tilespmem:s3+$0x2B0]  }
0x3aa: {  	v19 =	vmul.f32 v19, v19;
	v20 =	vmul.f32 v20, v20  }
0x3ab: {  	v36 =	vld [tilespmem:s3+$0x2C0]  }
0x3ac: {  	v19 =	vadd.f32 v20, v19;
	v20 =	vmul.f32 v34, v34  }
0x3ad: {  	v37 =	vld [tilespmem:s3+$0x2D0]  }
0x3ae: {  	v19 =	vadd.f32 v20, v19;
	v20 =	vmul.f32 v35, v35  }
0x3af: {  	v38 =	vld [tilespmem:s3+$0x2E0]  }
0x3b0: {  	v19 =	vadd.f32 v20, v19;
	v20 =	vmul.f32 v36, v36  }
0x3b1: {  	v39 =	vld [tilespmem:s3+$0x2F0]  }
0x3b2: {  	v19 =	vadd.f32 v20, v19;
	v20 =	vmul.f32 v37, v37;
	_ =	sdelay $0x1  }
0x3b3: {  	v19 =	vadd.f32 v20, v19;
	v20 =	vmul.f32 v38, v38;
	_ =	sdelay $0x1  }
0x3b4: {  	v19 =	vadd.f32 v20, v19;
	v20 =	vmul.f32 v39, v39;
	_ =	sdelay $0x1  }
0x3b5: {  	v19 =	vadd.f32 v20, v19;
	_ =	sdelay $0x1  }
0x3b6: {  	[tilespmem:$0x13D50] =	vst v19  }
0x3b7: {  	v19 =	vld [tilespmem:s3+$0x300]  }
0x3b8: {  	v20 =	vld [tilespmem:s3+$0x310];
	_ =	sdelay $0x1  }
0x3b9: {  	v40 =	vld [tilespmem:s3+$0x320];
	_ =	sdelay $0x1  }
0x3ba: {  	v41 =	vld [tilespmem:s3+$0x330]  }
0x3bb: {  	v19 =	vmul.f32 v19, v19;
	v20 =	vmul.f32 v20, v20  }
0x3bc: {  	v42 =	vld [tilespmem:s3+$0x340]  }
0x3bd: {  	v19 =	vadd.f32 v20, v19;
	v20 =	vmul.f32 v40, v40  }
0x3be: {  	v43 =	vld [tilespmem:s3+$0x350]  }
0x3bf: {  	v19 =	vadd.f32 v20, v19;
	v20 =	vmul.f32 v41, v41  }
0x3c0: {  	v44 =	vld [tilespmem:s3+$0x360]  }
0x3c1: {  	v19 =	vadd.f32 v20, v19;
	v20 =	vmul.f32 v42, v42  }
0x3c2: {  	v45 =	vld [tilespmem:s3+$0x370]  }
0x3c3: {  	v19 =	vadd.f32 v20, v19;
	v20 =	vmul.f32 v43, v43;
	_ =	sdelay $0x1  }
0x3c4: {  	v19 =	vadd.f32 v20, v19;
	v20 =	vmul.f32 v44, v44;
	_ =	sdelay $0x1  }
0x3c5: {  	v19 =	vadd.f32 v20, v19;
	v20 =	vmul.f32 v45, v45;
	_ =	sdelay $0x1  }
0x3c6: {  	v19 =	vadd.f32 v20, v19;
	_ =	sdelay $0x1  }
0x3c7: {  	[tilespmem:$0x13D60] =	vst v19  }
0x3c8: {  	v19 =	vld [tilespmem:s3+$0x380]  }
0x3c9: {  	v20 =	vld [tilespmem:s3+$0x390];
	_ =	sdelay $0x1  }
0x3ca: {  	v46 =	vld [tilespmem:s3+$0x3A0];
	_ =	sdelay $0x1  }
0x3cb: {  	v47 =	vld [tilespmem:s3+$0x3B0]  }
0x3cc: {  	v19 =	vmul.f32 v19, v19;
	v20 =	vmul.f32 v20, v20  }
0x3cd: {  	v48 =	vld [tilespmem:s3+$0x3C0]  }
0x3ce: {  	v19 =	vadd.f32 v20, v19;
	v20 =	vmul.f32 v46, v46  }
0x3cf: {  	v49 =	vld [tilespmem:s3+$0x3D0]  }
0x3d0: {  	v19 =	vadd.f32 v20, v19;
	v20 =	vmul.f32 v47, v47  }
0x3d1: {  	v50 =	vld [tilespmem:s3+$0x3E0]  }
0x3d2: {  	v19 =	vadd.f32 v20, v19;
	v20 =	vmul.f32 v48, v48  }
0x3d3: {  	v51 =	vld [tilespmem:s3+$0x3F0]  }
0x3d4: {  	v19 =	vadd.f32 v20, v19;
	v20 =	vmul.f32 v49, v49;
	_ =	sdelay $0x1  }
0x3d5: {  	v19 =	vadd.f32 v20, v19;
	v20 =	vmul.f32 v50, v50;
	_ =	sdelay $0x1  }
0x3d6: {  	v19 =	vadd.f32 v20, v19;
	v20 =	vmul.f32 v51, v51;
	_ =	sdelay $0x1  }
0x3d7: {  	v19 =	vadd.f32 v20, v19;
	_ =	sdelay $0x1  }
0x3d8: {  	[tilespmem:$0x13D70] =	vst v19  }
0x3d9: {  	v19 =	vld.idx.msk [tilespmem:v0+s15+$0x0], $0xffff  }
0x3da: {  	v20 =	vld.idx.msk [tilespmem:v1+s15+$0x0], $0xffff;
	_ =	sdelay $0x1  }
0x3db: {  	v52 =	vld.idx.msk [tilespmem:v2+s15+$0x0], $0xffff;
	_ =	sdelay $0x1  }
0x3dc: {  	v53 =	vld.idx.msk [tilespmem:v3+s15+$0x0], $0xffff  }
0x3dd: {  	v19 =	vadd.f32 v20, v19  }
0x3de: {  	v20 =	vld.idx.msk [tilespmem:v4+s15+$0x0], $0xffff  }
0x3df: {  	v19 =	vadd.f32 v52, v19  }
0x3e0: {  	v54 =	vld.idx.msk [tilespmem:v5+s15+$0x0], $0xffff  }
0x3e1: {  	v19 =	vadd.f32 v53, v19  }
0x3e2: {  	v55 =	vld.idx.msk [tilespmem:v6+s15+$0x0], $0xffff  }
0x3e3: {  	v19 =	vadd.f32 v20, v19  }
0x3e4: {  	v20 =	vld.idx.msk [tilespmem:v7+s15+$0x0], $0xffff  }
0x3e5: {  	v19 =	vadd.f32 v54, v19  }
0x3e6: {  	v56 =	vld.idx.msk [tilespmem:v8+s15+$0x0], $0xffff  }
0x3e7: {  	v19 =	vadd.f32 v55, v19  }
0x3e8: {  	v57 =	vld.idx.msk [tilespmem:v9+s15+$0x0], $0xffff  }
0x3e9: {  	v19 =	vadd.f32 v20, v19  }
0x3ea: {  	v20 =	vld.idx.msk [tilespmem:v10+s15+$0x0], $0xffff  }
0x3eb: {  	v19 =	vadd.f32 v56, v19  }
0x3ec: {  	v58 =	vld.idx.msk [tilespmem:v11+s15+$0x0], $0xffff  }
0x3ed: {  	s5 =	sshra.s32 s12, $0x2;
	v59 =	vld.idx.msk [tilespmem:v12+s15+$0x0], $0xffff;
	v19 =	vadd.f32 v57, v19  }
0x3ee: {  	v60 =	vld.idx.msk [tilespmem:v16+s5+$0x0 ss:$0x1], $0xffff  }
0x3ef: {  	v24 =	vld.idx.msk [tilespmem:v17+s5+$0x0 ss:$0x1], $0xffff;
	v19 =	vadd.f32 v20, v19  }
0x3f0: {  	v20 =	vld.idx.msk [tilespmem:v13+s15+$0x0], $0xffff  }
0x3f1: {  	v19 =	vadd.f32 v58, v19  }
0x3f2: {  	v61 =	vld.idx.msk [tilespmem:v14+s15+$0x0], $0xffff  }
0x3f3: {  	v19 =	vadd.f32 v59, v19  }
0x3f4: {  	v62 =	vld.idx.msk [tilespmem:v15+s15+$0x0], $0xffff  }
0x3f5: {  	v19 =	vadd.f32 v20, v19  }
0x3f6: {  	v20 =	vld.idx.msk [tilespmem:v60+s10+$0x0], $0xffff  }
0x3f7: {  	v19 =	vadd.f32 v61, v19  }
0x3f8: {  	v63 =	vld.idx.msk [tilespmem:v24+s10+$0x0], $0xffff  }
0x3f9: {  	v19 =	vadd.f32 v62, v19;
	_ =	sdelay $0x1  }
0x3fa: {  	v19 =	vsub.f32 v19, v20;
	_ =	sdelay $0x1  }
0x3fb: {  	v19 =	vsub.f32 v19, v63;
	_ =	sdelay $0x1  }
0x3fc: {  	v19 =	vmul.f32 $-5.000000000e-01, v19;
	_ =	sdelay $0x1  }
0x3fd: {  	v19 =	vadd.f32 $0.0e+00, v19;
	_ =	sdelay $0x1  }
0x3fe: {  	v19 =	vmul.f32 $1.442695020e+00, v19;
	_ =	sdelay $0x1  }
0x3ff: {  	(erf) = vpow2.f32 v19;
	_ =	sdelay $0x8  }
0x400: {  	v19 =	vpop (erf)  }
0x401: {  	v19 =	vadd.f32 $1.000000000e+00, v19;
	_ =	sdelay $0x1  }
0x402: {  	(erf) = vrcp.f32 v19;
	_ =	sdelay $0x4  }
0x403: {  	p0 =	sne.s32 s12, $0x100  }
.Ltmp5:
0x404: {  	_ = 	snop;
	(pc) =	sbr.rel @p0 .LBB2_8-.Ltmp5, $3  }
0x405: {  	_ =	sdelay $0x1  }
0x406: {  	v19 =	vpop (erf)  }
0x407: {  	s12 =	sadd.s32 $0x40, s12;
	s3 =	sadd.s32 $0x800, s3;
	[tilespmem:v18+s5+$0x0 ss:$0x1] =	vst.idx.msk $0xffff, v19  }
0x408: {  	s0 =	sadd.s32 $0x1, s0  }
0x409: {  	p0 =	sne.s32 s0, $0x54  }
.Ltmp6:
0x40a: {  	_ = 	snop;
	(pc) =	sbr.rel @p0 .LBB2_2-.Ltmp6, $4  }
.Ltmp7:
0x40b: {  	_ = 	snop;
	(pc) =	sbr.rel @!p0 .LBB2_10-.Ltmp7, $4  }
0x40c: {  	s2 =	sadd.s32 $0xF0, s2;
	s23 =	sadd.s32 $0xF0, s23;
	s31 =	sadd.s32 $0xF0, s31  }
0x40d: {  	s30 =	sadd.s32 $0xF0, s30;
	s24 =	sadd.s32 $0xF0, s24;
	s25 =	sadd.s32 $0xF0, s25  }
0x40e: {  	s26 =	sadd.s32 $0xF0, s26;
	s28 =	sadd.s32 $0xF0, s28;
	s29 =	sadd.s32 $0xF0, s29  }
0x40f: {  	_ = 	snop  }
.LBB2_11:
0x410: {  	_ =	sfence.sel $0x180000  }
0x411: {  	[bflag:$0x0] =	sbarrier.arrive $0xFFFF  }
0x412: {  	_ =	strace $0x90000047  }
0x413: {  	s0 =	stileid.u32;
	[bflag:$0x2] =	sbarrier.arrive $0xFFFF  }
0x414: {  	p0 =	sne.s32 s0, $0x0;
	s0 =	rddreg [dreg:$0x3]  }
0x415: {  	s0 =	sadd.s32 @!p0 $0x100000, s0  }
0x416: {  	[sflag:s0] =	ssyncadd.tile.s32 @!p0 $0x1;
	_ =	shalt  }
.Lfunc_end2:
_tile_overlayer_lowered:
.L_overlay_start_2:
0x417: {  	(tag) =	ssettag $0x2  }
0x418: {  	s0 =	rddreg [dreg:$0x0];
	s2 =	stileid.u32  }
0x419: {  	s1 =	rddreg [dreg:$0x1];
	p0 =	sne.s32 s2, $0x0  }
0x41a: {  	s3 =	rddreg [dreg:$0x2];
	[bflag:$0x3] =	sbarrier.arrive $0xFFFF;
	s2 =	simm.s32 @!p0 $0x1C07  }
0x41b: {  	[timem:s3], [sflag:s2] =	dma.local @!p0 [hbm:s0], s1  }
0x41c: {  	s0 =	simm.s32 @!p0 $0x7  }
0x41d: {  	_ =	swait.ge @!p0 [sflag:s0], s1  }
0x41e: {  	s1 =	ssub.s32 @!p0 $0x0, s1;
	[sflag:s0] =	ssyncset.done @!p0 $0x0  }
0x41f: {  	[sflag:s0] =	ssyncadd.s32 @!p0 s1  }
0x420: {  	[bflag:$0x3] =	sbarrier.arrive $0xFFFF  }
0x421: {  	_ =	shalt  }

</sc_bundles>
